<compile_context>
chip_gen: v7x
topology: tpu7x:2x2x1
jax: 0.10.2.dev20260603
libtpu: 0.0.44.dev20260713+nightly
codegen_flags: <defaults>
</compile_context>

<pallas_src>
import jax
import jax.numpy as jnp
from jax import lax
from jax.experimental import pallas as pl
from jax.experimental.pallas import tpu as pltpu
from jax.experimental.pallas import tpu_sc as plsc

_B = 4096
_L = 200
_G = 5
_D = 64
_NC = 2
_NS = 16
_NW = _NC * _NS
_BPW = _B // _NW


_NACC = 2


def _sc_body(idxt_hbm, itab_hbm, gtab_hbm, uorder_hbm,
             h_out, h2_out, g_out,
             hidx_v, hacc1_v, hacc2_v, gidx_v, gacc_v,
             gsem, hsem1, hsem2):
    del uorder_hbm
    wid = lax.axis_index("s") * _NC + lax.axis_index("c")
    base = wid * _BPW
    haccs = (hacc1_v, hacc2_v)
    hsems = (hsem1, hsem2)
    houts = (h_out, h2_out)
    seg = _L // _NACC

    pltpu.sync_copy(idxt_hbm.at[pl.ds(0, _L), pl.ds(base, _BPW)], hidx_v)
    pltpu.sync_copy(idxt_hbm.at[pl.ds(_L, _G), pl.ds(base, _BPW)], gidx_v)

    gcp = pltpu.async_copy(gtab_hbm.at[gidx_v.at[0]], gacc_v, gsem)
    hcps = [pltpu.async_copy(itab_hbm.at[hidx_v.at[a * seg]], haccs[a],
                             hsems[a]) for a in range(_NACC)]

    gcp.wait()
    for g in range(1, _G):
        pltpu.async_copy(gtab_hbm.at[gidx_v.at[g]], gacc_v, gsem, add=True)

    for cp in hcps:
        cp.wait()

    def hfire(l, carry):
        for a in range(_NACC):
            pltpu.async_copy(itab_hbm.at[hidx_v.at[l + a * seg]],
                             haccs[a], hsems[a], add=True)
        return carry

    lax.fori_loop(1, seg, hfire, 0)

    for g in range(1, _G):
        pltpu.make_async_copy(gtab_hbm.at[gidx_v.at[0]], gacc_v, gsem).wait()
    pltpu.sync_copy(gacc_v, g_out.at[pl.ds(base, _BPW)])

    def hdrain(l, carry):
        for a in range(_NACC):
            pltpu.make_async_copy(itab_hbm.at[hidx_v.at[0]], haccs[a],
                                  hsems[a]).wait()
        return carry

    lax.fori_loop(1, seg, hdrain, 0)
    for a in range(_NACC):
        pltpu.sync_copy(haccs[a], houts[a].at[pl.ds(base, _BPW)])


def _sc_user_body(uid_hbm, utab_t_hbm, u_out, uidx_v, tbuf_v, ucol_v,
                  sem0, sem1, sem2, sem3):
    wid = lax.axis_index("s") * _NC + lax.axis_index("c")
    base = wid * _BPW

    pltpu.sync_copy(uid_hbm.at[pl.ds(base, _BPW)], uidx_v)

    iota16 = lax.iota(jnp.int32, 16)
    nbuf = 4
    sems = (sem0, sem1, sem2, sem3)

    def fire(uid, slot):
        col0 = (uid // 128) * 128
        pltpu.async_copy(utab_t_hbm.at[:, pl.ds(col0, 128)],
                         tbuf_v.at[pl.ds(slot * _D, _D), :], sems[slot])

    def wait(slot):
        pltpu.make_async_copy(
            utab_t_hbm.at[:, pl.ds(0, 128)],
            tbuf_v.at[pl.ds(slot * _D, _D), :], sems[slot]).wait()

    def extract(uid, slot, j):
        lane = uid - (uid // 128) * 128
        for r0 in range(0, _D, 16):
            rows = iota16 + (slot * _D + r0)
            vals = plsc.load_gather(
                tbuf_v, [rows, jnp.broadcast_to(lane, (16,))])
            plsc.store_scatter(
                ucol_v, [iota16 + r0, jnp.broadcast_to(j, (16,))], vals)

    def chunk(jc, carry):
        vec = uidx_v[pl.ds(jc * 16, 16)]
        for j in range(nbuf):
            fire(vec[j], j)
        for j in range(16):
            wait(j % nbuf)
            extract(vec[j], j % nbuf, jc * 16 + j)
            if j + nbuf < 16:
                fire(vec[j + nbuf], (j + nbuf) % nbuf)
        return carry

    lax.fori_loop(0, _BPW // 16, chunk, 0)
    pltpu.sync_copy(ucol_v, u_out.at[:, pl.ds(base, _BPW)])


def _sc_user_gather(user_id, user_table_t):
    mesh = plsc.VectorSubcoreMesh(core_axis_name="c", subcore_axis_name="s")
    f = pl.kernel(
        _sc_user_body,
        out_type=jax.ShapeDtypeStruct((_D, _B), jnp.float32),
        mesh=mesh,
        scratch_types=[
            pltpu.VMEM((_BPW,), jnp.int32),
            pltpu.VMEM((4 * _D, 128), jnp.float32),
            pltpu.VMEM((_D, _BPW), jnp.float32),
            pltpu.SemaphoreType.DMA,
            pltpu.SemaphoreType.DMA,
            pltpu.SemaphoreType.DMA,
            pltpu.SemaphoreType.DMA,
        ],
        compiler_params=pltpu.CompilerParams(needs_layout_passes=False),
    )
    return f(user_id, user_table_t)


def _sc_gather(idx_t, item_table, genre_table, u_emb_t):
    mesh = plsc.VectorSubcoreMesh(core_axis_name="c", subcore_axis_name="s")
    f = pl.kernel(
        _sc_body,
        out_type=tuple(jax.ShapeDtypeStruct((_B, _D), jnp.float32)
                       for _ in range(_NACC + 1)),
        mesh=mesh,
        scratch_types=(
            [pltpu.VMEM((_L, _BPW), jnp.int32)]
            + [pltpu.VMEM((_BPW, _D), jnp.float32) for _ in range(_NACC)]
            + [pltpu.VMEM((_G, _BPW), jnp.int32),
               pltpu.VMEM((_BPW, _D), jnp.float32)]
            + [pltpu.SemaphoreType.DMA for _ in range(_NACC + 1)]
        ),
        compiler_params=pltpu.CompilerParams(use_tc_tiling_on_sc=False),
    )
    return f(idx_t, item_table, genre_table, u_emb_t)


_BT = 512


_NIDX = _L + _G + 3


def _prep_body(hist_ref, genre_ref, idxt_ref, hcnt_ref, gcnt_ref):
    hist = hist_ref[...]
    genre = genre_ref[...]
    idxt_ref[...] = jnp.concatenate(
        [hist.T, genre.T, jnp.zeros((3, hist.shape[0]), jnp.int32)], axis=0)
    hcnt_ref[...] = jnp.sum((hist > 0).astype(jnp.float32), axis=1,
                            keepdims=True)
    gcnt_ref[...] = jnp.sum((genre > 0).astype(jnp.float32), axis=1,
                            keepdims=True)


def _tc_prep(history, top_genres, interpret=False):
    grid = (_B // _BT,)
    return pl.pallas_call(
        _prep_body,
        grid=grid,
        in_specs=[
            pl.BlockSpec((_BT, _L), lambda i: (i, 0)),
            pl.BlockSpec((_BT, _G), lambda i: (i, 0)),
        ],
        out_specs=[
            pl.BlockSpec((_NIDX, _BT), lambda i: (0, i)),
            pl.BlockSpec((_BT, 1), lambda i: (i, 0)),
            pl.BlockSpec((_BT, 1), lambda i: (i, 0)),
        ],
        out_shape=[
            jax.ShapeDtypeStruct((_NIDX, _B), jnp.int32),
            jax.ShapeDtypeStruct((_B, 1), jnp.float32),
            jax.ShapeDtypeStruct((_B, 1), jnp.float32),
        ],
        interpret=interpret,
    )(history, top_genres)


def _tc_body(hcnt_ref, gcnt_ref, cf_ref, ut_ref, hs1_ref, hs2_ref,
             gs_ref,
             wc_ref, bc_ref, w1_ref, b1_ref, w2_ref, b2_ref, out_ref):
    hsum = hs1_ref[...] + hs2_ref[...]
    h = hsum / (hcnt_ref[...] + 1e-8)
    g = gs_ref[...] / (gcnt_ref[...] + 1e-8)
    cont = jnp.maximum(
        jnp.dot(cf_ref[...], wc_ref[...], preferred_element_type=jnp.float32)
        + bc_ref[...], 0.0)
    x = jnp.concatenate([ut_ref[...].T, h, g, cont], axis=1)
    h1 = jnp.maximum(
        jnp.dot(x, w1_ref[...], preferred_element_type=jnp.float32)
        + b1_ref[...], 0.0)
    o = jnp.dot(h1, w2_ref[...], preferred_element_type=jnp.float32) + b2_ref[...]
    norm = jnp.sqrt(jnp.sum(o * o, axis=1, keepdims=True))
    out_ref[...] = (o / jnp.maximum(norm, 1e-12)).T


def _tc_mlp(hcnt, gcnt, cf, u_emb_t, h_sums, g_sum,
            W_cont, b_cont, W1, b1, W2, b2, interpret=False):
    grid = (_B // _BT,)
    row = lambda i: (i, 0)
    rep = lambda i: (0, 0)
    return pl.pallas_call(
        _tc_body,
        grid=grid,
        in_specs=[
            pl.BlockSpec((_BT, 1), row),
            pl.BlockSpec((_BT, 1), row),
            pl.BlockSpec((_BT, 2), row),
            pl.BlockSpec((_D, _BT), lambda i: (0, i)),
        ] + [pl.BlockSpec((_BT, _D), row) for _ in range(_NACC)] + [
            pl.BlockSpec((_BT, _D), row),
            pl.BlockSpec((2, _D), rep),
            pl.BlockSpec((1, _D), rep),
            pl.BlockSpec((4 * _D, 128), rep),
            pl.BlockSpec((1, 128), rep),
            pl.BlockSpec((128, _D), rep),
            pl.BlockSpec((1, _D), rep),
        ],
        out_specs=pl.BlockSpec((_D, _BT), lambda i: (0, i)),
        out_shape=jax.ShapeDtypeStruct((_D, _B), jnp.float32),
        interpret=interpret,
    )(hcnt, gcnt, cf, u_emb_t, *h_sums, g_sum,
      W_cont, b_cont.reshape(1, _D), W1, b1.reshape(1, 128),
      W2, b2.reshape(1, _D))


def kernel(user_id, history, top_genres, avg_rating, activity,
           user_table, item_table, genre_table,
           W_cont, b_cont, W1, b1, W2, b2):
    u_emb_t = _sc_user_gather(user_id, user_table.T)
    idx_t, hcnt, gcnt = _tc_prep(history, top_genres)
    *h_sums, g_sum = _sc_gather(idx_t, item_table, genre_table, u_emb_t)
    cf = jnp.stack([avg_rating, activity], axis=1)
    return _tc_mlp(hcnt, gcnt, cf, u_emb_t, h_sums, g_sum,
                   W_cont, b_cont, W1, b1, W2, b2).T

# --- scband reference (transcript-rebuilt; emitter-appended) ---
"""Pipeline reference for scband-user-tower-1571958031036 (READ-ONLY COPY).

The authoritative reference and input builder live on the scoring server;
editing this copy changes nothing except your own understanding.
"""

import jax, jax.numpy as jnp
import numpy as np

B = 4096
L = 200
G = 5
D = 64
USER_V = 1000001
ITEM_V = 100001
GENRE_V = 1001

def setup_inputs(seed: int = 0) -> dict:
    key = jax.random.key(seed)
    ks = jax.random.split(key, 14)
    user_id = jax.random.randint(ks[0], (B,), 0, USER_V, dtype=jnp.int64 if jax.config.jax_enable_x64 else jnp.int32)
    history = jax.random.randint(ks[1], (B, L), 0, ITEM_V, dtype=jnp.int64 if jax.config.jax_enable_x64 else jnp.int32)
    top_genres = jax.random.randint(ks[2], (B, G), 0, GENRE_V, dtype=jnp.int64 if jax.config.jax_enable_x64 else jnp.int32)
    avg_rating = jax.random.uniform(ks[3], (B,), dtype=jnp.float32)
    activity = jax.random.uniform(ks[4], (B,), dtype=jnp.float32)
    user_table = (jax.random.normal(ks[5], (USER_V, D), dtype=jnp.float32) * 0.02).at[0].set(0.0)
    item_table = (jax.random.normal(ks[6], (ITEM_V, D), dtype=jnp.float32) * 0.02).at[0].set(0.0)
    genre_table = (jax.random.normal(ks[7], (GENRE_V, D), dtype=jnp.float32) * 0.02).at[0].set(0.0)
    W_cont = jax.random.normal(ks[8], (2, D), dtype=jnp.float32) * (1.0 / np.sqrt(2.0))
    b_cont = jnp.zeros((D,), dtype=jnp.float32)
    W1 = jax.random.normal(ks[9], (4 * D, 128), dtype=jnp.float32) * (1.0 / np.sqrt(4 * D))
    b1 = jnp.zeros((128,), dtype=jnp.float32)
    W2 = jax.random.normal(ks[10], (128, D), dtype=jnp.float32) * (1.0 / np.sqrt(128.0))
    b2 = jnp.zeros((D,), dtype=jnp.float32)
    return {
        'user_id': user_id, 'history': history, 'top_genres': top_genres,
        'avg_rating': avg_rating, 'activity': activity,
        'user_table': user_table, 'item_table': item_table, 'genre_table': genre_table,
        'W_cont': W_cont, 'b_cont': b_cont, 'W1': W1, 'b1': b1, 'W2': W2, 'b2': b2,
    }


def reference(user_id, history, top_genres, avg_rating, activity,
              user_table, item_table, genre_table,
              W_cont, b_cont, W1, b1, W2, b2):
    u_emb = jnp.take(user_table, user_id, axis=0)  # [B, D]

    hist_emb = jnp.take(item_table, history, axis=0)  # [B, L, D]
    hist_mask = (history > 0).astype(jnp.float32)[..., None]  # [B, L, 1]
    hist_emb = (hist_emb * hist_mask).sum(axis=1) / (hist_mask.sum(axis=1) + 1e-08)  # [B, D]

    genre_emb = jnp.take(genre_table, top_genres, axis=0)  # [B, G, D]
    genre_mask = (top_genres > 0).astype(jnp.float32)[..., None]
    genre_emb = (genre_emb * genre_mask).sum(axis=1) / (genre_mask.sum(axis=1) + 1e-08)

    cont_feats = jnp.stack([avg_rating, activity], axis=1)  # [B, 2]
    cont_emb = jax.nn.relu(cont_feats @ W_cont + b_cont)  # [B, D]

    concat_emb = jnp.concatenate([u_emb, hist_emb, genre_emb, cont_emb], axis=1)  # [B, 4D]
    h = jax.nn.relu(concat_emb @ W1 + b1)
    out = h @ W2 + b2

    norm = jnp.linalg.norm(out, ord=2, axis=1, keepdims=True)
    return out / jnp.maximum(norm, 1e-12)

if __name__ == "__main__":
    import jax
    _d = setup_inputs()
    print(jax.jit(kernel)(*tuple(_d.values())))

</pallas_src>

<mosaic_0001>
#map = affine_map<(d0, d1) -> (0)>
#map1 = affine_map<(d0, d1) -> (0, 0)>
module attributes {stable_mosaic.version = 14 : i64} {
  func.func @_sc_user_body(%arg0: i32, %arg1: i32, %arg2: memref<4096xi32, #tpu.memory_space<hbm>>, %arg3: memref<64x1000001xf32, #tpu.memory_space<hbm>>, %arg4: memref<64x4096xf32, #tpu.memory_space<hbm>>, %arg5: memref<128xi32, #tpu.memory_space<vmem>>, %arg6: memref<256x128xf32, #tpu.memory_space<vmem>>, %arg7: memref<64x128xf32, #tpu.memory_space<vmem>>, %arg8: memref<!tpu.dma_semaphore, #tpu.memory_space<semaphore_mem>>, %arg9: memref<!tpu.dma_semaphore, #tpu.memory_space<semaphore_mem>>, %arg10: memref<!tpu.dma_semaphore, #tpu.memory_space<semaphore_mem>>, %arg11: memref<!tpu.dma_semaphore, #tpu.memory_space<semaphore_mem>>) attributes {dimension_semantics = [#tpu.dimension_semantics<core_parallel>, #tpu.dimension_semantics<subcore_parallel>], iteration_bounds = array<i64: 2, 16>, scalar_prefetch = 0 : i64, scratch_operands = 7 : i64, tpu.core_type = #tpu.core_type<sc_vector_subcore>, window_params = [{transform_indices = #map}, {transform_indices = #map1}, {transform_indices = #map1}]} {
    %mul3A = arith.constant 2 : i32
    %mul3A_0 = arith.muli %arg1, %mul3A : i32
    %add3A = arith.addi %mul3A_0, %arg0 : i32
    %mul3A_1 = arith.constant 128 : i32
    %mul3A_2 = arith.muli %add3A, %mul3A_1 : i32
    "tpu.region"() ({
      %run_scoped3A = tpu.sem_alloc : memref<!tpu.dma_semaphore, #tpu.memory_space<semaphore_mem>>
      %dma_start3A = tpu.memref_slice %arg2[%mul3A_2] : memref<4096xi32, #tpu.memory_space<hbm>> -> memref<128xi32, #tpu.memory_space<hbm>>
      %dma_start3A_8 = tpu.memref_slice %arg2[%mul3A_2] : memref<4096xi32, #tpu.memory_space<hbm>> -> memref<128xi32, #tpu.memory_space<hbm>>
      tpu.enqueue_dma source(%dma_start3A_8 : memref<128xi32, #tpu.memory_space<hbm>>) target(%arg5 : memref<128xi32, #tpu.memory_space<vmem>>) target_semaphore(%run_scoped3A : memref<!tpu.dma_semaphore, #tpu.memory_space<semaphore_mem>>)
      %dma_wait3A = tpu.memref_slice %arg2[%mul3A_2] : memref<4096xi32, #tpu.memory_space<hbm>> -> memref<128xi32, #tpu.memory_space<hbm>>
      %dma_wait3A_9 = tpu.memref_slice %arg2[%mul3A_2] : memref<4096xi32, #tpu.memory_space<hbm>> -> memref<128xi32, #tpu.memory_space<hbm>>
      tpu.wait_dma2 semaphore(%run_scoped3A : memref<!tpu.dma_semaphore, #tpu.memory_space<semaphore_mem>>) src(%dma_wait3A_9 : memref<128xi32, #tpu.memory_space<hbm>>) dst(%arg5 : memref<128xi32, #tpu.memory_space<vmem>>)
      tpu.yield
    }) : () -> ()
    %iota3A = tpu.iota {dimensions = array<i32: 0>} : vector<16xi32>
    %scan3A = arith.constant 0 : i32
    %scan3A_3 = arith.constant 0 : i32
    %scan3A_4 = arith.constant 8 : i32
    %scan3A_5 = arith.addi %scan3A_3, %scan3A_4 : i32
    %scan3A_6 = arith.constant 1 : i32
    scf.for %scan3A_8 = %scan3A_3 to %scan3A_5 step %scan3A_6  : i32 {
      %mul3A_9 = arith.constant 16 : i32
      %mul3A_10 = arith.muli %scan3A_8, %mul3A_9 : i32
      %get3A = arith.index_cast %mul3A_10 : i32 to index
      %get3A_11 = tpu.vector_load %arg5[%get3A] {strides = array<i32>} : memref<128xi32, #tpu.memory_space<vmem>>, vector<16xi32>,
      %slice3A = vector.extract_strided_slice %get3A_11 {offsets = [0], sizes = [1], strides = [1]} : vector<16xi32> to vector<1xi32>
      %squeeze3A = vector.extract %slice3A[0] : i32 from vector<1xi32>
      %jit3A = arith.constant 128 : i32
      %div3A = arith.divsi %squeeze3A, %jit3A : i32
      %sign3A = arith.constant 0 : i32
      %sign3A_12 = arith.cmpi sgt, %squeeze3A, %sign3A : i32
      %sign3A_13 = arith.extui %sign3A_12 : i1 to i32
      %sign3A_14 = arith.constant 0 : i32
      %sign3A_15 = arith.cmpi slt, %squeeze3A, %sign3A_14 : i32
      %sign3A_16 = arith.extui %sign3A_15 : i1 to i32
      %sign3A_17 = arith.subi %sign3A_13, %sign3A_16 : i32
      %sign3A_18 = arith.constant 0 : i32
      %sign3A_19 = arith.cmpi sgt, %jit3A, %sign3A_18 : i32
      %sign3A_20 = arith.extui %sign3A_19 : i1 to i32
      %sign3A_21 = arith.constant 0 : i32
      %sign3A_22 = arith.cmpi slt, %jit3A, %sign3A_21 : i32
      %sign3A_23 = arith.extui %sign3A_22 : i1 to i32
      %sign3A_24 = arith.subi %sign3A_20, %sign3A_23 : i32
      %ne3A = arith.cmpi ne, %sign3A_17, %sign3A_24 : i32
      %rem3A = arith.remsi %squeeze3A, %jit3A : i32
      %ne3A_25 = arith.constant 0 : i32
      %ne3A_26 = arith.cmpi ne, %rem3A, %ne3A_25 : i32
      %and3A = arith.andi %ne3A, %ne3A_26 : i1
      %sub3A = arith.constant 1 : i32
      %sub3A_27 = arith.subi %div3A, %sub3A : i32
      %select_n3A = arith.select %and3A, %sub3A_27, %div3A : i32
      %mul3A_28 = arith.constant 128 : i32
      %mul3A_29 = arith.muli %select_n3A, %mul3A_28 : i32
      %dma_start3A = arith.constant 0 : i32
      %dma_start3A_30 = arith.constant 0 : i32
      %dma_start3A_31 = tpu.memref_slice %arg6[%dma_start3A, %dma_start3A_30] : memref<256x128xf32, #tpu.memory_space<vmem>> -> memref<64x128xf32, #tpu.memory_space<vmem>>
      %dma_start3A_32 = arith.constant 0 : i32
      %dma_start3A_33 = tpu.memref_slice %arg3[%dma_start3A_32, %mul3A_29] : memref<64x1000001xf32, #tpu.memory_space<hbm>> -> memref<64x128xf32, #tpu.memory_space<hbm>>
      %dma_start3A_34 = arith.constant 0 : i32
      %dma_start3A_35 = arith.constant 0 : i32
      %dma_start3A_36 = tpu.memref_slice %arg6[%dma_start3A_34, %dma_start3A_35] : memref<256x128xf32, #tpu.memory_space<vmem>> -> memref<64x128xf32, #tpu.memory_space<vmem>>
      %dma_start3A_37 = arith.constant 0 : i32
      %dma_start3A_38 = tpu.memref_slice %arg3[%dma_start3A_37, %mul3A_29] : memref<64x1000001xf32, #tpu.memory_space<hbm>> -> memref<64x128xf32, #tpu.memory_space<hbm>>
      tpu.enqueue_dma source(%dma_start3A_38 : memref<64x128xf32, #tpu.memory_space<hbm>>) target(%dma_start3A_36 : memref<64x128xf32, #tpu.memory_space<vmem>>) target_semaphore(%arg8 : memref<!tpu.dma_semaphore, #tpu.memory_space<semaphore_mem>>)
      %slice3A_39 = vector.extract_strided_slice %get3A_11 {offsets = [1], sizes = [1], strides = [1]} : vector<16xi32> to vector<1xi32>
      %squeeze3A_40 = vector.extract %slice3A_39[0] : i32 from vector<1xi32>
      %jit3A_41 = arith.constant 128 : i32
      %div3A_42 = arith.divsi %squeeze3A_40, %jit3A_41 : i32
      %sign3A_43 = arith.constant 0 : i32
      %sign3A_44 = arith.cmpi sgt, %squeeze3A_40, %sign3A_43 : i32
      %sign3A_45 = arith.extui %sign3A_44 : i1 to i32
      %sign3A_46 = arith.constant 0 : i32
      %sign3A_47 = arith.cmpi slt, %squeeze3A_40, %sign3A_46 : i32
      %sign3A_48 = arith.extui %sign3A_47 : i1 to i32
      %sign3A_49 = arith.subi %sign3A_45, %sign3A_48 : i32
      %sign3A_50 = arith.constant 0 : i32
      %sign3A_51 = arith.cmpi sgt, %jit3A_41, %sign3A_50 : i32
      %sign3A_52 = arith.extui %sign3A_51 : i1 to i32
      %sign3A_53 = arith.constant 0 : i32
      %sign3A_54 = arith.cmpi slt, %jit3A_41, %sign3A_53 : i32
      %sign3A_55 = arith.extui %sign3A_54 : i1 to i32
      %sign3A_56 = arith.subi %sign3A_52, %sign3A_55 : i32
      %ne3A_57 = arith.cmpi ne, %sign3A_49, %sign3A_56 : i32
      %rem3A_58 = arith.remsi %squeeze3A_40, %jit3A_41 : i32
      %ne3A_59 = arith.constant 0 : i32
      %ne3A_60 = arith.cmpi ne, %rem3A_58, %ne3A_59 : i32
      %and3A_61 = arith.andi %ne3A_57, %ne3A_60 : i1
      %sub3A_62 = arith.constant 1 : i32
      %sub3A_63 = arith.subi %div3A_42, %sub3A_62 : i32
      %select_n3A_64 = arith.select %and3A_61, %sub3A_63, %div3A_42 : i32
      %mul3A_65 = arith.constant 128 : i32
      %mul3A_66 = arith.muli %select_n3A_64, %mul3A_65 : i32
      %dma_start3A_67 = arith.constant 64 : i32
      %dma_start3A_68 = arith.constant 0 : i32
      %dma_start3A_69 = tpu.memref_slice %arg6[%dma_start3A_67, %dma_start3A_68] : memref<256x128xf32, #tpu.memory_space<vmem>> -> memref<64x128xf32, #tpu.memory_space<vmem>>
      %dma_start3A_70 = arith.constant 0 : i32
      %dma_start3A_71 = tpu.memref_slice %arg3[%dma_start3A_70, %mul3A_66] : memref<64x1000001xf32, #tpu.memory_space<hbm>> -> memref<64x128xf32, #tpu.memory_space<hbm>>
      %dma_start3A_72 = arith.constant 64 : i32
      %dma_start3A_73 = arith.constant 0 : i32
      %dma_start3A_74 = tpu.memref_slice %arg6[%dma_start3A_72, %dma_start3A_73] : memref<256x128xf32, #tpu.memory_space<vmem>> -> memref<64x128xf32, #tpu.memory_space<vmem>>
      %dma_start3A_75 = arith.constant 0 : i32
      %dma_start3A_76 = tpu.memref_slice %arg3[%dma_start3A_75, %mul3A_66] : memref<64x1000001xf32, #tpu.memory_space<hbm>> -> memref<64x128xf32, #tpu.memory_space<hbm>>
      tpu.enqueue_dma source(%dma_start3A_76 : memref<64x128xf32, #tpu.memory_space<hbm>>) target(%dma_start3A_74 : memref<64x128xf32, #tpu.memory_space<vmem>>) target_semaphore(%arg9 : memref<!tpu.dma_semaphore, #tpu.memory_space<semaphore_mem>>)
      %slice3A_77 = vector.extract_strided_slice %get3A_11 {offsets = [2], sizes = [1], strides = [1]} : vector<16xi32> to vector<1xi32>
      %squeeze3A_78 = vector.extract %slice3A_77[0] : i32 from vector<1xi32>
      %jit3A_79 = arith.constant 128 : i32
      %div3A_80 = arith.divsi %squeeze3A_78, %jit3A_79 : i32
      %sign3A_81 = arith.constant 0 : i32
      %sign3A_82 = arith.cmpi sgt, %squeeze3A_78, %sign3A_81 : i32
      %sign3A_83 = arith.extui %sign3A_82 : i1 to i32
      %sign3A_84 = arith.constant 0 : i32
      %sign3A_85 = arith.cmpi slt, %squeeze3A_78, %sign3A_84 : i32
      %sign3A_86 = arith.extui %sign3A_85 : i1 to i32
      %sign3A_87 = arith.subi %sign3A_83, %sign3A_86 : i32
      %sign3A_88 = arith.constant 0 : i32
      %sign3A_89 = arith.cmpi sgt, %jit3A_79, %sign3A_88 : i32
      %sign3A_90 = arith.extui %sign3A_89 : i1 to i32
      %sign3A_91 = arith.constant 0 : i32
      %sign3A_92 = arith.cmpi slt, %jit3A_79, %sign3A_91 : i32
      %sign3A_93 = arith.extui %sign3A_92 : i1 to i32
      %sign3A_94 = arith.subi %sign3A_90, %sign3A_93 : i32
      %ne3A_95 = arith.cmpi ne, %sign3A_87, %sign3A_94 : i32
      %rem3A_96 = arith.remsi %squeeze3A_78, %jit3A_79 : i32
      %ne3A_97 = arith.constant 0 : i32
      %ne3A_98 = arith.cmpi ne, %rem3A_96, %ne3A_97 : i32
      %and3A_99 = arith.andi %ne3A_95, %ne3A_98 : i1
      %sub3A_100 = arith.constant 1 : i32
      %sub3A_101 = arith.subi %div3A_80, %sub3A_100 : i32
      %select_n3A_102 = arith.select %and3A_99, %sub3A_101, %div3A_80 : i32
      %mul3A_103 = arith.constant 128 : i32
      %mul3A_104 = arith.muli %select_n3A_102, %mul3A_103 : i32
      %dma_start3A_105 = arith.constant 128 : i32
      %dma_start3A_106 = arith.constant 0 : i32
      %dma_start3A_107 = tpu.memref_slice %arg6[%dma_start3A_105, %dma_start3A_106] : memref<256x128xf32, #tpu.memory_space<vmem>> -> memref<64x128xf32, #tpu.memory_space<vmem>>
      %dma_start3A_108 = arith.constant 0 : i32
      %dma_start3A_109 = tpu.memref_slice %arg3[%dma_start3A_108, %mul3A_104] : memref<64x1000001xf32, #tpu.memory_space<hbm>> -> memref<64x128xf32, #tpu.memory_space<hbm>>
      %dma_start3A_110 = arith.constant 128 : i32
      %dma_start3A_111 = arith.constant 0 : i32
      %dma_start3A_112 = tpu.memref_slice %arg6[%dma_start3A_110, %dma_start3A_111] : memref<256x128xf32, #tpu.memory_space<vmem>> -> memref<64x128xf32, #tpu.memory_space<vmem>>
      %dma_start3A_113 = arith.constant 0 : i32
      %dma_start3A_114 = tpu.memref_slice %arg3[%dma_start3A_113, %mul3A_104] : memref<64x1000001xf32, #tpu.memory_space<hbm>> -> memref<64x128xf32, #tpu.memory_space<hbm>>
      tpu.enqueue_dma source(%dma_start3A_114 : memref<64x128xf32, #tpu.memory_space<hbm>>) target(%dma_start3A_112 : memref<64x128xf32, #tpu.memory_space<vmem>>) target_semaphore(%arg10 : memref<!tpu.dma_semaphore, #tpu.memory_space<semaphore_mem>>)
      %slice3A_115 = vector.extract_strided_slice %get3A_11 {offsets = [3], sizes = [1], strides = [1]} : vector<16xi32> to vector<1xi32>
      %squeeze3A_116 = vector.extract %slice3A_115[0] : i32 from vector<1xi32>
      %jit3A_117 = arith.constant 128 : i32
      %div3A_118 = arith.divsi %squeeze3A_116, %jit3A_117 : i32
      %sign3A_119 = arith.constant 0 : i32
      %sign3A_120 = arith.cmpi sgt, %squeeze3A_116, %sign3A_119 : i32
      %sign3A_121 = arith.extui %sign3A_120 : i1 to i32
      %sign3A_122 = arith.constant 0 : i32
      %sign3A_123 = arith.cmpi slt, %squeeze3A_116, %sign3A_122 : i32
      %sign3A_124 = arith.extui %sign3A_123 : i1 to i32
      %sign3A_125 = arith.subi %sign3A_121, %sign3A_124 : i32
      %sign3A_126 = arith.constant 0 : i32
      %sign3A_127 = arith.cmpi sgt, %jit3A_117, %sign3A_126 : i32
      %sign3A_128 = arith.extui %sign3A_127 : i1 to i32
      %sign3A_129 = arith.constant 0 : i32
      %sign3A_130 = arith.cmpi slt, %jit3A_117, %sign3A_129 : i32
      %sign3A_131 = arith.extui %sign3A_130 : i1 to i32
      %sign3A_132 = arith.subi %sign3A_128, %sign3A_131 : i32
      %ne3A_133 = arith.cmpi ne, %sign3A_125, %sign3A_132 : i32
      %rem3A_134 = arith.remsi %squeeze3A_116, %jit3A_117 : i32
      %ne3A_135 = arith.constant 0 : i32
      %ne3A_136 = arith.cmpi ne, %rem3A_134, %ne3A_135 : i32
      %and3A_137 = arith.andi %ne3A_133, %ne3A_136 : i1
      %sub3A_138 = arith.constant 1 : i32
      %sub3A_139 = arith.subi %div3A_118, %sub3A_138 : i32
      %select_n3A_140 = arith.select %and3A_137, %sub3A_139, %div3A_118 : i32
      %mul3A_141 = arith.constant 128 : i32
      %mul3A_142 = arith.muli %select_n3A_140, %mul3A_141 : i32
      %dma_start3A_143 = arith.constant 192 : i32
      %dma_start3A_144 = arith.constant 0 : i32
      %dma_start3A_145 = tpu.memref_slice %arg6[%dma_start3A_143, %dma_start3A_144] : memref<256x128xf32, #tpu.memory_space<vmem>> -> memref<64x128xf32, #tpu.memory_space<vmem>>
      %dma_start3A_146 = arith.constant 0 : i32
      %dma_start3A_147 = tpu.memref_slice %arg3[%dma_start3A_146, %mul3A_142] : memref<64x1000001xf32, #tpu.memory_space<hbm>> -> memref<64x128xf32, #tpu.memory_space<hbm>>
      %dma_start3A_148 = arith.constant 192 : i32
      %dma_start3A_149 = arith.constant 0 : i32
      %dma_start3A_150 = tpu.memref_slice %arg6[%dma_start3A_148, %dma_start3A_149] : memref<256x128xf32, #tpu.memory_space<vmem>> -> memref<64x128xf32, #tpu.memory_space<vmem>>
      %dma_start3A_151 = arith.constant 0 : i32
      %dma_start3A_152 = tpu.memref_slice %arg3[%dma_start3A_151, %mul3A_142] : memref<64x1000001xf32, #tpu.memory_space<hbm>> -> memref<64x128xf32, #tpu.memory_space<hbm>>
      tpu.enqueue_dma source(%dma_start3A_152 : memref<64x128xf32, #tpu.memory_space<hbm>>) target(%dma_start3A_150 : memref<64x128xf32, #tpu.memory_space<vmem>>) target_semaphore(%arg11 : memref<!tpu.dma_semaphore, #tpu.memory_space<semaphore_mem>>)
      %dma_wait3A = arith.constant 0 : i32
      %dma_wait3A_153 = arith.constant 0 : i32
      %dma_wait3A_154 = tpu.memref_slice %arg6[%dma_wait3A, %dma_wait3A_153] : memref<256x128xf32, #tpu.memory_space<vmem>> -> memref<64x128xf32, #tpu.memory_space<vmem>>
      %dma_wait3A_155 = arith.constant 0 : i32
      %dma_wait3A_156 = arith.constant 0 : i32
      %dma_wait3A_157 = tpu.memref_slice %arg3[%dma_wait3A_155, %dma_wait3A_156] : memref<64x1000001xf32, #tpu.memory_space<hbm>> -> memref<64x128xf32, #tpu.memory_space<hbm>>
      %dma_wait3A_158 = arith.constant 0 : i32
      %dma_wait3A_159 = arith.constant 0 : i32
      %dma_wait3A_160 = tpu.memref_slice %arg6[%dma_wait3A_158, %dma_wait3A_159] : memref<256x128xf32, #tpu.memory_space<vmem>> -> memref<64x128xf32, #tpu.memory_space<vmem>>
      %dma_wait3A_161 = arith.constant 0 : i32
      %dma_wait3A_162 = arith.constant 0 : i32
      %dma_wait3A_163 = tpu.memref_slice %arg3[%dma_wait3A_161, %dma_wait3A_162] : memref<64x1000001xf32, #tpu.memory_space<hbm>> -> memref<64x128xf32, #tpu.memory_space<hbm>>
      tpu.wait_dma2 semaphore(%arg8 : memref<!tpu.dma_semaphore, #tpu.memory_space<semaphore_mem>>) src(%dma_wait3A_163 : memref<64x128xf32, #tpu.memory_space<hbm>>) dst(%dma_wait3A_160 : memref<64x128xf32, #tpu.memory_space<vmem>>)
      %slice3A_164 = vector.extract_strided_slice %get3A_11 {offsets = [0], sizes = [1], strides = [1]} : vector<16xi32> to vector<1xi32>
      %squeeze3A_165 = vector.extract %slice3A_164[0] : i32 from vector<1xi32>
      %mul3A_166 = arith.constant 16 : i32
      %mul3A_167 = arith.muli %scan3A_8, %mul3A_166 : i32
      %add3A_168 = arith.constant 0 : i32
      %add3A_169 = arith.addi %mul3A_167, %add3A_168 : i32
      %jit3A_170 = arith.constant 128 : i32
      %div3A_171 = arith.divsi %squeeze3A_165, %jit3A_170 : i32
      %sign3A_172 = arith.constant 0 : i32
      %sign3A_173 = arith.cmpi sgt, %squeeze3A_165, %sign3A_172 : i32
      %sign3A_174 = arith.extui %sign3A_173 : i1 to i32
      %sign3A_175 = arith.constant 0 : i32
      %sign3A_176 = arith.cmpi slt, %squeeze3A_165, %sign3A_175 : i32
      %sign3A_177 = arith.extui %sign3A_176 : i1 to i32
      %sign3A_178 = arith.subi %sign3A_174, %sign3A_177 : i32
      %sign3A_179 = arith.constant 0 : i32
      %sign3A_180 = arith.cmpi sgt, %jit3A_170, %sign3A_179 : i32
      %sign3A_181 = arith.extui %sign3A_180 : i1 to i32
      %sign3A_182 = arith.constant 0 : i32
      %sign3A_183 = arith.cmpi slt, %jit3A_170, %sign3A_182 : i32
      %sign3A_184 = arith.extui %sign3A_183 : i1 to i32
      %sign3A_185 = arith.subi %sign3A_181, %sign3A_184 : i32
      %ne3A_186 = arith.cmpi ne, %sign3A_178, %sign3A_185 : i32
      %rem3A_187 = arith.remsi %squeeze3A_165, %jit3A_170 : i32
      %ne3A_188 = arith.constant 0 : i32
      %ne3A_189 = arith.cmpi ne, %rem3A_187, %ne3A_188 : i32
      %and3A_190 = arith.andi %ne3A_186, %ne3A_189 : i1
      %sub3A_191 = arith.constant 1 : i32
      %sub3A_192 = arith.subi %div3A_171, %sub3A_191 : i32
      %select_n3A_193 = arith.select %and3A_190, %sub3A_192, %div3A_171 : i32
      %mul3A_194 = arith.constant 128 : i32
      %mul3A_195 = arith.muli %select_n3A_193, %mul3A_194 : i32
      %sub3A_196 = arith.subi %squeeze3A_165, %mul3A_195 : i32
      %add3A_197 = arith.constant 0 : i32
      %add3A_198 = vector.broadcast %add3A_197 : i32 to vector<16xi32>
      %add3A_199 = arith.addi %iota3A, %add3A_198 : vector<16xi32>
      %broadcast_in_dim3A = vector.broadcast %sub3A_196 : i32 to vector<16xi32>
      %gather3A = tpu.vector_load_idx %arg6[%add3A_199, %broadcast_in_dim3A] : memref<256x128xf32, #tpu.memory_space<vmem>>[vector<16xi32>, vector<16xi32>], vector<16xf32>,
      %add3A_200 = arith.constant 0 : i32
      %add3A_201 = vector.broadcast %add3A_200 : i32 to vector<16xi32>
      %add3A_202 = arith.addi %iota3A, %add3A_201 : vector<16xi32>
      %broadcast_in_dim3A_203 = vector.broadcast %add3A_169 : i32 to vector<16xi32>
      tpu.vector_store_idx %arg7[%add3A_202, %broadcast_in_dim3A_203], %gather3A : memref<64x128xf32, #tpu.memory_space<vmem>>[vector<16xi32>, vector<16xi32>], vector<16xf32>,
      %add3A_204 = arith.constant 16 : i32
      %add3A_205 = vector.broadcast %add3A_204 : i32 to vector<16xi32>
      %add3A_206 = arith.addi %iota3A, %add3A_205 : vector<16xi32>
      %broadcast_in_dim3A_207 = vector.broadcast %sub3A_196 : i32 to vector<16xi32>
      %gather3A_208 = tpu.vector_load_idx %arg6[%add3A_206, %broadcast_in_dim3A_207] : memref<256x128xf32, #tpu.memory_space<vmem>>[vector<16xi32>, vector<16xi32>], vector<16xf32>,
      %add3A_209 = arith.constant 16 : i32
      %add3A_210 = vector.broadcast %add3A_209 : i32 to vector<16xi32>
      %add3A_211 = arith.addi %iota3A, %add3A_210 : vector<16xi32>
      %broadcast_in_dim3A_212 = vector.broadcast %add3A_169 : i32 to vector<16xi32>
      tpu.vector_store_idx %arg7[%add3A_211, %broadcast_in_dim3A_212], %gather3A_208 : memref<64x128xf32, #tpu.memory_space<vmem>>[vector<16xi32>, vector<16xi32>], vector<16xf32>,
      %add3A_213 = arith.constant 32 : i32
      %add3A_214 = vector.broadcast %add3A_213 : i32 to vector<16xi32>
      %add3A_215 = arith.addi %iota3A, %add3A_214 : vector<16xi32>
      %broadcast_in_dim3A_216 = vector.broadcast %sub3A_196 : i32 to vector<16xi32>
      %gather3A_217 = tpu.vector_load_idx %arg6[%add3A_215, %broadcast_in_dim3A_216] : memref<256x128xf32, #tpu.memory_space<vmem>>[vector<16xi32>, vector<16xi32>], vector<16xf32>,
      %add3A_218 = arith.constant 32 : i32
      %add3A_219 = vector.broadcast %add3A_218 : i32 to vector<16xi32>
      %add3A_220 = arith.addi %iota3A, %add3A_219 : vector<16xi32>
      %broadcast_in_dim3A_221 = vector.broadcast %add3A_169 : i32 to vector<16xi32>
      tpu.vector_store_idx %arg7[%add3A_220, %broadcast_in_dim3A_221], %gather3A_217 : memref<64x128xf32, #tpu.memory_space<vmem>>[vector<16xi32>, vector<16xi32>], vector<16xf32>,
      %add3A_222 = arith.constant 48 : i32
      %add3A_223 = vector.broadcast %add3A_222 : i32 to vector<16xi32>
      %add3A_224 = arith.addi %iota3A, %add3A_223 : vector<16xi32>
      %broadcast_in_dim3A_225 = vector.broadcast %sub3A_196 : i32 to vector<16xi32>
      %gather3A_226 = tpu.vector_load_idx %arg6[%add3A_224, %broadcast_in_dim3A_225] : memref<256x128xf32, #tpu.memory_space<vmem>>[vector<16xi32>, vector<16xi32>], vector<16xf32>,
      %add3A_227 = arith.constant 48 : i32
      %add3A_228 = vector.broadcast %add3A_227 : i32 to vector<16xi32>
      %add3A_229 = arith.addi %iota3A, %add3A_228 : vector<16xi32>
      %broadcast_in_dim3A_230 = vector.broadcast %add3A_169 : i32 to vector<16xi32>
      tpu.vector_store_idx %arg7[%add3A_229, %broadcast_in_dim3A_230], %gather3A_226 : memref<64x128xf32, #tpu.memory_space<vmem>>[vector<16xi32>, vector<16xi32>], vector<16xf32>,
      %slice3A_231 = vector.extract_strided_slice %get3A_11 {offsets = [4], sizes = [1], strides = [1]} : vector<16xi32> to vector<1xi32>
      %squeeze3A_232 = vector.extract %slice3A_231[0] : i32 from vector<1xi32>
      %jit3A_233 = arith.constant 128 : i32
      %div3A_234 = arith.divsi %squeeze3A_232, %jit3A_233 : i32
      %sign3A_235 = arith.constant 0 : i32
      %sign3A_236 = arith.cmpi sgt, %squeeze3A_232, %sign3A_235 : i32
      %sign3A_237 = arith.extui %sign3A_236 : i1 to i32
      %sign3A_238 = arith.constant 0 : i32
      %sign3A_239 = arith.cmpi slt, %squeeze3A_232, %sign3A_238 : i32
      %sign3A_240 = arith.extui %sign3A_239 : i1 to i32
      %sign3A_241 = arith.subi %sign3A_237, %sign3A_240 : i32
      %sign3A_242 = arith.constant 0 : i32
      %sign3A_243 = arith.cmpi sgt, %jit3A_233, %sign3A_242 : i32
      %sign3A_244 = arith.extui %sign3A_243 : i1 to i32
      %sign3A_245 = arith.constant 0 : i32
      %sign3A_246 = arith.cmpi slt, %jit3A_233, %sign3A_245 : i32
      %sign3A_247 = arith.extui %sign3A_246 : i1 to i32
      %sign3A_248 = arith.subi %sign3A_244, %sign3A_247 : i32
      %ne3A_249 = arith.cmpi ne, %sign3A_241, %sign3A_248 : i32
      %rem3A_250 = arith.remsi %squeeze3A_232, %jit3A_233 : i32
      %ne3A_251 = arith.constant 0 : i32
      %ne3A_252 = arith.cmpi ne, %rem3A_250, %ne3A_251 : i32
      %and3A_253 = arith.andi %ne3A_249, %ne3A_252 : i1
      %sub3A_254 = arith.constant 1 : i32
      %sub3A_255 = arith.subi %div3A_234, %sub3A_254 : i32
      %select_n3A_256 = arith.select %and3A_253, %sub3A_255, %div3A_234 : i32
      %mul3A_257 = arith.constant 128 : i32
      %mul3A_258 = arith.muli %select_n3A_256, %mul3A_257 : i32
      %dma_start3A_259 = arith.constant 0 : i32
      %dma_start3A_260 = arith.constant 0 : i32
      %dma_start3A_261 = tpu.memref_slice %arg6[%dma_start3A_259, %dma_start3A_260] : memref<256x128xf32, #tpu.memory_space<vmem>> -> memref<64x128xf32, #tpu.memory_space<vmem>>
      %dma_start3A_262 = arith.constant 0 : i32
      %dma_start3A_263 = tpu.memref_slice %arg3[%dma_start3A_262, %mul3A_258] : memref<64x1000001xf32, #tpu.memory_space<hbm>> -> memref<64x128xf32, #tpu.memory_space<hbm>>
      %dma_start3A_264 = arith.constant 0 : i32
      %dma_start3A_265 = arith.constant 0 : i32
      %dma_start3A_266 = tpu.memref_slice %arg6[%dma_start3A_264, %dma_start3A_265] : memref<256x128xf32, #tpu.memory_space<vmem>> -> memref<64x128xf32, #tpu.memory_space<vmem>>
      %dma_start3A_267 = arith.constant 0 : i32
      %dma_start3A_268 = tpu.memref_slice %arg3[%dma_start3A_267, %mul3A_258] : memref<64x1000001xf32, #tpu.memory_space<hbm>> -> memref<64x128xf32, #tpu.memory_space<hbm>>
      tpu.enqueue_dma source(%dma_start3A_268 : memref<64x128xf32, #tpu.memory_space<hbm>>) target(%dma_start3A_266 : memref<64x128xf32, #tpu.memory_space<vmem>>) target_semaphore(%arg8 : memref<!tpu.dma_semaphore, #tpu.memory_space<semaphore_mem>>)
      %dma_wait3A_269 = arith.constant 64 : i32
      %dma_wait3A_270 = arith.constant 0 : i32
      %dma_wait3A_271 = tpu.memref_slice %arg6[%dma_wait3A_269, %dma_wait3A_270] : memref<256x128xf32, #tpu.memory_space<vmem>> -> memref<64x128xf32, #tpu.memory_space<vmem>>
      %dma_wait3A_272 = arith.constant 0 : i32
      %dma_wait3A_273 = arith.constant 0 : i32
      %dma_wait3A_274 = tpu.memref_slice %arg3[%dma_wait3A_272, %dma_wait3A_273] : memref<64x1000001xf32, #tpu.memory_space<hbm>> -> memref<64x128xf32, #tpu.memory_space<hbm>>
      %dma_wait3A_275 = arith.constant 64 : i32
      %dma_wait3A_276 = arith.constant 0 : i32
      %dma_wait3A_277 = tpu.memref_slice %arg6[%dma_wait3A_275, %dma_wait3A_276] : memref<256x128xf32, #tpu.memory_space<vmem>> -> memref<64x128xf32, #tpu.memory_space<vmem>>
      %dma_wait3A_278 = arith.constant 0 : i32
      %dma_wait3A_279 = arith.constant 0 : i32
      %dma_wait3A_280 = tpu.memref_slice %arg3[%dma_wait3A_278, %dma_wait3A_279] : memref<64x1000001xf32, #tpu.memory_space<hbm>> -> memref<64x128xf32, #tpu.memory_space<hbm>>
      tpu.wait_dma2 semaphore(%arg9 : memref<!tpu.dma_semaphore, #tpu.memory_space<semaphore_mem>>) src(%dma_wait3A_280 : memref<64x128xf32, #tpu.memory_space<hbm>>) dst(%dma_wait3A_277 : memref<64x128xf32, #tpu.memory_space<vmem>>)
      %slice3A_281 = vector.extract_strided_slice %get3A_11 {offsets = [1], sizes = [1], strides = [1]} : vector<16xi32> to vector<1xi32>
      %squeeze3A_282 = vector.extract %slice3A_281[0] : i32 from vector<1xi32>
      %mul3A_283 = arith.constant 16 : i32
      %mul3A_284 = arith.muli %scan3A_8, %mul3A_283 : i32
      %add3A_285 = arith.constant 1 : i32
      %add3A_286 = arith.addi %mul3A_284, %add3A_285 : i32
      %jit3A_287 = arith.constant 128 : i32
      %div3A_288 = arith.divsi %squeeze3A_282, %jit3A_287 : i32
      %sign3A_289 = arith.constant 0 : i32
      %sign3A_290 = arith.cmpi sgt, %squeeze3A_282, %sign3A_289 : i32
      %sign3A_291 = arith.extui %sign3A_290 : i1 to i32
      %sign3A_292 = arith.constant 0 : i32
      %sign3A_293 = arith.cmpi slt, %squeeze3A_282, %sign3A_292 : i32
      %sign3A_294 = arith.extui %sign3A_293 : i1 to i32
      %sign3A_295 = arith.subi %sign3A_291, %sign3A_294 : i32
      %sign3A_296 = arith.constant 0 : i32
      %sign3A_297 = arith.cmpi sgt, %jit3A_287, %sign3A_296 : i32
      %sign3A_298 = arith.extui %sign3A_297 : i1 to i32
      %sign3A_299 = arith.constant 0 : i32
      %sign3A_300 = arith.cmpi slt, %jit3A_287, %sign3A_299 : i32
      %sign3A_301 = arith.extui %sign3A_300 : i1 to i32
      %sign3A_302 = arith.subi %sign3A_298, %sign3A_301 : i32
      %ne3A_303 = arith.cmpi ne, %sign3A_295, %sign3A_302 : i32
      %rem3A_304 = arith.remsi %squeeze3A_282, %jit3A_287 : i32
      %ne3A_305 = arith.constant 0 : i32
      %ne3A_306 = arith.cmpi ne, %rem3A_304, %ne3A_305 : i32
      %and3A_307 = arith.andi %ne3A_303, %ne3A_306 : i1
      %sub3A_308 = arith.constant 1 : i32
      %sub3A_309 = arith.subi %div3A_288, %sub3A_308 : i32
      %select_n3A_310 = arith.select %and3A_307, %sub3A_309, %div3A_288 : i32
      %mul3A_311 = arith.constant 128 : i32
      %mul3A_312 = arith.muli %select_n3A_310, %mul3A_311 : i32
      %sub3A_313 = arith.subi %squeeze3A_282, %mul3A_312 : i32
      %add3A_314 = arith.constant 64 : i32
      %add3A_315 = vector.broadcast %add3A_314 : i32 to vector<16xi32>
      %add3A_316 = arith.addi %iota3A, %add3A_315 : vector<16xi32>
      %broadcast_in_dim3A_317 = vector.broadcast %sub3A_313 : i32 to vector<16xi32>
      %gather3A_318 = tpu.vector_load_idx %arg6[%add3A_316, %broadcast_in_dim3A_317] : memref<256x128xf32, #tpu.memory_space<vmem>>[vector<16xi32>, vector<16xi32>], vector<16xf32>,
      %add3A_319 = arith.constant 0 : i32
      %add3A_320 = vector.broadcast %add3A_319 : i32 to vector<16xi32>
      %add3A_321 = arith.addi %iota3A, %add3A_320 : vector<16xi32>
      %broadcast_in_dim3A_322 = vector.broadcast %add3A_286 : i32 to vector<16xi32>
      tpu.vector_store_idx %arg7[%add3A_321, %broadcast_in_dim3A_322], %gather3A_318 : memref<64x128xf32, #tpu.memory_space<vmem>>[vector<16xi32>, vector<16xi32>], vector<16xf32>,
      %add3A_323 = arith.constant 80 : i32
      %add3A_324 = vector.broadcast %add3A_323 : i32 to vector<16xi32>
      %add3A_325 = arith.addi %iota3A, %add3A_324 : vector<16xi32>
      %broadcast_in_dim3A_326 = vector.broadcast %sub3A_313 : i32 to vector<16xi32>
      %gather3A_327 = tpu.vector_load_idx %arg6[%add3A_325, %broadcast_in_dim3A_326] : memref<256x128xf32, #tpu.memory_space<vmem>>[vector<16xi32>, vector<16xi32>], vector<16xf32>,
      %add3A_328 = arith.constant 16 : i32
      %add3A_329 = vector.broadcast %add3A_328 : i32 to vector<16xi32>
      %add3A_330 = arith.addi %iota3A, %add3A_329 : vector<16xi32>
      %broadcast_in_dim3A_331 = vector.broadcast %add3A_286 : i32 to vector<16xi32>
      tpu.vector_store_idx %arg7[%add3A_330, %broadcast_in_dim3A_331], %gather3A_327 : memref<64x128xf32, #tpu.memory_space<vmem>>[vector<16xi32>, vector<16xi32>], vector<16xf32>,
      %add3A_332 = arith.constant 96 : i32
      %add3A_333 = vector.broadcast %add3A_332 : i32 to vector<16xi32>
      %add3A_334 = arith.addi %iota3A, %add3A_333 : vector<16xi32>
      %broadcast_in_dim3A_335 = vector.broadcast %sub3A_313 : i32 to vector<16xi32>
      %gather3A_336 = tpu.vector_load_idx %arg6[%add3A_334, %broadcast_in_dim3A_335] : memref<256x128xf32, #tpu.memory_space<vmem>>[vector<16xi32>, vector<16xi32>], vector<16xf32>,
      %add3A_337 = arith.constant 32 : i32
      %add3A_338 = vector.broadcast %add3A_337 : i32 to vector<16xi32>
      %add3A_339 = arith.addi %iota3A, %add3A_338 : vector<16xi32>
      %broadcast_in_dim3A_340 = vector.broadcast %add3A_286 : i32 to vector<16xi32>
      tpu.vector_store_idx %arg7[%add3A_339, %broadcast_in_dim3A_340], %gather3A_336 : memref<64x128xf32, #tpu.memory_space<vmem>>[vector<16xi32>, vector<16xi32>], vector<16xf32>,
      %add3A_341 = arith.constant 112 : i32
      %add3A_342 = vector.broadcast %add3A_341 : i32 to vector<16xi32>
      %add3A_343 = arith.addi %iota3A, %add3A_342 : vector<16xi32>
      %broadcast_in_dim3A_344 = vector.broadcast %sub3A_313 : i32 to vector<16xi32>
      %gather3A_345 = tpu.vector_load_idx %arg6[%add3A_343, %broadcast_in_dim3A_344] : memref<256x128xf32, #tpu.memory_space<vmem>>[vector<16xi32>, vector<16xi32>], vector<16xf32>,
      %add3A_346 = arith.constant 48 : i32
      %add3A_347 = vector.broadcast %add3A_346 : i32 to vector<16xi32>
      %add3A_348 = arith.addi %iota3A, %add3A_347 : vector<16xi32>
      %broadcast_in_dim3A_349 = vector.broadcast %add3A_286 : i32 to vector<16xi32>
      tpu.vector_store_idx %arg7[%add3A_348, %broadcast_in_dim3A_349], %gather3A_345 : memref<64x128xf32, #tpu.memory_space<vmem>>[vector<16xi32>, vector<16xi32>], vector<16xf32>,
      %slice3A_350 = vector.extract_strided_slice %get3A_11 {offsets = [5], sizes = [1], strides = [1]} : vector<16xi32> to vector<1xi32>
      %squeeze3A_351 = vector.extract %slice3A_350[0] : i32 from vector<1xi32>
      %jit3A_352 = arith.constant 128 : i32
      %div3A_353 = arith.divsi %squeeze3A_351, %jit3A_352 : i32
      %sign3A_354 = arith.constant 0 : i32
      %sign3A_355 = arith.cmpi sgt, %squeeze3A_351, %sign3A_354 : i32
      %sign3A_356 = arith.extui %sign3A_355 : i1 to i32
      %sign3A_357 = arith.constant 0 : i32
      %sign3A_358 = arith.cmpi slt, %squeeze3A_351, %sign3A_357 : i32
      %sign3A_359 = arith.extui %sign3A_358 : i1 to i32
      %sign3A_360 = arith.subi %sign3A_356, %sign3A_359 : i32
      %sign3A_361 = arith.constant 0 : i32
      %sign3A_362 = arith.cmpi sgt, %jit3A_352, %sign3A_361 : i32
      %sign3A_363 = arith.extui %sign3A_362 : i1 to i32
      %sign3A_364 = arith.constant 0 : i32
      %sign3A_365 = arith.cmpi slt, %jit3A_352, %sign3A_364 : i32
      %sign3A_366 = arith.extui %sign3A_365 : i1 to i32
      %sign3A_367 = arith.subi %sign3A_363, %sign3A_366 : i32
      %ne3A_368 = arith.cmpi ne, %sign3A_360, %sign3A_367 : i32
      %rem3A_369 = arith.remsi %squeeze3A_351, %jit3A_352 : i32
      %ne3A_370 = arith.constant 0 : i32
      %ne3A_371 = arith.cmpi ne, %rem3A_369, %ne3A_370 : i32
      %and3A_372 = arith.andi %ne3A_368, %ne3A_371 : i1
      %sub3A_373 = arith.constant 1 : i32
      %sub3A_374 = arith.subi %div3A_353, %sub3A_373 : i32
      %select_n3A_375 = arith.select %and3A_372, %sub3A_374, %div3A_353 : i32
      %mul3A_376 = arith.constant 128 : i32
      %mul3A_377 = arith.muli %select_n3A_375, %mul3A_376 : i32
      %dma_start3A_378 = arith.constant 64 : i32
      %dma_start3A_379 = arith.constant 0 : i32
      %dma_start3A_380 = tpu.memref_slice %arg6[%dma_start3A_378, %dma_start3A_379] : memref<256x128xf32, #tpu.memory_space<vmem>> -> memref<64x128xf32, #tpu.memory_space<vmem>>
      %dma_start3A_381 = arith.constant 0 : i32
      %dma_start3A_382 = tpu.memref_slice %arg3[%dma_start3A_381, %mul3A_377] : memref<64x1000001xf32, #tpu.memory_space<hbm>> -> memref<64x128xf32, #tpu.memory_space<hbm>>
      %dma_start3A_383 = arith.constant 64 : i32
      %dma_start3A_384 = arith.constant 0 : i32
      %dma_start3A_385 = tpu.memref_slice %arg6[%dma_start3A_383, %dma_start3A_384] : memref<256x128xf32, #tpu.memory_space<vmem>> -> memref<64x128xf32, #tpu.memory_space<vmem>>
      %dma_start3A_386 = arith.constant 0 : i32
      %dma_start3A_387 = tpu.memref_slice %arg3[%dma_start3A_386, %mul3A_377] : memref<64x1000001xf32, #tpu.memory_space<hbm>> -> memref<64x128xf32, #tpu.memory_space<hbm>>
      tpu.enqueue_dma source(%dma_start3A_387 : memref<64x128xf32, #tpu.memory_space<hbm>>) target(%dma_start3A_385 : memref<64x128xf32, #tpu.memory_space<vmem>>) target_semaphore(%arg9 : memref<!tpu.dma_semaphore, #tpu.memory_space<semaphore_mem>>)
      %dma_wait3A_388 = arith.constant 128 : i32
      %dma_wait3A_389 = arith.constant 0 : i32
      %dma_wait3A_390 = tpu.memref_slice %arg6[%dma_wait3A_388, %dma_wait3A_389] : memref<256x128xf32, #tpu.memory_space<vmem>> -> memref<64x128xf32, #tpu.memory_space<vmem>>
      %dma_wait3A_391 = arith.constant 0 : i32
      %dma_wait3A_392 = arith.constant 0 : i32
      %dma_wait3A_393 = tpu.memref_slice %arg3[%dma_wait3A_391, %dma_wait3A_392] : memref<64x1000001xf32, #tpu.memory_space<hbm>> -> memref<64x128xf32, #tpu.memory_space<hbm>>
      %dma_wait3A_394 = arith.constant 128 : i32
      %dma_wait3A_395 = arith.constant 0 : i32
      %dma_wait3A_396 = tpu.memref_slice %arg6[%dma_wait3A_394, %dma_wait3A_395] : memref<256x128xf32, #tpu.memory_space<vmem>> -> memref<64x128xf32, #tpu.memory_space<vmem>>
      %dma_wait3A_397 = arith.constant 0 : i32
      %dma_wait3A_398 = arith.constant 0 : i32
      %dma_wait3A_399 = tpu.memref_slice %arg3[%dma_wait3A_397, %dma_wait3A_398] : memref<64x1000001xf32, #tpu.memory_space<hbm>> -> memref<64x128xf32, #tpu.memory_space<hbm>>
      tpu.wait_dma2 semaphore(%arg10 : memref<!tpu.dma_semaphore, #tpu.memory_space<semaphore_mem>>) src(%dma_wait3A_399 : memref<64x128xf32, #tpu.memory_space<hbm>>) dst(%dma_wait3A_396 : memref<64x128xf32, #tpu.memory_space<vmem>>)
      %slice3A_400 = vector.extract_strided_slice %get3A_11 {offsets = [2], sizes = [1], strides = [1]} : vector<16xi32> to vector<1xi32>
      %squeeze3A_401 = vector.extract %slice3A_400[0] : i32 from vector<1xi32>
      %mul3A_402 = arith.constant 16 : i32
      %mul3A_403 = arith.muli %scan3A_8, %mul3A_402 : i32
      %add3A_404 = arith.constant 2 : i32
      %add3A_405 = arith.addi %mul3A_403, %add3A_404 : i32
      %jit3A_406 = arith.constant 128 : i32
      %div3A_407 = arith.divsi %squeeze3A_401, %jit3A_406 : i32
      %sign3A_408 = arith.constant 0 : i32
      %sign3A_409 = arith.cmpi sgt, %squeeze3A_401, %sign3A_408 : i32
      %sign3A_410 = arith.extui %sign3A_409 : i1 to i32
      %sign3A_411 = arith.constant 0 : i32
      %sign3A_412 = arith.cmpi slt, %squeeze3A_401, %sign3A_411 : i32
      %sign3A_413 = arith.extui %sign3A_412 : i1 to i32
      %sign3A_414 = arith.subi %sign3A_410, %sign3A_413 : i32
      %sign3A_415 = arith.constant 0 : i32
      %sign3A_416 = arith.cmpi sgt, %jit3A_406, %sign3A_415 : i32
      %sign3A_417 = arith.extui %sign3A_416 : i1 to i32
      %sign3A_418 = arith.constant 0 : i32
      %sign3A_419 = arith.cmpi slt, %jit3A_406, %sign3A_418 : i32
      %sign3A_420 = arith.extui %sign3A_419 : i1 to i32
      %sign3A_421 = arith.subi %sign3A_417, %sign3A_420 : i32
      %ne3A_422 = arith.cmpi ne, %sign3A_414, %sign3A_421 : i32
      %rem3A_423 = arith.remsi %squeeze3A_401, %jit3A_406 : i32
      %ne3A_424 = arith.constant 0 : i32
      %ne3A_425 = arith.cmpi ne, %rem3A_423, %ne3A_424 : i32
      %and3A_426 = arith.andi %ne3A_422, %ne3A_425 : i1
      %sub3A_427 = arith.constant 1 : i32
      %sub3A_428 = arith.subi %div3A_407, %sub3A_427 : i32
      %select_n3A_429 = arith.select %and3A_426, %sub3A_428, %div3A_407 : i32
      %mul3A_430 = arith.constant 128 : i32
      %mul3A_431 = arith.muli %select_n3A_429, %mul3A_430 : i32
      %sub3A_432 = arith.subi %squeeze3A_401, %mul3A_431 : i32
      %add3A_433 = arith.constant 128 : i32
      %add3A_434 = vector.broadcast %add3A_433 : i32 to vector<16xi32>
      %add3A_435 = arith.addi %iota3A, %add3A_434 : vector<16xi32>
      %broadcast_in_dim3A_436 = vector.broadcast %sub3A_432 : i32 to vector<16xi32>
      %gather3A_437 = tpu.vector_load_idx %arg6[%add3A_435, %broadcast_in_dim3A_436] : memref<256x128xf32, #tpu.memory_space<vmem>>[vector<16xi32>, vector<16xi32>], vector<16xf32>,
      %add3A_438 = arith.constant 0 : i32
      %add3A_439 = vector.broadcast %add3A_438 : i32 to vector<16xi32>
      %add3A_440 = arith.addi %iota3A, %add3A_439 : vector<16xi32>
      %broadcast_in_dim3A_441 = vector.broadcast %add3A_405 : i32 to vector<16xi32>
      tpu.vector_store_idx %arg7[%add3A_440, %broadcast_in_dim3A_441], %gather3A_437 : memref<64x128xf32, #tpu.memory_space<vmem>>[vector<16xi32>, vector<16xi32>], vector<16xf32>,
      %add3A_442 = arith.constant 144 : i32
      %add3A_443 = vector.broadcast %add3A_442 : i32 to vector<16xi32>
      %add3A_444 = arith.addi %iota3A, %add3A_443 : vector<16xi32>
      %broadcast_in_dim3A_445 = vector.broadcast %sub3A_432 : i32 to vector<16xi32>
      %gather3A_446 = tpu.vector_load_idx %arg6[%add3A_444, %broadcast_in_dim3A_445] : memref<256x128xf32, #tpu.memory_space<vmem>>[vector<16xi32>, vector<16xi32>], vector<16xf32>,
      %add3A_447 = arith.constant 16 : i32
      %add3A_448 = vector.broadcast %add3A_447 : i32 to vector<16xi32>
      %add3A_449 = arith.addi %iota3A, %add3A_448 : vector<16xi32>
      %broadcast_in_dim3A_450 = vector.broadcast %add3A_405 : i32 to vector<16xi32>
      tpu.vector_store_idx %arg7[%add3A_449, %broadcast_in_dim3A_450], %gather3A_446 : memref<64x128xf32, #tpu.memory_space<vmem>>[vector<16xi32>, vector<16xi32>], vector<16xf32>,
      %add3A_451 = arith.constant 160 : i32
      %add3A_452 = vector.broadcast %add3A_451 : i32 to vector<16xi32>
      %add3A_453 = arith.addi %iota3A, %add3A_452 : vector<16xi32>
      %broadcast_in_dim3A_454 = vector.broadcast %sub3A_432 : i32 to vector<16xi32>
      %gather3A_455 = tpu.vector_load_idx %arg6[%add3A_453, %broadcast_in_dim3A_454] : memref<256x128xf32, #tpu.memory_space<vmem>>[vector<16xi32>, vector<16xi32>], vector<16xf32>,
      %add3A_456 = arith.constant 32 : i32
      %add3A_457 = vector.broadcast %add3A_456 : i32 to vector<16xi32>
      %add3A_458 = arith.addi %iota3A, %add3A_457 : vector<16xi32>
      %broadcast_in_dim3A_459 = vector.broadcast %add3A_405 : i32 to vector<16xi32>
      tpu.vector_store_idx %arg7[%add3A_458, %broadcast_in_dim3A_459], %gather3A_455 : memref<64x128xf32, #tpu.memory_space<vmem>>[vector<16xi32>, vector<16xi32>], vector<16xf32>,
      %add3A_460 = arith.constant 176 : i32
      %add3A_461 = vector.broadcast %add3A_460 : i32 to vector<16xi32>
      %add3A_462 = arith.addi %iota3A, %add3A_461 : vector<16xi32>
      %broadcast_in_dim3A_463 = vector.broadcast %sub3A_432 : i32 to vector<16xi32>
      %gather3A_464 = tpu.vector_load_idx %arg6[%add3A_462, %broadcast_in_dim3A_463] : memref<256x128xf32, #tpu.memory_space<vmem>>[vector<16xi32>, vector<16xi32>], vector<16xf32>,
      %add3A_465 = arith.constant 48 : i32
      %add3A_466 = vector.broadcast %add3A_465 : i32 to vector<16xi32>
      %add3A_467 = arith.addi %iota3A, %add3A_466 : vector<16xi32>
      %broadcast_in_dim3A_468 = vector.broadcast %add3A_405 : i32 to vector<16xi32>
      tpu.vector_store_idx %arg7[%add3A_467, %broadcast_in_dim3A_468], %gather3A_464 : memref<64x128xf32, #tpu.memory_space<vmem>>[vector<16xi32>, vector<16xi32>], vector<16xf32>,
      %slice3A_469 = vector.extract_strided_slice %get3A_11 {offsets = [6], sizes = [1], strides = [1]} : vector<16xi32> to vector<1xi32>
      %squeeze3A_470 = vector.extract %slice3A_469[0] : i32 from vector<1xi32>
      %jit3A_471 = arith.constant 128 : i32
      %div3A_472 = arith.divsi %squeeze3A_470, %jit3A_471 : i32
      %sign3A_473 = arith.constant 0 : i32
      %sign3A_474 = arith.cmpi sgt, %squeeze3A_470, %sign3A_473 : i32
      %sign3A_475 = arith.extui %sign3A_474 : i1 to i32
      %sign3A_476 = arith.constant 0 : i32
      %sign3A_477 = arith.cmpi slt, %squeeze3A_470, %sign3A_476 : i32
      %sign3A_478 = arith.extui %sign3A_477 : i1 to i32
      %sign3A_479 = arith.subi %sign3A_475, %sign3A_478 : i32
      %sign3A_480 = arith.constant 0 : i32
      %sign3A_481 = arith.cmpi sgt, %jit3A_471, %sign3A_480 : i32
      %sign3A_482 = arith.extui %sign3A_481 : i1 to i32
      %sign3A_483 = arith.constant 0 : i32
      %sign3A_484 = arith.cmpi slt, %jit3A_471, %sign3A_483 : i32
      %sign3A_485 = arith.extui %sign3A_484 : i1 to i32
      %sign3A_486 = arith.subi %sign3A_482, %sign3A_485 : i32
      %ne3A_487 = arith.cmpi ne, %sign3A_479, %sign3A_486 : i32
      %rem3A_488 = arith.remsi %squeeze3A_470, %jit3A_471 : i32
      %ne3A_489 = arith.constant 0 : i32
      %ne3A_490 = arith.cmpi ne, %rem3A_488, %ne3A_489 : i32
      %and3A_491 = arith.andi %ne3A_487, %ne3A_490 : i1
      %sub3A_492 = arith.constant 1 : i32
      %sub3A_493 = arith.subi %div3A_472, %sub3A_492 : i32
      %select_n3A_494 = arith.select %and3A_491, %sub3A_493, %div3A_472 : i32
      %mul3A_495 = arith.constant 128 : i32
      %mul3A_496 = arith.muli %select_n3A_494, %mul3A_495 : i32
      %dma_start3A_497 = arith.constant 128 : i32
      %dma_start3A_498 = arith.constant 0 : i32
      %dma_start3A_499 = tpu.memref_slice %arg6[%dma_start3A_497, %dma_start3A_498] : memref<256x128xf32, #tpu.memory_space<vmem>> -> memref<64x128xf32, #tpu.memory_space<vmem>>
      %dma_start3A_500 = arith.constant 0 : i32
      %dma_start3A_501 = tpu.memref_slice %arg3[%dma_start3A_500, %mul3A_496] : memref<64x1000001xf32, #tpu.memory_space<hbm>> -> memref<64x128xf32, #tpu.memory_space<hbm>>
      %dma_start3A_502 = arith.constant 128 : i32
      %dma_start3A_503 = arith.constant 0 : i32
      %dma_start3A_504 = tpu.memref_slice %arg6[%dma_start3A_502, %dma_start3A_503] : memref<256x128xf32, #tpu.memory_space<vmem>> -> memref<64x128xf32, #tpu.memory_space<vmem>>
      %dma_start3A_505 = arith.constant 0 : i32
      %dma_start3A_506 = tpu.memref_slice %arg3[%dma_start3A_505, %mul3A_496] : memref<64x1000001xf32, #tpu.memory_space<hbm>> -> memref<64x128xf32, #tpu.memory_space<hbm>>
      tpu.enqueue_dma source(%dma_start3A_506 : memref<64x128xf32, #tpu.memory_space<hbm>>) target(%dma_start3A_504 : memref<64x128xf32, #tpu.memory_space<vmem>>) target_semaphore(%arg10 : memref<!tpu.dma_semaphore, #tpu.memory_space<semaphore_mem>>)
      %dma_wait3A_507 = arith.constant 192 : i32
      %dma_wait3A_508 = arith.constant 0 : i32
      %dma_wait3A_509 = tpu.memref_slice %arg6[%dma_wait3A_507, %dma_wait3A_508] : memref<256x128xf32, #tpu.memory_space<vmem>> -> memref<64x128xf32, #tpu.memory_space<vmem>>
      %dma_wait3A_510 = arith.constant 0 : i32
      %dma_wait3A_511 = arith.constant 0 : i32
      %dma_wait3A_512 = tpu.memref_slice %arg3[%dma_wait3A_510, %dma_wait3A_511] : memref<64x1000001xf32, #tpu.memory_space<hbm>> -> memref<64x128xf32, #tpu.memory_space<hbm>>
      %dma_wait3A_513 = arith.constant 192 : i32
      %dma_wait3A_514 = arith.constant 0 : i32
      %dma_wait3A_515 = tpu.memref_slice %arg6[%dma_wait3A_513, %dma_wait3A_514] : memref<256x128xf32, #tpu.memory_space<vmem>> -> memref<64x128xf32, #tpu.memory_space<vmem>>
      %dma_wait3A_516 = arith.constant 0 : i32
      %dma_wait3A_517 = arith.constant 0 : i32
      %dma_wait3A_518 = tpu.memref_slice %arg3[%dma_wait3A_516, %dma_wait3A_517] : memref<64x1000001xf32, #tpu.memory_space<hbm>> -> memref<64x128xf32, #tpu.memory_space<hbm>>
      tpu.wait_dma2 semaphore(%arg11 : memref<!tpu.dma_semaphore, #tpu.memory_space<semaphore_mem>>) src(%dma_wait3A_518 : memref<64x128xf32, #tpu.memory_space<hbm>>) dst(%dma_wait3A_515 : memref<64x128xf32, #tpu.memory_space<vmem>>)
      %slice3A_519 = vector.extract_strided_slice %get3A_11 {offsets = [3], sizes = [1], strides = [1]} : vector<16xi32> to vector<1xi32>
      %squeeze3A_520 = vector.extract %slice3A_519[0] : i32 from vector<1xi32>
      %mul3A_521 = arith.constant 16 : i32
      %mul3A_522 = arith.muli %scan3A_8, %mul3A_521 : i32
      %add3A_523 = arith.constant 3 : i32
      %add3A_524 = arith.addi %mul3A_522, %add3A_523 : i32
      %jit3A_525 = arith.constant 128 : i32
      %div3A_526 = arith.divsi %squeeze3A_520, %jit3A_525 : i32
      %sign3A_527 = arith.constant 0 : i32
      %sign3A_528 = arith.cmpi sgt, %squeeze3A_520, %sign3A_527 : i32
      %sign3A_529 = arith.extui %sign3A_528 : i1 to i32
      %sign3A_530 = arith.constant 0 : i32
      %sign3A_531 = arith.cmpi slt, %squeeze3A_520, %sign3A_530 : i32
      %sign3A_532 = arith.extui %sign3A_531 : i1 to i32
      %sign3A_533 = arith.subi %sign3A_529, %sign3A_532 : i32
      %sign3A_534 = arith.constant 0 : i32
      %sign3A_535 = arith.cmpi sgt, %jit3A_525, %sign3A_534 : i32
      %sign3A_536 = arith.extui %sign3A_535 : i1 to i32
      %sign3A_537 = arith.constant 0 : i32
      %sign3A_538 = arith.cmpi slt, %jit3A_525, %sign3A_537 : i32
      %sign3A_539 = arith.extui %sign3A_538 : i1 to i32
      %sign3A_540 = arith.subi %sign3A_536, %sign3A_539 : i32
      %ne3A_541 = arith.cmpi ne, %sign3A_533, %sign3A_540 : i32
      %rem3A_542 = arith.remsi %squeeze3A_520, %jit3A_525 : i32
      %ne3A_543 = arith.constant 0 : i32
      %ne3A_544 = arith.cmpi ne, %rem3A_542, %ne3A_543 : i32
      %and3A_545 = arith.andi %ne3A_541, %ne3A_544 : i1
      %sub3A_546 = arith.constant 1 : i32
      %sub3A_547 = arith.subi %div3A_526, %sub3A_546 : i32
      %select_n3A_548 = arith.select %and3A_545, %sub3A_547, %div3A_526 : i32
      %mul3A_549 = arith.constant 128 : i32
      %mul3A_550 = arith.muli %select_n3A_548, %mul3A_549 : i32
      %sub3A_551 = arith.subi %squeeze3A_520, %mul3A_550 : i32
      %add3A_552 = arith.constant 192 : i32
      %add3A_553 = vector.broadcast %add3A_552 : i32 to vector<16xi32>
      %add3A_554 = arith.addi %iota3A, %add3A_553 : vector<16xi32>
      %broadcast_in_dim3A_555 = vector.broadcast %sub3A_551 : i32 to vector<16xi32>
      %gather3A_556 = tpu.vector_load_idx %arg6[%add3A_554, %broadcast_in_dim3A_555] : memref<256x128xf32, #tpu.memory_space<vmem>>[vector<16xi32>, vector<16xi32>], vector<16xf32>,
      %add3A_557 = arith.constant 0 : i32
      %add3A_558 = vector.broadcast %add3A_557 : i32 to vector<16xi32>
      %add3A_559 = arith.addi %iota3A, %add3A_558 : vector<16xi32>
      %broadcast_in_dim3A_560 = vector.broadcast %add3A_524 : i32 to vector<16xi32>
      tpu.vector_store_idx %arg7[%add3A_559, %broadcast_in_dim3A_560], %gather3A_556 : memref<64x128xf32, #tpu.memory_space<vmem>>[vector<16xi32>, vector<16xi32>], vector<16xf32>,
      %add3A_561 = arith.constant 208 : i32
      %add3A_562 = vector.broadcast %add3A_561 : i32 to vector<16xi32>
      %add3A_563 = arith.addi %iota3A, %add3A_562 : vector<16xi32>
      %broadcast_in_dim3A_564 = vector.broadcast %sub3A_551 : i32 to vector<16xi32>
      %gather3A_565 = tpu.vector_load_idx %arg6[%add3A_563, %broadcast_in_dim3A_564] : memref<256x128xf32, #tpu.memory_space<vmem>>[vector<16xi32>, vector<16xi32>], vector<16xf32>,
      %add3A_566 = arith.constant 16 : i32
      %add3A_567 = vector.broadcast %add3A_566 : i32 to vector<16xi32>
      %add3A_568 = arith.addi %iota3A, %add3A_567 : vector<16xi32>
      %broadcast_in_dim3A_569 = vector.broadcast %add3A_524 : i32 to vector<16xi32>
      tpu.vector_store_idx %arg7[%add3A_568, %broadcast_in_dim3A_569], %gather3A_565 : memref<64x128xf32, #tpu.memory_space<vmem>>[vector<16xi32>, vector<16xi32>], vector<16xf32>,
      %add3A_570 = arith.constant 224 : i32
      %add3A_571 = vector.broadcast %add3A_570 : i32 to vector<16xi32>
      %add3A_572 = arith.addi %iota3A, %add3A_571 : vector<16xi32>
      %broadcast_in_dim3A_573 = vector.broadcast %sub3A_551 : i32 to vector<16xi32>
      %gather3A_574 = tpu.vector_load_idx %arg6[%add3A_572, %broadcast_in_dim3A_573] : memref<256x128xf32, #tpu.memory_space<vmem>>[vector<16xi32>, vector<16xi32>], vector<16xf32>,
      %add3A_575 = arith.constant 32 : i32
      %add3A_576 = vector.broadcast %add3A_575 : i32 to vector<16xi32>
      %add3A_577 = arith.addi %iota3A, %add3A_576 : vector<16xi32>
      %broadcast_in_dim3A_578 = vector.broadcast %add3A_524 : i32 to vector<16xi32>
      tpu.vector_store_idx %arg7[%add3A_577, %broadcast_in_dim3A_578], %gather3A_574 : memref<64x128xf32, #tpu.memory_space<vmem>>[vector<16xi32>, vector<16xi32>], vector<16xf32>,
      %add3A_579 = arith.constant 240 : i32
      %add3A_580 = vector.broadcast %add3A_579 : i32 to vector<16xi32>
      %add3A_581 = arith.addi %iota3A, %add3A_580 : vector<16xi32>
      %broadcast_in_dim3A_582 = vector.broadcast %sub3A_551 : i32 to vector<16xi32>
      %gather3A_583 = tpu.vector_load_idx %arg6[%add3A_581, %broadcast_in_dim3A_582] : memref<256x128xf32, #tpu.memory_space<vmem>>[vector<16xi32>, vector<16xi32>], vector<16xf32>,
      %add3A_584 = arith.constant 48 : i32
      %add3A_585 = vector.broadcast %add3A_584 : i32 to vector<16xi32>
      %add3A_586 = arith.addi %iota3A, %add3A_585 : vector<16xi32>
      %broadcast_in_dim3A_587 = vector.broadcast %add3A_524 : i32 to vector<16xi32>
      tpu.vector_store_idx %arg7[%add3A_586, %broadcast_in_dim3A_587], %gather3A_583 : memref<64x128xf32, #tpu.memory_space<vmem>>[vector<16xi32>, vector<16xi32>], vector<16xf32>,
      %slice3A_588 = vector.extract_strided_slice %get3A_11 {offsets = [7], sizes = [1], strides = [1]} : vector<16xi32> to vector<1xi32>
      %squeeze3A_589 = vector.extract %slice3A_588[0] : i32 from vector<1xi32>
      %jit3A_590 = arith.constant 128 : i32
      %div3A_591 = arith.divsi %squeeze3A_589, %jit3A_590 : i32
      %sign3A_592 = arith.constant 0 : i32
      %sign3A_593 = arith.cmpi sgt, %squeeze3A_589, %sign3A_592 : i32
      %sign3A_594 = arith.extui %sign3A_593 : i1 to i32
      %sign3A_595 = arith.constant 0 : i32
      %sign3A_596 = arith.cmpi slt, %squeeze3A_589, %sign3A_595 : i32
      %sign3A_597 = arith.extui %sign3A_596 : i1 to i32
      %sign3A_598 = arith.subi %sign3A_594, %sign3A_597 : i32
      %sign3A_599 = arith.constant 0 : i32
      %sign3A_600 = arith.cmpi sgt, %jit3A_590, %sign3A_599 : i32
      %sign3A_601 = arith.extui %sign3A_600 : i1 to i32
      %sign3A_602 = arith.constant 0 : i32
      %sign3A_603 = arith.cmpi slt, %jit3A_590, %sign3A_602 : i32
      %sign3A_604 = arith.extui %sign3A_603 : i1 to i32
      %sign3A_605 = arith.subi %sign3A_601, %sign3A_604 : i32
      %ne3A_606 = arith.cmpi ne, %sign3A_598, %sign3A_605 : i32
      %rem3A_607 = arith.remsi %squeeze3A_589, %jit3A_590 : i32
      %ne3A_608 = arith.constant 0 : i32
      %ne3A_609 = arith.cmpi ne, %rem3A_607, %ne3A_608 : i32
      %and3A_610 = arith.andi %ne3A_606, %ne3A_609 : i1
      %sub3A_611 = arith.constant 1 : i32
      %sub3A_612 = arith.subi %div3A_591, %sub3A_611 : i32
      %select_n3A_613 = arith.select %and3A_610, %sub3A_612, %div3A_591 : i32
      %mul3A_614 = arith.constant 128 : i32
      %mul3A_615 = arith.muli %select_n3A_613, %mul3A_614 : i32
      %dma_start3A_616 = arith.constant 192 : i32
      %dma_start3A_617 = arith.constant 0 : i32
      %dma_start3A_618 = tpu.memref_slice %arg6[%dma_start3A_616, %dma_start3A_617] : memref<256x128xf32, #tpu.memory_space<vmem>> -> memref<64x128xf32, #tpu.memory_space<vmem>>
      %dma_start3A_619 = arith.constant 0 : i32
      %dma_start3A_620 = tpu.memref_slice %arg3[%dma_start3A_619, %mul3A_615] : memref<64x1000001xf32, #tpu.memory_space<hbm>> -> memref<64x128xf32, #tpu.memory_space<hbm>>
      %dma_start3A_621 = arith.constant 192 : i32
      %dma_start3A_622 = arith.constant 0 : i32
      %dma_start3A_623 = tpu.memref_slice %arg6[%dma_start3A_621, %dma_start3A_622] : memref<256x128xf32, #tpu.memory_space<vmem>> -> memref<64x128xf32, #tpu.memory_space<vmem>>
      %dma_start3A_624 = arith.constant 0 : i32
      %dma_start3A_625 = tpu.memref_slice %arg3[%dma_start3A_624, %mul3A_615] : memref<64x1000001xf32, #tpu.memory_space<hbm>> -> memref<64x128xf32, #tpu.memory_space<hbm>>
      tpu.enqueue_dma source(%dma_start3A_625 : memref<64x128xf32, #tpu.memory_space<hbm>>) target(%dma_start3A_623 : memref<64x128xf32, #tpu.memory_space<vmem>>) target_semaphore(%arg11 : memref<!tpu.dma_semaphore, #tpu.memory_space<semaphore_mem>>)
      %dma_wait3A_626 = arith.constant 0 : i32
      %dma_wait3A_627 = arith.constant 0 : i32
      %dma_wait3A_628 = tpu.memref_slice %arg6[%dma_wait3A_626, %dma_wait3A_627] : memref<256x128xf32, #tpu.memory_space<vmem>> -> memref<64x128xf32, #tpu.memory_space<vmem>>
      %dma_wait3A_629 = arith.constant 0 : i32
      %dma_wait3A_630 = arith.constant 0 : i32
      %dma_wait3A_631 = tpu.memref_slice %arg3[%dma_wait3A_629, %dma_wait3A_630] : memref<64x1000001xf32, #tpu.memory_space<hbm>> -> memref<64x128xf32, #tpu.memory_space<hbm>>
      %dma_wait3A_632 = arith.constant 0 : i32
      %dma_wait3A_633 = arith.constant 0 : i32
      %dma_wait3A_634 = tpu.memref_slice %arg6[%dma_wait3A_632, %dma_wait3A_633] : memref<256x128xf32, #tpu.memory_space<vmem>> -> memref<64x128xf32, #tpu.memory_space<vmem>>
      %dma_wait3A_635 = arith.constant 0 : i32
      %dma_wait3A_636 = arith.constant 0 : i32
      %dma_wait3A_637 = tpu.memref_slice %arg3[%dma_wait3A_635, %dma_wait3A_636] : memref<64x1000001xf32, #tpu.memory_space<hbm>> -> memref<64x128xf32, #tpu.memory_space<hbm>>
      tpu.wait_dma2 semaphore(%arg8 : memref<!tpu.dma_semaphore, #tpu.memory_space<semaphore_mem>>) src(%dma_wait3A_637 : memref<64x128xf32, #tpu.memory_space<hbm>>) dst(%dma_wait3A_634 : memref<64x128xf32, #tpu.memory_space<vmem>>)
      %slice3A_638 = vector.extract_strided_slice %get3A_11 {offsets = [4], sizes = [1], strides = [1]} : vector<16xi32> to vector<1xi32>
      %squeeze3A_639 = vector.extract %slice3A_638[0] : i32 from vector<1xi32>
      %mul3A_640 = arith.constant 16 : i32
      %mul3A_641 = arith.muli %scan3A_8, %mul3A_640 : i32
      %add3A_642 = arith.constant 4 : i32
      %add3A_643 = arith.addi %mul3A_641, %add3A_642 : i32
      %jit3A_644 = arith.constant 128 : i32
      %div3A_645 = arith.divsi %squeeze3A_639, %jit3A_644 : i32
      %sign3A_646 = arith.constant 0 : i32
      %sign3A_647 = arith.cmpi sgt, %squeeze3A_639, %sign3A_646 : i32
      %sign3A_648 = arith.extui %sign3A_647 : i1 to i32
      %sign3A_649 = arith.constant 0 : i32
      %sign3A_650 = arith.cmpi slt, %squeeze3A_639, %sign3A_649 : i32
      %sign3A_651 = arith.extui %sign3A_650 : i1 to i32
      %sign3A_652 = arith.subi %sign3A_648, %sign3A_651 : i32
      %sign3A_653 = arith.constant 0 : i32
      %sign3A_654 = arith.cmpi sgt, %jit3A_644, %sign3A_653 : i32
      %sign3A_655 = arith.extui %sign3A_654 : i1 to i32
      %sign3A_656 = arith.constant 0 : i32
      %sign3A_657 = arith.cmpi slt, %jit3A_644, %sign3A_656 : i32
      %sign3A_658 = arith.extui %sign3A_657 : i1 to i32
      %sign3A_659 = arith.subi %sign3A_655, %sign3A_658 : i32
      %ne3A_660 = arith.cmpi ne, %sign3A_652, %sign3A_659 : i32
      %rem3A_661 = arith.remsi %squeeze3A_639, %jit3A_644 : i32
      %ne3A_662 = arith.constant 0 : i32
      %ne3A_663 = arith.cmpi ne, %rem3A_661, %ne3A_662 : i32
      %and3A_664 = arith.andi %ne3A_660, %ne3A_663 : i1
      %sub3A_665 = arith.constant 1 : i32
      %sub3A_666 = arith.subi %div3A_645, %sub3A_665 : i32
      %select_n3A_667 = arith.select %and3A_664, %sub3A_666, %div3A_645 : i32
      %mul3A_668 = arith.constant 128 : i32
      %mul3A_669 = arith.muli %select_n3A_667, %mul3A_668 : i32
      %sub3A_670 = arith.subi %squeeze3A_639, %mul3A_669 : i32
      %add3A_671 = arith.constant 0 : i32
      %add3A_672 = vector.broadcast %add3A_671 : i32 to vector<16xi32>
      %add3A_673 = arith.addi %iota3A, %add3A_672 : vector<16xi32>
      %broadcast_in_dim3A_674 = vector.broadcast %sub3A_670 : i32 to vector<16xi32>
      %gather3A_675 = tpu.vector_load_idx %arg6[%add3A_673, %broadcast_in_dim3A_674] : memref<256x128xf32, #tpu.memory_space<vmem>>[vector<16xi32>, vector<16xi32>], vector<16xf32>,
      %add3A_676 = arith.constant 0 : i32
      %add3A_677 = vector.broadcast %add3A_676 : i32 to vector<16xi32>
      %add3A_678 = arith.addi %iota3A, %add3A_677 : vector<16xi32>
      %broadcast_in_dim3A_679 = vector.broadcast %add3A_643 : i32 to vector<16xi32>
      tpu.vector_store_idx %arg7[%add3A_678, %broadcast_in_dim3A_679], %gather3A_675 : memref<64x128xf32, #tpu.memory_space<vmem>>[vector<16xi32>, vector<16xi32>], vector<16xf32>,
      %add3A_680 = arith.constant 16 : i32
      %add3A_681 = vector.broadcast %add3A_680 : i32 to vector<16xi32>
      %add3A_682 = arith.addi %iota3A, %add3A_681 : vector<16xi32>
      %broadcast_in_dim3A_683 = vector.broadcast %sub3A_670 : i32 to vector<16xi32>
      %gather3A_684 = tpu.vector_load_idx %arg6[%add3A_682, %broadcast_in_dim3A_683] : memref<256x128xf32, #tpu.memory_space<vmem>>[vector<16xi32>, vector<16xi32>], vector<16xf32>,
      %add3A_685 = arith.constant 16 : i32
      %add3A_686 = vector.broadcast %add3A_685 : i32 to vector<16xi32>
      %add3A_687 = arith.addi %iota3A, %add3A_686 : vector<16xi32>
      %broadcast_in_dim3A_688 = vector.broadcast %add3A_643 : i32 to vector<16xi32>
      tpu.vector_store_idx %arg7[%add3A_687, %broadcast_in_dim3A_688], %gather3A_684 : memref<64x128xf32, #tpu.memory_space<vmem>>[vector<16xi32>, vector<16xi32>], vector<16xf32>,
      %add3A_689 = arith.constant 32 : i32
      %add3A_690 = vector.broadcast %add3A_689 : i32 to vector<16xi32>
      %add3A_691 = arith.addi %iota3A, %add3A_690 : vector<16xi32>
      %broadcast_in_dim3A_692 = vector.broadcast %sub3A_670 : i32 to vector<16xi32>
      %gather3A_693 = tpu.vector_load_idx %arg6[%add3A_691, %broadcast_in_dim3A_692] : memref<256x128xf32, #tpu.memory_space<vmem>>[vector<16xi32>, vector<16xi32>], vector<16xf32>,
      %add3A_694 = arith.constant 32 : i32
      %add3A_695 = vector.broadcast %add3A_694 : i32 to vector<16xi32>
      %add3A_696 = arith.addi %iota3A, %add3A_695 : vector<16xi32>
      %broadcast_in_dim3A_697 = vector.broadcast %add3A_643 : i32 to vector<16xi32>
      tpu.vector_store_idx %arg7[%add3A_696, %broadcast_in_dim3A_697], %gather3A_693 : memref<64x128xf32, #tpu.memory_space<vmem>>[vector<16xi32>, vector<16xi32>], vector<16xf32>,
      %add3A_698 = arith.constant 48 : i32
      %add3A_699 = vector.broadcast %add3A_698 : i32 to vector<16xi32>
      %add3A_700 = arith.addi %iota3A, %add3A_699 : vector<16xi32>
      %broadcast_in_dim3A_701 = vector.broadcast %sub3A_670 : i32 to vector<16xi32>
      %gather3A_702 = tpu.vector_load_idx %arg6[%add3A_700, %broadcast_in_dim3A_701] : memref<256x128xf32, #tpu.memory_space<vmem>>[vector<16xi32>, vector<16xi32>], vector<16xf32>,
      %add3A_703 = arith.constant 48 : i32
      %add3A_704 = vector.broadcast %add3A_703 : i32 to vector<16xi32>
      %add3A_705 = arith.addi %iota3A, %add3A_704 : vector<16xi32>
      %broadcast_in_dim3A_706 = vector.broadcast %add3A_643 : i32 to vector<16xi32>
      tpu.vector_store_idx %arg7[%add3A_705, %broadcast_in_dim3A_706], %gather3A_702 : memref<64x128xf32, #tpu.memory_space<vmem>>[vector<16xi32>, vector<16xi32>], vector<16xf32>,
      %slice3A_707 = vector.extract_strided_slice %get3A_11 {offsets = [8], sizes = [1], strides = [1]} : vector<16xi32> to vector<1xi32>
      %squeeze3A_708 = vector.extract %slice3A_707[0] : i32 from vector<1xi32>
      %jit3A_709 = arith.constant 128 : i32
      %div3A_710 = arith.divsi %squeeze3A_708, %jit3A_709 : i32
      %sign3A_711 = arith.constant 0 : i32
      %sign3A_712 = arith.cmpi sgt, %squeeze3A_708, %sign3A_711 : i32
      %sign3A_713 = arith.extui %sign3A_712 : i1 to i32
      %sign3A_714 = arith.constant 0 : i32
      %sign3A_715 = arith.cmpi slt, %squeeze3A_708, %sign3A_714 : i32
      %sign3A_716 = arith.extui %sign3A_715 : i1 to i32
      %sign3A_717 = arith.subi %sign3A_713, %sign3A_716 : i32
      %sign3A_718 = arith.constant 0 : i32
      %sign3A_719 = arith.cmpi sgt, %jit3A_709, %sign3A_718 : i32
      %sign3A_720 = arith.extui %sign3A_719 : i1 to i32
      %sign3A_721 = arith.constant 0 : i32
      %sign3A_722 = arith.cmpi slt, %jit3A_709, %sign3A_721 : i32
      %sign3A_723 = arith.extui %sign3A_722 : i1 to i32
      %sign3A_724 = arith.subi %sign3A_720, %sign3A_723 : i32
      %ne3A_725 = arith.cmpi ne, %sign3A_717, %sign3A_724 : i32
      %rem3A_726 = arith.remsi %squeeze3A_708, %jit3A_709 : i32
      %ne3A_727 = arith.constant 0 : i32
      %ne3A_728 = arith.cmpi ne, %rem3A_726, %ne3A_727 : i32
      %and3A_729 = arith.andi %ne3A_725, %ne3A_728 : i1
      %sub3A_730 = arith.constant 1 : i32
      %sub3A_731 = arith.subi %div3A_710, %sub3A_730 : i32
      %select_n3A_732 = arith.select %and3A_729, %sub3A_731, %div3A_710 : i32
      %mul3A_733 = arith.constant 128 : i32
      %mul3A_734 = arith.muli %select_n3A_732, %mul3A_733 : i32
      %dma_start3A_735 = arith.constant 0 : i32
      %dma_start3A_736 = arith.constant 0 : i32
      %dma_start3A_737 = tpu.memref_slice %arg6[%dma_start3A_735, %dma_start3A_736] : memref<256x128xf32, #tpu.memory_space<vmem>> -> memref<64x128xf32, #tpu.memory_space<vmem>>
      %dma_start3A_738 = arith.constant 0 : i32
      %dma_start3A_739 = tpu.memref_slice %arg3[%dma_start3A_738, %mul3A_734] : memref<64x1000001xf32, #tpu.memory_space<hbm>> -> memref<64x128xf32, #tpu.memory_space<hbm>>
      %dma_start3A_740 = arith.constant 0 : i32
      %dma_start3A_741 = arith.constant 0 : i32
      %dma_start3A_742 = tpu.memref_slice %arg6[%dma_start3A_740, %dma_start3A_741] : memref<256x128xf32, #tpu.memory_space<vmem>> -> memref<64x128xf32, #tpu.memory_space<vmem>>
      %dma_start3A_743 = arith.constant 0 : i32
      %dma_start3A_744 = tpu.memref_slice %arg3[%dma_start3A_743, %mul3A_734] : memref<64x1000001xf32, #tpu.memory_space<hbm>> -> memref<64x128xf32, #tpu.memory_space<hbm>>
      tpu.enqueue_dma source(%dma_start3A_744 : memref<64x128xf32, #tpu.memory_space<hbm>>) target(%dma_start3A_742 : memref<64x128xf32, #tpu.memory_space<vmem>>) target_semaphore(%arg8 : memref<!tpu.dma_semaphore, #tpu.memory_space<semaphore_mem>>)
      %dma_wait3A_745 = arith.constant 64 : i32
      %dma_wait3A_746 = arith.constant 0 : i32
      %dma_wait3A_747 = tpu.memref_slice %arg6[%dma_wait3A_745, %dma_wait3A_746] : memref<256x128xf32, #tpu.memory_space<vmem>> -> memref<64x128xf32, #tpu.memory_space<vmem>>
      %dma_wait3A_748 = arith.constant 0 : i32
      %dma_wait3A_749 = arith.constant 0 : i32
      %dma_wait3A_750 = tpu.memref_slice %arg3[%dma_wait3A_748, %dma_wait3A_749] : memref<64x1000001xf32, #tpu.memory_space<hbm>> -> memref<64x128xf32, #tpu.memory_space<hbm>>
      %dma_wait3A_751 = arith.constant 64 : i32
      %dma_wait3A_752 = arith.constant 0 : i32
      %dma_wait3A_753 = tpu.memref_slice %arg6[%dma_wait3A_751, %dma_wait3A_752] : memref<256x128xf32, #tpu.memory_space<vmem>> -> memref<64x128xf32, #tpu.memory_space<vmem>>
      %dma_wait3A_754 = arith.constant 0 : i32
      %dma_wait3A_755 = arith.constant 0 : i32
      %dma_wait3A_756 = tpu.memref_slice %arg3[%dma_wait3A_754, %dma_wait3A_755] : memref<64x1000001xf32, #tpu.memory_space<hbm>> -> memref<64x128xf32, #tpu.memory_space<hbm>>
      tpu.wait_dma2 semaphore(%arg9 : memref<!tpu.dma_semaphore, #tpu.memory_space<semaphore_mem>>) src(%dma_wait3A_756 : memref<64x128xf32, #tpu.memory_space<hbm>>) dst(%dma_wait3A_753 : memref<64x128xf32, #tpu.memory_space<vmem>>)
      %slice3A_757 = vector.extract_strided_slice %get3A_11 {offsets = [5], sizes = [1], strides = [1]} : vector<16xi32> to vector<1xi32>
      %squeeze3A_758 = vector.extract %slice3A_757[0] : i32 from vector<1xi32>
      %mul3A_759 = arith.constant 16 : i32
      %mul3A_760 = arith.muli %scan3A_8, %mul3A_759 : i32
      %add3A_761 = arith.constant 5 : i32
      %add3A_762 = arith.addi %mul3A_760, %add3A_761 : i32
      %jit3A_763 = arith.constant 128 : i32
      %div3A_764 = arith.divsi %squeeze3A_758, %jit3A_763 : i32
      %sign3A_765 = arith.constant 0 : i32
      %sign3A_766 = arith.cmpi sgt, %squeeze3A_758, %sign3A_765 : i32
      %sign3A_767 = arith.extui %sign3A_766 : i1 to i32
      %sign3A_768 = arith.constant 0 : i32
      %sign3A_769 = arith.cmpi slt, %squeeze3A_758, %sign3A_768 : i32
      %sign3A_770 = arith.extui %sign3A_769 : i1 to i32
      %sign3A_771 = arith.subi %sign3A_767, %sign3A_770 : i32
      %sign3A_772 = arith.constant 0 : i32
      %sign3A_773 = arith.cmpi sgt, %jit3A_763, %sign3A_772 : i32
      %sign3A_774 = arith.extui %sign3A_773 : i1 to i32
      %sign3A_775 = arith.constant 0 : i32
      %sign3A_776 = arith.cmpi slt, %jit3A_763, %sign3A_775 : i32
      %sign3A_777 = arith.extui %sign3A_776 : i1 to i32
      %sign3A_778 = arith.subi %sign3A_774, %sign3A_777 : i32
      %ne3A_779 = arith.cmpi ne, %sign3A_771, %sign3A_778 : i32
      %rem3A_780 = arith.remsi %squeeze3A_758, %jit3A_763 : i32
      %ne3A_781 = arith.constant 0 : i32
      %ne3A_782 = arith.cmpi ne, %rem3A_780, %ne3A_781 : i32
      %and3A_783 = arith.andi %ne3A_779, %ne3A_782 : i1
      %sub3A_784 = arith.constant 1 : i32
      %sub3A_785 = arith.subi %div3A_764, %sub3A_784 : i32
      %select_n3A_786 = arith.select %and3A_783, %sub3A_785, %div3A_764 : i32
      %mul3A_787 = arith.constant 128 : i32
      %mul3A_788 = arith.muli %select_n3A_786, %mul3A_787 : i32
      %sub3A_789 = arith.subi %squeeze3A_758, %mul3A_788 : i32
      %add3A_790 = arith.constant 64 : i32
      %add3A_791 = vector.broadcast %add3A_790 : i32 to vector<16xi32>
      %add3A_792 = arith.addi %iota3A, %add3A_791 : vector<16xi32>
      %broadcast_in_dim3A_793 = vector.broadcast %sub3A_789 : i32 to vector<16xi32>
      %gather3A_794 = tpu.vector_load_idx %arg6[%add3A_792, %broadcast_in_dim3A_793] : memref<256x128xf32, #tpu.memory_space<vmem>>[vector<16xi32>, vector<16xi32>], vector<16xf32>,
      %add3A_795 = arith.constant 0 : i32
      %add3A_796 = vector.broadcast %add3A_795 : i32 to vector<16xi32>
      %add3A_797 = arith.addi %iota3A, %add3A_796 : vector<16xi32>
      %broadcast_in_dim3A_798 = vector.broadcast %add3A_762 : i32 to vector<16xi32>
      tpu.vector_store_idx %arg7[%add3A_797, %broadcast_in_dim3A_798], %gather3A_794 : memref<64x128xf32, #tpu.memory_space<vmem>>[vector<16xi32>, vector<16xi32>], vector<16xf32>,
      %add3A_799 = arith.constant 80 : i32
      %add3A_800 = vector.broadcast %add3A_799 : i32 to vector<16xi32>
      %add3A_801 = arith.addi %iota3A, %add3A_800 : vector<16xi32>
      %broadcast_in_dim3A_802 = vector.broadcast %sub3A_789 : i32 to vector<16xi32>
      %gather3A_803 = tpu.vector_load_idx %arg6[%add3A_801, %broadcast_in_dim3A_802] : memref<256x128xf32, #tpu.memory_space<vmem>>[vector<16xi32>, vector<16xi32>], vector<16xf32>,
      %add3A_804 = arith.constant 16 : i32
      %add3A_805 = vector.broadcast %add3A_804 : i32 to vector<16xi32>
      %add3A_806 = arith.addi %iota3A, %add3A_805 : vector<16xi32>
      %broadcast_in_dim3A_807 = vector.broadcast %add3A_762 : i32 to vector<16xi32>
      tpu.vector_store_idx %arg7[%add3A_806, %broadcast_in_dim3A_807], %gather3A_803 : memref<64x128xf32, #tpu.memory_space<vmem>>[vector<16xi32>, vector<16xi32>], vector<16xf32>,
      %add3A_808 = arith.constant 96 : i32
      %add3A_809 = vector.broadcast %add3A_808 : i32 to vector<16xi32>
      %add3A_810 = arith.addi %iota3A, %add3A_809 : vector<16xi32>
      %broadcast_in_dim3A_811 = vector.broadcast %sub3A_789 : i32 to vector<16xi32>
      %gather3A_812 = tpu.vector_load_idx %arg6[%add3A_810, %broadcast_in_dim3A_811] : memref<256x128xf32, #tpu.memory_space<vmem>>[vector<16xi32>, vector<16xi32>], vector<16xf32>,
      %add3A_813 = arith.constant 32 : i32
      %add3A_814 = vector.broadcast %add3A_813 : i32 to vector<16xi32>
      %add3A_815 = arith.addi %iota3A, %add3A_814 : vector<16xi32>
      %broadcast_in_dim3A_816 = vector.broadcast %add3A_762 : i32 to vector<16xi32>
      tpu.vector_store_idx %arg7[%add3A_815, %broadcast_in_dim3A_816], %gather3A_812 : memref<64x128xf32, #tpu.memory_space<vmem>>[vector<16xi32>, vector<16xi32>], vector<16xf32>,
      %add3A_817 = arith.constant 112 : i32
      %add3A_818 = vector.broadcast %add3A_817 : i32 to vector<16xi32>
      %add3A_819 = arith.addi %iota3A, %add3A_818 : vector<16xi32>
      %broadcast_in_dim3A_820 = vector.broadcast %sub3A_789 : i32 to vector<16xi32>
      %gather3A_821 = tpu.vector_load_idx %arg6[%add3A_819, %broadcast_in_dim3A_820] : memref<256x128xf32, #tpu.memory_space<vmem>>[vector<16xi32>, vector<16xi32>], vector<16xf32>,
      %add3A_822 = arith.constant 48 : i32
      %add3A_823 = vector.broadcast %add3A_822 : i32 to vector<16xi32>
      %add3A_824 = arith.addi %iota3A, %add3A_823 : vector<16xi32>
      %broadcast_in_dim3A_825 = vector.broadcast %add3A_762 : i32 to vector<16xi32>
      tpu.vector_store_idx %arg7[%add3A_824, %broadcast_in_dim3A_825], %gather3A_821 : memref<64x128xf32, #tpu.memory_space<vmem>>[vector<16xi32>, vector<16xi32>], vector<16xf32>,
      %slice3A_826 = vector.extract_strided_slice %get3A_11 {offsets = [9], sizes = [1], strides = [1]} : vector<16xi32> to vector<1xi32>
      %squeeze3A_827 = vector.extract %slice3A_826[0] : i32 from vector<1xi32>
      %jit3A_828 = arith.constant 128 : i32
      %div3A_829 = arith.divsi %squeeze3A_827, %jit3A_828 : i32
      %sign3A_830 = arith.constant 0 : i32
      %sign3A_831 = arith.cmpi sgt, %squeeze3A_827, %sign3A_830 : i32
      %sign3A_832 = arith.extui %sign3A_831 : i1 to i32
      %sign3A_833 = arith.constant 0 : i32
      %sign3A_834 = arith.cmpi slt, %squeeze3A_827, %sign3A_833 : i32
      %sign3A_835 = arith.extui %sign3A_834 : i1 to i32
      %sign3A_836 = arith.subi %sign3A_832, %sign3A_835 : i32
      %sign3A_837 = arith.constant 0 : i32
      %sign3A_838 = arith.cmpi sgt, %jit3A_828, %sign3A_837 : i32
      %sign3A_839 = arith.extui %sign3A_838 : i1 to i32
      %sign3A_840 = arith.constant 0 : i32
      %sign3A_841 = arith.cmpi slt, %jit3A_828, %sign3A_840 : i32
      %sign3A_842 = arith.extui %sign3A_841 : i1 to i32
      %sign3A_843 = arith.subi %sign3A_839, %sign3A_842 : i32
      %ne3A_844 = arith.cmpi ne, %sign3A_836, %sign3A_843 : i32
      %rem3A_845 = arith.remsi %squeeze3A_827, %jit3A_828 : i32
      %ne3A_846 = arith.constant 0 : i32
      %ne3A_847 = arith.cmpi ne, %rem3A_845, %ne3A_846 : i32
      %and3A_848 = arith.andi %ne3A_844, %ne3A_847 : i1
      %sub3A_849 = arith.constant 1 : i32
      %sub3A_850 = arith.subi %div3A_829, %sub3A_849 : i32
      %select_n3A_851 = arith.select %and3A_848, %sub3A_850, %div3A_829 : i32
      %mul3A_852 = arith.constant 128 : i32
      %mul3A_853 = arith.muli %select_n3A_851, %mul3A_852 : i32
      %dma_start3A_854 = arith.constant 64 : i32
      %dma_start3A_855 = arith.constant 0 : i32
      %dma_start3A_856 = tpu.memref_slice %arg6[%dma_start3A_854, %dma_start3A_855] : memref<256x128xf32, #tpu.memory_space<vmem>> -> memref<64x128xf32, #tpu.memory_space<vmem>>
      %dma_start3A_857 = arith.constant 0 : i32
      %dma_start3A_858 = tpu.memref_slice %arg3[%dma_start3A_857, %mul3A_853] : memref<64x1000001xf32, #tpu.memory_space<hbm>> -> memref<64x128xf32, #tpu.memory_space<hbm>>
      %dma_start3A_859 = arith.constant 64 : i32
      %dma_start3A_860 = arith.constant 0 : i32
      %dma_start3A_861 = tpu.memref_slice %arg6[%dma_start3A_859, %dma_start3A_860] : memref<256x128xf32, #tpu.memory_space<vmem>> -> memref<64x128xf32, #tpu.memory_space<vmem>>
      %dma_start3A_862 = arith.constant 0 : i32
      %dma_start3A_863 = tpu.memref_slice %arg3[%dma_start3A_862, %mul3A_853] : memref<64x1000001xf32, #tpu.memory_space<hbm>> -> memref<64x128xf32, #tpu.memory_space<hbm>>
      tpu.enqueue_dma source(%dma_start3A_863 : memref<64x128xf32, #tpu.memory_space<hbm>>) target(%dma_start3A_861 : memref<64x128xf32, #tpu.memory_space<vmem>>) target_semaphore(%arg9 : memref<!tpu.dma_semaphore, #tpu.memory_space<semaphore_mem>>)
      %dma_wait3A_864 = arith.constant 128 : i32
      %dma_wait3A_865 = arith.constant 0 : i32
      %dma_wait3A_866 = tpu.memref_slice %arg6[%dma_wait3A_864, %dma_wait3A_865] : memref<256x128xf32, #tpu.memory_space<vmem>> -> memref<64x128xf32, #tpu.memory_space<vmem>>
      %dma_wait3A_867 = arith.constant 0 : i32
      %dma_wait3A_868 = arith.constant 0 : i32
      %dma_wait3A_869 = tpu.memref_slice %arg3[%dma_wait3A_867, %dma_wait3A_868] : memref<64x1000001xf32, #tpu.memory_space<hbm>> -> memref<64x128xf32, #tpu.memory_space<hbm>>
      %dma_wait3A_870 = arith.constant 128 : i32
      %dma_wait3A_871 = arith.constant 0 : i32
      %dma_wait3A_872 = tpu.memref_slice %arg6[%dma_wait3A_870, %dma_wait3A_871] : memref<256x128xf32, #tpu.memory_space<vmem>> -> memref<64x128xf32, #tpu.memory_space<vmem>>
      %dma_wait3A_873 = arith.constant 0 : i32
      %dma_wait3A_874 = arith.constant 0 : i32
      %dma_wait3A_875 = tpu.memref_slice %arg3[%dma_wait3A_873, %dma_wait3A_874] : memref<64x1000001xf32, #tpu.memory_space<hbm>> -> memref<64x128xf32, #tpu.memory_space<hbm>>
      tpu.wait_dma2 semaphore(%arg10 : memref<!tpu.dma_semaphore, #tpu.memory_space<semaphore_mem>>) src(%dma_wait3A_875 : memref<64x128xf32, #tpu.memory_space<hbm>>) dst(%dma_wait3A_872 : memref<64x128xf32, #tpu.memory_space<vmem>>)
      %slice3A_876 = vector.extract_strided_slice %get3A_11 {offsets = [6], sizes = [1], strides = [1]} : vector<16xi32> to vector<1xi32>
      %squeeze3A_877 = vector.extract %slice3A_876[0] : i32 from vector<1xi32>
      %mul3A_878 = arith.constant 16 : i32
      %mul3A_879 = arith.muli %scan3A_8, %mul3A_878 : i32
      %add3A_880 = arith.constant 6 : i32
      %add3A_881 = arith.addi %mul3A_879, %add3A_880 : i32
      %jit3A_882 = arith.constant 128 : i32
      %div3A_883 = arith.divsi %squeeze3A_877, %jit3A_882 : i32
      %sign3A_884 = arith.constant 0 : i32
      %sign3A_885 = arith.cmpi sgt, %squeeze3A_877, %sign3A_884 : i32
      %sign3A_886 = arith.extui %sign3A_885 : i1 to i32
      %sign3A_887 = arith.constant 0 : i32
      %sign3A_888 = arith.cmpi slt, %squeeze3A_877, %sign3A_887 : i32
      %sign3A_889 = arith.extui %sign3A_888 : i1 to i32
      %sign3A_890 = arith.subi %sign3A_886, %sign3A_889 : i32
      %sign3A_891 = arith.constant 0 : i32
      %sign3A_892 = arith.cmpi sgt, %jit3A_882, %sign3A_891 : i32
      %sign3A_893 = arith.extui %sign3A_892 : i1 to i32
      %sign3A_894 = arith.constant 0 : i32
      %sign3A_895 = arith.cmpi slt, %jit3A_882, %sign3A_894 : i32
      %sign3A_896 = arith.extui %sign3A_895 : i1 to i32
      %sign3A_897 = arith.subi %sign3A_893, %sign3A_896 : i32
      %ne3A_898 = arith.cmpi ne, %sign3A_890, %sign3A_897 : i32
      %rem3A_899 = arith.remsi %squeeze3A_877, %jit3A_882 : i32
      %ne3A_900 = arith.constant 0 : i32
      %ne3A_901 = arith.cmpi ne, %rem3A_899, %ne3A_900 : i32
      %and3A_902 = arith.andi %ne3A_898, %ne3A_901 : i1
      %sub3A_903 = arith.constant 1 : i32
      %sub3A_904 = arith.subi %div3A_883, %sub3A_903 : i32
      %select_n3A_905 = arith.select %and3A_902, %sub3A_904, %div3A_883 : i32
      %mul3A_906 = arith.constant 128 : i32
      %mul3A_907 = arith.muli %select_n3A_905, %mul3A_906 : i32
      %sub3A_908 = arith.subi %squeeze3A_877, %mul3A_907 : i32
      %add3A_909 = arith.constant 128 : i32
      %add3A_910 = vector.broadcast %add3A_909 : i32 to vector<16xi32>
      %add3A_911 = arith.addi %iota3A, %add3A_910 : vector<16xi32>
      %broadcast_in_dim3A_912 = vector.broadcast %sub3A_908 : i32 to vector<16xi32>
      %gather3A_913 = tpu.vector_load_idx %arg6[%add3A_911, %broadcast_in_dim3A_912] : memref<256x128xf32, #tpu.memory_space<vmem>>[vector<16xi32>, vector<16xi32>], vector<16xf32>,
      %add3A_914 = arith.constant 0 : i32
      %add3A_915 = vector.broadcast %add3A_914 : i32 to vector<16xi32>
      %add3A_916 = arith.addi %iota3A, %add3A_915 : vector<16xi32>
      %broadcast_in_dim3A_917 = vector.broadcast %add3A_881 : i32 to vector<16xi32>
      tpu.vector_store_idx %arg7[%add3A_916, %broadcast_in_dim3A_917], %gather3A_913 : memref<64x128xf32, #tpu.memory_space<vmem>>[vector<16xi32>, vector<16xi32>], vector<16xf32>,
      %add3A_918 = arith.constant 144 : i32
      %add3A_919 = vector.broadcast %add3A_918 : i32 to vector<16xi32>
      %add3A_920 = arith.addi %iota3A, %add3A_919 : vector<16xi32>
      %broadcast_in_dim3A_921 = vector.broadcast %sub3A_908 : i32 to vector<16xi32>
      %gather3A_922 = tpu.vector_load_idx %arg6[%add3A_920, %broadcast_in_dim3A_921] : memref<256x128xf32, #tpu.memory_space<vmem>>[vector<16xi32>, vector<16xi32>], vector<16xf32>,
      %add3A_923 = arith.constant 16 : i32
      %add3A_924 = vector.broadcast %add3A_923 : i32 to vector<16xi32>
      %add3A_925 = arith.addi %iota3A, %add3A_924 : vector<16xi32>
      %broadcast_in_dim3A_926 = vector.broadcast %add3A_881 : i32 to vector<16xi32>
      tpu.vector_store_idx %arg7[%add3A_925, %broadcast_in_dim3A_926], %gather3A_922 : memref<64x128xf32, #tpu.memory_space<vmem>>[vector<16xi32>, vector<16xi32>], vector<16xf32>,
      %add3A_927 = arith.constant 160 : i32
      %add3A_928 = vector.broadcast %add3A_927 : i32 to vector<16xi32>
      %add3A_929 = arith.addi %iota3A, %add3A_928 : vector<16xi32>
      %broadcast_in_dim3A_930 = vector.broadcast %sub3A_908 : i32 to vector<16xi32>
      %gather3A_931 = tpu.vector_load_idx %arg6[%add3A_929, %broadcast_in_dim3A_930] : memref<256x128xf32, #tpu.memory_space<vmem>>[vector<16xi32>, vector<16xi32>], vector<16xf32>,
      %add3A_932 = arith.constant 32 : i32
      %add3A_933 = vector.broadcast %add3A_932 : i32 to vector<16xi32>
      %add3A_934 = arith.addi %iota3A, %add3A_933 : vector<16xi32>
      %broadcast_in_dim3A_935 = vector.broadcast %add3A_881 : i32 to vector<16xi32>
      tpu.vector_store_idx %arg7[%add3A_934, %broadcast_in_dim3A_935], %gather3A_931 : memref<64x128xf32, #tpu.memory_space<vmem>>[vector<16xi32>, vector<16xi32>], vector<16xf32>,
      %add3A_936 = arith.constant 176 : i32
      %add3A_937 = vector.broadcast %add3A_936 : i32 to vector<16xi32>
      %add3A_938 = arith.addi %iota3A, %add3A_937 : vector<16xi32>
      %broadcast_in_dim3A_939 = vector.broadcast %sub3A_908 : i32 to vector<16xi32>
      %gather3A_940 = tpu.vector_load_idx %arg6[%add3A_938, %broadcast_in_dim3A_939] : memref<256x128xf32, #tpu.memory_space<vmem>>[vector<16xi32>, vector<16xi32>], vector<16xf32>,
      %add3A_941 = arith.constant 48 : i32
      %add3A_942 = vector.broadcast %add3A_941 : i32 to vector<16xi32>
      %add3A_943 = arith.addi %iota3A, %add3A_942 : vector<16xi32>
      %broadcast_in_dim3A_944 = vector.broadcast %add3A_881 : i32 to vector<16xi32>
      tpu.vector_store_idx %arg7[%add3A_943, %broadcast_in_dim3A_944], %gather3A_940 : memref<64x128xf32, #tpu.memory_space<vmem>>[vector<16xi32>, vector<16xi32>], vector<16xf32>,
      %slice3A_945 = vector.extract_strided_slice %get3A_11 {offsets = [10], sizes = [1], strides = [1]} : vector<16xi32> to vector<1xi32>
      %squeeze3A_946 = vector.extract %slice3A_945[0] : i32 from vector<1xi32>
      %jit3A_947 = arith.constant 128 : i32
      %div3A_948 = arith.divsi %squeeze3A_946, %jit3A_947 : i32
      %sign3A_949 = arith.constant 0 : i32
      %sign3A_950 = arith.cmpi sgt, %squeeze3A_946, %sign3A_949 : i32
      %sign3A_951 = arith.extui %sign3A_950 : i1 to i32
      %sign3A_952 = arith.constant 0 : i32
      %sign3A_953 = arith.cmpi slt, %squeeze3A_946, %sign3A_952 : i32
      %sign3A_954 = arith.extui %sign3A_953 : i1 to i32
      %sign3A_955 = arith.subi %sign3A_951, %sign3A_954 : i32
      %sign3A_956 = arith.constant 0 : i32
      %sign3A_957 = arith.cmpi sgt, %jit3A_947, %sign3A_956 : i32
      %sign3A_958 = arith.extui %sign3A_957 : i1 to i32
      %sign3A_959 = arith.constant 0 : i32
      %sign3A_960 = arith.cmpi slt, %jit3A_947, %sign3A_959 : i32
      %sign3A_961 = arith.extui %sign3A_960 : i1 to i32
      %sign3A_962 = arith.subi %sign3A_958, %sign3A_961 : i32
      %ne3A_963 = arith.cmpi ne, %sign3A_955, %sign3A_962 : i32
      %rem3A_964 = arith.remsi %squeeze3A_946, %jit3A_947 : i32
      %ne3A_965 = arith.constant 0 : i32
      %ne3A_966 = arith.cmpi ne, %rem3A_964, %ne3A_965 : i32
      %and3A_967 = arith.andi %ne3A_963, %ne3A_966 : i1
      %sub3A_968 = arith.constant 1 : i32
      %sub3A_969 = arith.subi %div3A_948, %sub3A_968 : i32
      %select_n3A_970 = arith.select %and3A_967, %sub3A_969, %div3A_948 : i32
      %mul3A_971 = arith.constant 128 : i32
      %mul3A_972 = arith.muli %select_n3A_970, %mul3A_971 : i32
      %dma_start3A_973 = arith.constant 128 : i32
      %dma_start3A_974 = arith.constant 0 : i32
      %dma_start3A_975 = tpu.memref_slice %arg6[%dma_start3A_973, %dma_start3A_974] : memref<256x128xf32, #tpu.memory_space<vmem>> -> memref<64x128xf32, #tpu.memory_space<vmem>>
      %dma_start3A_976 = arith.constant 0 : i32
      %dma_start3A_977 = tpu.memref_slice %arg3[%dma_start3A_976, %mul3A_972] : memref<64x1000001xf32, #tpu.memory_space<hbm>> -> memref<64x128xf32, #tpu.memory_space<hbm>>
      %dma_start3A_978 = arith.constant 128 : i32
      %dma_start3A_979 = arith.constant 0 : i32
      %dma_start3A_980 = tpu.memref_slice %arg6[%dma_start3A_978, %dma_start3A_979] : memref<256x128xf32, #tpu.memory_space<vmem>> -> memref<64x128xf32, #tpu.memory_space<vmem>>
      %dma_start3A_981 = arith.constant 0 : i32
      %dma_start3A_982 = tpu.memref_slice %arg3[%dma_start3A_981, %mul3A_972] : memref<64x1000001xf32, #tpu.memory_space<hbm>> -> memref<64x128xf32, #tpu.memory_space<hbm>>
      tpu.enqueue_dma source(%dma_start3A_982 : memref<64x128xf32, #tpu.memory_space<hbm>>) target(%dma_start3A_980 : memref<64x128xf32, #tpu.memory_space<vmem>>) target_semaphore(%arg10 : memref<!tpu.dma_semaphore, #tpu.memory_space<semaphore_mem>>)
      %dma_wait3A_983 = arith.constant 192 : i32
      %dma_wait3A_984 = arith.constant 0 : i32
      %dma_wait3A_985 = tpu.memref_slice %arg6[%dma_wait3A_983, %dma_wait3A_984] : memref<256x128xf32, #tpu.memory_space<vmem>> -> memref<64x128xf32, #tpu.memory_space<vmem>>
      %dma_wait3A_986 = arith.constant 0 : i32
      %dma_wait3A_987 = arith.constant 0 : i32
      %dma_wait3A_988 = tpu.memref_slice %arg3[%dma_wait3A_986, %dma_wait3A_987] : memref<64x1000001xf32, #tpu.memory_space<hbm>> -> memref<64x128xf32, #tpu.memory_space<hbm>>
      %dma_wait3A_989 = arith.constant 192 : i32
      %dma_wait3A_990 = arith.constant 0 : i32
      %dma_wait3A_991 = tpu.memref_slice %arg6[%dma_wait3A_989, %dma_wait3A_990] : memref<256x128xf32, #tpu.memory_space<vmem>> -> memref<64x128xf32, #tpu.memory_space<vmem>>
      %dma_wait3A_992 = arith.constant 0 : i32
      %dma_wait3A_993 = arith.constant 0 : i32
      %dma_wait3A_994 = tpu.memref_slice %arg3[%dma_wait3A_992, %dma_wait3A_993] : memref<64x1000001xf32, #tpu.memory_space<hbm>> -> memref<64x128xf32, #tpu.memory_space<hbm>>
      tpu.wait_dma2 semaphore(%arg11 : memref<!tpu.dma_semaphore, #tpu.memory_space<semaphore_mem>>) src(%dma_wait3A_994 : memref<64x128xf32, #tpu.memory_space<hbm>>) dst(%dma_wait3A_991 : memref<64x128xf32, #tpu.memory_space<vmem>>)
      %slice3A_995 = vector.extract_strided_slice %get3A_11 {offsets = [7], sizes = [1], strides = [1]} : vector<16xi32> to vector<1xi32>
      %squeeze3A_996 = vector.extract %slice3A_995[0] : i32 from vector<1xi32>
      %mul3A_997 = arith.constant 16 : i32
      %mul3A_998 = arith.muli %scan3A_8, %mul3A_997 : i32
      %add3A_999 = arith.constant 7 : i32
      %add3A_1000 = arith.addi %mul3A_998, %add3A_999 : i32
      %jit3A_1001 = arith.constant 128 : i32
      %div3A_1002 = arith.divsi %squeeze3A_996, %jit3A_1001 : i32
      %sign3A_1003 = arith.constant 0 : i32
      %sign3A_1004 = arith.cmpi sgt, %squeeze3A_996, %sign3A_1003 : i32
      %sign3A_1005 = arith.extui %sign3A_1004 : i1 to i32
      %sign3A_1006 = arith.constant 0 : i32
      %sign3A_1007 = arith.cmpi slt, %squeeze3A_996, %sign3A_1006 : i32
      %sign3A_1008 = arith.extui %sign3A_1007 : i1 to i32
      %sign3A_1009 = arith.subi %sign3A_1005, %sign3A_1008 : i32
      %sign3A_1010 = arith.constant 0 : i32
      %sign3A_1011 = arith.cmpi sgt, %jit3A_1001, %sign3A_1010 : i32
      %sign3A_1012 = arith.extui %sign3A_1011 : i1 to i32
      %sign3A_1013 = arith.constant 0 : i32
      %sign3A_1014 = arith.cmpi slt, %jit3A_1001, %sign3A_1013 : i32
      %sign3A_1015 = arith.extui %sign3A_1014 : i1 to i32
      %sign3A_1016 = arith.subi %sign3A_1012, %sign3A_1015 : i32
      %ne3A_1017 = arith.cmpi ne, %sign3A_1009, %sign3A_1016 : i32
      %rem3A_1018 = arith.remsi %squeeze3A_996, %jit3A_1001 : i32
      %ne3A_1019 = arith.constant 0 : i32
      %ne3A_1020 = arith.cmpi ne, %rem3A_1018, %ne3A_1019 : i32
      %and3A_1021 = arith.andi %ne3A_1017, %ne3A_1020 : i1
      %sub3A_1022 = arith.constant 1 : i32
      %sub3A_1023 = arith.subi %div3A_1002, %sub3A_1022 : i32
      %select_n3A_1024 = arith.select %and3A_1021, %sub3A_1023, %div3A_1002 : i32
      %mul3A_1025 = arith.constant 128 : i32
      %mul3A_1026 = arith.muli %select_n3A_1024, %mul3A_1025 : i32
      %sub3A_1027 = arith.subi %squeeze3A_996, %mul3A_1026 : i32
      %add3A_1028 = arith.constant 192 : i32
      %add3A_1029 = vector.broadcast %add3A_1028 : i32 to vector<16xi32>
      %add3A_1030 = arith.addi %iota3A, %add3A_1029 : vector<16xi32>
      %broadcast_in_dim3A_1031 = vector.broadcast %sub3A_1027 : i32 to vector<16xi32>
      %gather3A_1032 = tpu.vector_load_idx %arg6[%add3A_1030, %broadcast_in_dim3A_1031] : memref<256x128xf32, #tpu.memory_space<vmem>>[vector<16xi32>, vector<16xi32>], vector<16xf32>,
      %add3A_1033 = arith.constant 0 : i32
      %add3A_1034 = vector.broadcast %add3A_1033 : i32 to vector<16xi32>
      %add3A_1035 = arith.addi %iota3A, %add3A_1034 : vector<16xi32>
      %broadcast_in_dim3A_1036 = vector.broadcast %add3A_1000 : i32 to vector<16xi32>
      tpu.vector_store_idx %arg7[%add3A_1035, %broadcast_in_dim3A_1036], %gather3A_1032 : memref<64x128xf32, #tpu.memory_space<vmem>>[vector<16xi32>, vector<16xi32>], vector<16xf32>,
      %add3A_1037 = arith.constant 208 : i32
      %add3A_1038 = vector.broadcast %add3A_1037 : i32 to vector<16xi32>
      %add3A_1039 = arith.addi %iota3A, %add3A_1038 : vector<16xi32>
      %broadcast_in_dim3A_1040 = vector.broadcast %sub3A_1027 : i32 to vector<16xi32>
      %gather3A_1041 = tpu.vector_load_idx %arg6[%add3A_1039, %broadcast_in_dim3A_1040] : memref<256x128xf32, #tpu.memory_space<vmem>>[vector<16xi32>, vector<16xi32>], vector<16xf32>,
      %add3A_1042 = arith.constant 16 : i32
      %add3A_1043 = vector.broadcast %add3A_1042 : i32 to vector<16xi32>
      %add3A_1044 = arith.addi %iota3A, %add3A_1043 : vector<16xi32>
      %broadcast_in_dim3A_1045 = vector.broadcast %add3A_1000 : i32 to vector<16xi32>
      tpu.vector_store_idx %arg7[%add3A_1044, %broadcast_in_dim3A_1045], %gather3A_1041 : memref<64x128xf32, #tpu.memory_space<vmem>>[vector<16xi32>, vector<16xi32>], vector<16xf32>,
      %add3A_1046 = arith.constant 224 : i32
      %add3A_1047 = vector.broadcast %add3A_1046 : i32 to vector<16xi32>
      %add3A_1048 = arith.addi %iota3A, %add3A_1047 : vector<16xi32>
      %broadcast_in_dim3A_1049 = vector.broadcast %sub3A_1027 : i32 to vector<16xi32>
      %gather3A_1050 = tpu.vector_load_idx %arg6[%add3A_1048, %broadcast_in_dim3A_1049] : memref<256x128xf32, #tpu.memory_space<vmem>>[vector<16xi32>, vector<16xi32>], vector<16xf32>,
      %add3A_1051 = arith.constant 32 : i32
      %add3A_1052 = vector.broadcast %add3A_1051 : i32 to vector<16xi32>
      %add3A_1053 = arith.addi %iota3A, %add3A_1052 : vector<16xi32>
      %broadcast_in_dim3A_1054 = vector.broadcast %add3A_1000 : i32 to vector<16xi32>
      tpu.vector_store_idx %arg7[%add3A_1053, %broadcast_in_dim3A_1054], %gather3A_1050 : memref<64x128xf32, #tpu.memory_space<vmem>>[vector<16xi32>, vector<16xi32>], vector<16xf32>,
      %add3A_1055 = arith.constant 240 : i32
      %add3A_1056 = vector.broadcast %add3A_1055 : i32 to vector<16xi32>
      %add3A_1057 = arith.addi %iota3A, %add3A_1056 : vector<16xi32>
      %broadcast_in_dim3A_1058 = vector.broadcast %sub3A_1027 : i32 to vector<16xi32>
      %gather3A_1059 = tpu.vector_load_idx %arg6[%add3A_1057, %broadcast_in_dim3A_1058] : memref<256x128xf32, #tpu.memory_space<vmem>>[vector<16xi32>, vector<16xi32>], vector<16xf32>,
      %add3A_1060 = arith.constant 48 : i32
      %add3A_1061 = vector.broadcast %add3A_1060 : i32 to vector<16xi32>
      %add3A_1062 = arith.addi %iota3A, %add3A_1061 : vector<16xi32>
      %broadcast_in_dim3A_1063 = vector.broadcast %add3A_1000 : i32 to vector<16xi32>
      tpu.vector_store_idx %arg7[%add3A_1062, %broadcast_in_dim3A_1063], %gather3A_1059 : memref<64x128xf32, #tpu.memory_space<vmem>>[vector<16xi32>, vector<16xi32>], vector<16xf32>,
      %slice3A_1064 = vector.extract_strided_slice %get3A_11 {offsets = [11], sizes = [1], strides = [1]} : vector<16xi32> to vector<1xi32>
      %squeeze3A_1065 = vector.extract %slice3A_1064[0] : i32 from vector<1xi32>
      %jit3A_1066 = arith.constant 128 : i32
      %div3A_1067 = arith.divsi %squeeze3A_1065, %jit3A_1066 : i32
      %sign3A_1068 = arith.constant 0 : i32
      %sign3A_1069 = arith.cmpi sgt, %squeeze3A_1065, %sign3A_1068 : i32
      %sign3A_1070 = arith.extui %sign3A_1069 : i1 to i32
      %sign3A_1071 = arith.constant 0 : i32
      %sign3A_1072 = arith.cmpi slt, %squeeze3A_1065, %sign3A_1071 : i32
      %sign3A_1073 = arith.extui %sign3A_1072 : i1 to i32
      %sign3A_1074 = arith.subi %sign3A_1070, %sign3A_1073 : i32
      %sign3A_1075 = arith.constant 0 : i32
      %sign3A_1076 = arith.cmpi sgt, %jit3A_1066, %sign3A_1075 : i32
      %sign3A_1077 = arith.extui %sign3A_1076 : i1 to i32
      %sign3A_1078 = arith.constant 0 : i32
      %sign3A_1079 = arith.cmpi slt, %jit3A_1066, %sign3A_1078 : i32
      %sign3A_1080 = arith.extui %sign3A_1079 : i1 to i32
      %sign3A_1081 = arith.subi %sign3A_1077, %sign3A_1080 : i32
      %ne3A_1082 = arith.cmpi ne, %sign3A_1074, %sign3A_1081 : i32
      %rem3A_1083 = arith.remsi %squeeze3A_1065, %jit3A_1066 : i32
      %ne3A_1084 = arith.constant 0 : i32
      %ne3A_1085 = arith.cmpi ne, %rem3A_1083, %ne3A_1084 : i32
      %and3A_1086 = arith.andi %ne3A_1082, %ne3A_1085 : i1
      %sub3A_1087 = arith.constant 1 : i32
      %sub3A_1088 = arith.subi %div3A_1067, %sub3A_1087 : i32
      %select_n3A_1089 = arith.select %and3A_1086, %sub3A_1088, %div3A_1067 : i32
      %mul3A_1090 = arith.constant 128 : i32
      %mul3A_1091 = arith.muli %select_n3A_1089, %mul3A_1090 : i32
      %dma_start3A_1092 = arith.constant 192 : i32
      %dma_start3A_1093 = arith.constant 0 : i32
      %dma_start3A_1094 = tpu.memref_slice %arg6[%dma_start3A_1092, %dma_start3A_1093] : memref<256x128xf32, #tpu.memory_space<vmem>> -> memref<64x128xf32, #tpu.memory_space<vmem>>
      %dma_start3A_1095 = arith.constant 0 : i32
      %dma_start3A_1096 = tpu.memref_slice %arg3[%dma_start3A_1095, %mul3A_1091] : memref<64x1000001xf32, #tpu.memory_space<hbm>> -> memref<64x128xf32, #tpu.memory_space<hbm>>
      %dma_start3A_1097 = arith.constant 192 : i32
      %dma_start3A_1098 = arith.constant 0 : i32
      %dma_start3A_1099 = tpu.memref_slice %arg6[%dma_start3A_1097, %dma_start3A_1098] : memref<256x128xf32, #tpu.memory_space<vmem>> -> memref<64x128xf32, #tpu.memory_space<vmem>>
      %dma_start3A_1100 = arith.constant 0 : i32
      %dma_start3A_1101 = tpu.memref_slice %arg3[%dma_start3A_1100, %mul3A_1091] : memref<64x1000001xf32, #tpu.memory_space<hbm>> -> memref<64x128xf32, #tpu.memory_space<hbm>>
      tpu.enqueue_dma source(%dma_start3A_1101 : memref<64x128xf32, #tpu.memory_space<hbm>>) target(%dma_start3A_1099 : memref<64x128xf32, #tpu.memory_space<vmem>>) target_semaphore(%arg11 : memref<!tpu.dma_semaphore, #tpu.memory_space<semaphore_mem>>)
      %dma_wait3A_1102 = arith.constant 0 : i32
      %dma_wait3A_1103 = arith.constant 0 : i32
      %dma_wait3A_1104 = tpu.memref_slice %arg6[%dma_wait3A_1102, %dma_wait3A_1103] : memref<256x128xf32, #tpu.memory_space<vmem>> -> memref<64x128xf32, #tpu.memory_space<vmem>>
      %dma_wait3A_1105 = arith.constant 0 : i32
      %dma_wait3A_1106 = arith.constant 0 : i32
      %dma_wait3A_1107 = tpu.memref_slice %arg3[%dma_wait3A_1105, %dma_wait3A_1106] : memref<64x1000001xf32, #tpu.memory_space<hbm>> -> memref<64x128xf32, #tpu.memory_space<hbm>>
      %dma_wait3A_1108 = arith.constant 0 : i32
      %dma_wait3A_1109 = arith.constant 0 : i32
      %dma_wait3A_1110 = tpu.memref_slice %arg6[%dma_wait3A_1108, %dma_wait3A_1109] : memref<256x128xf32, #tpu.memory_space<vmem>> -> memref<64x128xf32, #tpu.memory_space<vmem>>
      %dma_wait3A_1111 = arith.constant 0 : i32
      %dma_wait3A_1112 = arith.constant 0 : i32
      %dma_wait3A_1113 = tpu.memref_slice %arg3[%dma_wait3A_1111, %dma_wait3A_1112] : memref<64x1000001xf32, #tpu.memory_space<hbm>> -> memref<64x128xf32, #tpu.memory_space<hbm>>
      tpu.wait_dma2 semaphore(%arg8 : memref<!tpu.dma_semaphore, #tpu.memory_space<semaphore_mem>>) src(%dma_wait3A_1113 : memref<64x128xf32, #tpu.memory_space<hbm>>) dst(%dma_wait3A_1110 : memref<64x128xf32, #tpu.memory_space<vmem>>)
      %slice3A_1114 = vector.extract_strided_slice %get3A_11 {offsets = [8], sizes = [1], strides = [1]} : vector<16xi32> to vector<1xi32>
      %squeeze3A_1115 = vector.extract %slice3A_1114[0] : i32 from vector<1xi32>
      %mul3A_1116 = arith.constant 16 : i32
      %mul3A_1117 = arith.muli %scan3A_8, %mul3A_1116 : i32
      %add3A_1118 = arith.constant 8 : i32
      %add3A_1119 = arith.addi %mul3A_1117, %add3A_1118 : i32
      %jit3A_1120 = arith.constant 128 : i32
      %div3A_1121 = arith.divsi %squeeze3A_1115, %jit3A_1120 : i32
      %sign3A_1122 = arith.constant 0 : i32
      %sign3A_1123 = arith.cmpi sgt, %squeeze3A_1115, %sign3A_1122 : i32
      %sign3A_1124 = arith.extui %sign3A_1123 : i1 to i32
      %sign3A_1125 = arith.constant 0 : i32
      %sign3A_1126 = arith.cmpi slt, %squeeze3A_1115, %sign3A_1125 : i32
      %sign3A_1127 = arith.extui %sign3A_1126 : i1 to i32
      %sign3A_1128 = arith.subi %sign3A_1124, %sign3A_1127 : i32
      %sign3A_1129 = arith.constant 0 : i32
      %sign3A_1130 = arith.cmpi sgt, %jit3A_1120, %sign3A_1129 : i32
      %sign3A_1131 = arith.extui %sign3A_1130 : i1 to i32
      %sign3A_1132 = arith.constant 0 : i32
      %sign3A_1133 = arith.cmpi slt, %jit3A_1120, %sign3A_1132 : i32
      %sign3A_1134 = arith.extui %sign3A_1133 : i1 to i32
      %sign3A_1135 = arith.subi %sign3A_1131, %sign3A_1134 : i32
      %ne3A_1136 = arith.cmpi ne, %sign3A_1128, %sign3A_1135 : i32
      %rem3A_1137 = arith.remsi %squeeze3A_1115, %jit3A_1120 : i32
      %ne3A_1138 = arith.constant 0 : i32
      %ne3A_1139 = arith.cmpi ne, %rem3A_1137, %ne3A_1138 : i32
      %and3A_1140 = arith.andi %ne3A_1136, %ne3A_1139 : i1
      %sub3A_1141 = arith.constant 1 : i32
      %sub3A_1142 = arith.subi %div3A_1121, %sub3A_1141 : i32
      %select_n3A_1143 = arith.select %and3A_1140, %sub3A_1142, %div3A_1121 : i32
      %mul3A_1144 = arith.constant 128 : i32
      %mul3A_1145 = arith.muli %select_n3A_1143, %mul3A_1144 : i32
      %sub3A_1146 = arith.subi %squeeze3A_1115, %mul3A_1145 : i32
      %add3A_1147 = arith.constant 0 : i32
      %add3A_1148 = vector.broadcast %add3A_1147 : i32 to vector<16xi32>
      %add3A_1149 = arith.addi %iota3A, %add3A_1148 : vector<16xi32>
      %broadcast_in_dim3A_1150 = vector.broadcast %sub3A_1146 : i32 to vector<16xi32>
      %gather3A_1151 = tpu.vector_load_idx %arg6[%add3A_1149, %broadcast_in_dim3A_1150] : memref<256x128xf32, #tpu.memory_space<vmem>>[vector<16xi32>, vector<16xi32>], vector<16xf32>,
      %add3A_1152 = arith.constant 0 : i32
      %add3A_1153 = vector.broadcast %add3A_1152 : i32 to vector<16xi32>
      %add3A_1154 = arith.addi %iota3A, %add3A_1153 : vector<16xi32>
      %broadcast_in_dim3A_1155 = vector.broadcast %add3A_1119 : i32 to vector<16xi32>
      tpu.vector_store_idx %arg7[%add3A_1154, %broadcast_in_dim3A_1155], %gather3A_1151 : memref<64x128xf32, #tpu.memory_space<vmem>>[vector<16xi32>, vector<16xi32>], vector<16xf32>,
      %add3A_1156 = arith.constant 16 : i32
      %add3A_1157 = vector.broadcast %add3A_1156 : i32 to vector<16xi32>
      %add3A_1158 = arith.addi %iota3A, %add3A_1157 : vector<16xi32>
      %broadcast_in_dim3A_1159 = vector.broadcast %sub3A_1146 : i32 to vector<16xi32>
      %gather3A_1160 = tpu.vector_load_idx %arg6[%add3A_1158, %broadcast_in_dim3A_1159] : memref<256x128xf32, #tpu.memory_space<vmem>>[vector<16xi32>, vector<16xi32>], vector<16xf32>,
      %add3A_1161 = arith.constant 16 : i32
      %add3A_1162 = vector.broadcast %add3A_1161 : i32 to vector<16xi32>
      %add3A_1163 = arith.addi %iota3A, %add3A_1162 : vector<16xi32>
      %broadcast_in_dim3A_1164 = vector.broadcast %add3A_1119 : i32 to vector<16xi32>
      tpu.vector_store_idx %arg7[%add3A_1163, %broadcast_in_dim3A_1164], %gather3A_1160 : memref<64x128xf32, #tpu.memory_space<vmem>>[vector<16xi32>, vector<16xi32>], vector<16xf32>,
      %add3A_1165 = arith.constant 32 : i32
      %add3A_1166 = vector.broadcast %add3A_1165 : i32 to vector<16xi32>
      %add3A_1167 = arith.addi %iota3A, %add3A_1166 : vector<16xi32>
      %broadcast_in_dim3A_1168 = vector.broadcast %sub3A_1146 : i32 to vector<16xi32>
      %gather3A_1169 = tpu.vector_load_idx %arg6[%add3A_1167, %broadcast_in_dim3A_1168] : memref<256x128xf32, #tpu.memory_space<vmem>>[vector<16xi32>, vector<16xi32>], vector<16xf32>,
      %add3A_1170 = arith.constant 32 : i32
      %add3A_1171 = vector.broadcast %add3A_1170 : i32 to vector<16xi32>
      %add3A_1172 = arith.addi %iota3A, %add3A_1171 : vector<16xi32>
      %broadcast_in_dim3A_1173 = vector.broadcast %add3A_1119 : i32 to vector<16xi32>
      tpu.vector_store_idx %arg7[%add3A_1172, %broadcast_in_dim3A_1173], %gather3A_1169 : memref<64x128xf32, #tpu.memory_space<vmem>>[vector<16xi32>, vector<16xi32>], vector<16xf32>,
      %add3A_1174 = arith.constant 48 : i32
      %add3A_1175 = vector.broadcast %add3A_1174 : i32 to vector<16xi32>
      %add3A_1176 = arith.addi %iota3A, %add3A_1175 : vector<16xi32>
      %broadcast_in_dim3A_1177 = vector.broadcast %sub3A_1146 : i32 to vector<16xi32>
      %gather3A_1178 = tpu.vector_load_idx %arg6[%add3A_1176, %broadcast_in_dim3A_1177] : memref<256x128xf32, #tpu.memory_space<vmem>>[vector<16xi32>, vector<16xi32>], vector<16xf32>,
      %add3A_1179 = arith.constant 48 : i32
      %add3A_1180 = vector.broadcast %add3A_1179 : i32 to vector<16xi32>
      %add3A_1181 = arith.addi %iota3A, %add3A_1180 : vector<16xi32>
      %broadcast_in_dim3A_1182 = vector.broadcast %add3A_1119 : i32 to vector<16xi32>
      tpu.vector_store_idx %arg7[%add3A_1181, %broadcast_in_dim3A_1182], %gather3A_1178 : memref<64x128xf32, #tpu.memory_space<vmem>>[vector<16xi32>, vector<16xi32>], vector<16xf32>,
      %slice3A_1183 = vector.extract_strided_slice %get3A_11 {offsets = [12], sizes = [1], strides = [1]} : vector<16xi32> to vector<1xi32>
      %squeeze3A_1184 = vector.extract %slice3A_1183[0] : i32 from vector<1xi32>
      %jit3A_1185 = arith.constant 128 : i32
      %div3A_1186 = arith.divsi %squeeze3A_1184, %jit3A_1185 : i32
      %sign3A_1187 = arith.constant 0 : i32
      %sign3A_1188 = arith.cmpi sgt, %squeeze3A_1184, %sign3A_1187 : i32
      %sign3A_1189 = arith.extui %sign3A_1188 : i1 to i32
      %sign3A_1190 = arith.constant 0 : i32
      %sign3A_1191 = arith.cmpi slt, %squeeze3A_1184, %sign3A_1190 : i32
      %sign3A_1192 = arith.extui %sign3A_1191 : i1 to i32
      %sign3A_1193 = arith.subi %sign3A_1189, %sign3A_1192 : i32
      %sign3A_1194 = arith.constant 0 : i32
      %sign3A_1195 = arith.cmpi sgt, %jit3A_1185, %sign3A_1194 : i32
      %sign3A_1196 = arith.extui %sign3A_1195 : i1 to i32
      %sign3A_1197 = arith.constant 0 : i32
      %sign3A_1198 = arith.cmpi slt, %jit3A_1185, %sign3A_1197 : i32
      %sign3A_1199 = arith.extui %sign3A_1198 : i1 to i32
      %sign3A_1200 = arith.subi %sign3A_1196, %sign3A_1199 : i32
      %ne3A_1201 = arith.cmpi ne, %sign3A_1193, %sign3A_1200 : i32
      %rem3A_1202 = arith.remsi %squeeze3A_1184, %jit3A_1185 : i32
      %ne3A_1203 = arith.constant 0 : i32
      %ne3A_1204 = arith.cmpi ne, %rem3A_1202, %ne3A_1203 : i32
      %and3A_1205 = arith.andi %ne3A_1201, %ne3A_1204 : i1
      %sub3A_1206 = arith.constant 1 : i32
      %sub3A_1207 = arith.subi %div3A_1186, %sub3A_1206 : i32
      %select_n3A_1208 = arith.select %and3A_1205, %sub3A_1207, %div3A_1186 : i32
      %mul3A_1209 = arith.constant 128 : i32
      %mul3A_1210 = arith.muli %select_n3A_1208, %mul3A_1209 : i32
      %dma_start3A_1211 = arith.constant 0 : i32
      %dma_start3A_1212 = arith.constant 0 : i32
      %dma_start3A_1213 = tpu.memref_slice %arg6[%dma_start3A_1211, %dma_start3A_1212] : memref<256x128xf32, #tpu.memory_space<vmem>> -> memref<64x128xf32, #tpu.memory_space<vmem>>
      %dma_start3A_1214 = arith.constant 0 : i32
      %dma_start3A_1215 = tpu.memref_slice %arg3[%dma_start3A_1214, %mul3A_1210] : memref<64x1000001xf32, #tpu.memory_space<hbm>> -> memref<64x128xf32, #tpu.memory_space<hbm>>
      %dma_start3A_1216 = arith.constant 0 : i32
      %dma_start3A_1217 = arith.constant 0 : i32
      %dma_start3A_1218 = tpu.memref_slice %arg6[%dma_start3A_1216, %dma_start3A_1217] : memref<256x128xf32, #tpu.memory_space<vmem>> -> memref<64x128xf32, #tpu.memory_space<vmem>>
      %dma_start3A_1219 = arith.constant 0 : i32
      %dma_start3A_1220 = tpu.memref_slice %arg3[%dma_start3A_1219, %mul3A_1210] : memref<64x1000001xf32, #tpu.memory_space<hbm>> -> memref<64x128xf32, #tpu.memory_space<hbm>>
      tpu.enqueue_dma source(%dma_start3A_1220 : memref<64x128xf32, #tpu.memory_space<hbm>>) target(%dma_start3A_1218 : memref<64x128xf32, #tpu.memory_space<vmem>>) target_semaphore(%arg8 : memref<!tpu.dma_semaphore, #tpu.memory_space<semaphore_mem>>)
      %dma_wait3A_1221 = arith.constant 64 : i32
      %dma_wait3A_1222 = arith.constant 0 : i32
      %dma_wait3A_1223 = tpu.memref_slice %arg6[%dma_wait3A_1221, %dma_wait3A_1222] : memref<256x128xf32, #tpu.memory_space<vmem>> -> memref<64x128xf32, #tpu.memory_space<vmem>>
      %dma_wait3A_1224 = arith.constant 0 : i32
      %dma_wait3A_1225 = arith.constant 0 : i32
      %dma_wait3A_1226 = tpu.memref_slice %arg3[%dma_wait3A_1224, %dma_wait3A_1225] : memref<64x1000001xf32, #tpu.memory_space<hbm>> -> memref<64x128xf32, #tpu.memory_space<hbm>>
      %dma_wait3A_1227 = arith.constant 64 : i32
      %dma_wait3A_1228 = arith.constant 0 : i32
      %dma_wait3A_1229 = tpu.memref_slice %arg6[%dma_wait3A_1227, %dma_wait3A_1228] : memref<256x128xf32, #tpu.memory_space<vmem>> -> memref<64x128xf32, #tpu.memory_space<vmem>>
      %dma_wait3A_1230 = arith.constant 0 : i32
      %dma_wait3A_1231 = arith.constant 0 : i32
      %dma_wait3A_1232 = tpu.memref_slice %arg3[%dma_wait3A_1230, %dma_wait3A_1231] : memref<64x1000001xf32, #tpu.memory_space<hbm>> -> memref<64x128xf32, #tpu.memory_space<hbm>>
      tpu.wait_dma2 semaphore(%arg9 : memref<!tpu.dma_semaphore, #tpu.memory_space<semaphore_mem>>) src(%dma_wait3A_1232 : memref<64x128xf32, #tpu.memory_space<hbm>>) dst(%dma_wait3A_1229 : memref<64x128xf32, #tpu.memory_space<vmem>>)
      %slice3A_1233 = vector.extract_strided_slice %get3A_11 {offsets = [9], sizes = [1], strides = [1]} : vector<16xi32> to vector<1xi32>
      %squeeze3A_1234 = vector.extract %slice3A_1233[0] : i32 from vector<1xi32>
      %mul3A_1235 = arith.constant 16 : i32
      %mul3A_1236 = arith.muli %scan3A_8, %mul3A_1235 : i32
      %add3A_1237 = arith.constant 9 : i32
      %add3A_1238 = arith.addi %mul3A_1236, %add3A_1237 : i32
      %jit3A_1239 = arith.constant 128 : i32
      %div3A_1240 = arith.divsi %squeeze3A_1234, %jit3A_1239 : i32
      %sign3A_1241 = arith.constant 0 : i32
      %sign3A_1242 = arith.cmpi sgt, %squeeze3A_1234, %sign3A_1241 : i32
      %sign3A_1243 = arith.extui %sign3A_1242 : i1 to i32
      %sign3A_1244 = arith.constant 0 : i32
      %sign3A_1245 = arith.cmpi slt, %squeeze3A_1234, %sign3A_1244 : i32
      %sign3A_1246 = arith.extui %sign3A_1245 : i1 to i32
      %sign3A_1247 = arith.subi %sign3A_1243, %sign3A_1246 : i32
      %sign3A_1248 = arith.constant 0 : i32
      %sign3A_1249 = arith.cmpi sgt, %jit3A_1239, %sign3A_1248 : i32
      %sign3A_1250 = arith.extui %sign3A_1249 : i1 to i32
      %sign3A_1251 = arith.constant 0 : i32
      %sign3A_1252 = arith.cmpi slt, %jit3A_1239, %sign3A_1251 : i32
      %sign3A_1253 = arith.extui %sign3A_1252 : i1 to i32
      %sign3A_1254 = arith.subi %sign3A_1250, %sign3A_1253 : i32
      %ne3A_1255 = arith.cmpi ne, %sign3A_1247, %sign3A_1254 : i32
      %rem3A_1256 = arith.remsi %squeeze3A_1234, %jit3A_1239 : i32
      %ne3A_1257 = arith.constant 0 : i32
      %ne3A_1258 = arith.cmpi ne, %rem3A_1256, %ne3A_1257 : i32
      %and3A_1259 = arith.andi %ne3A_1255, %ne3A_1258 : i1
      %sub3A_1260 = arith.constant 1 : i32
      %sub3A_1261 = arith.subi %div3A_1240, %sub3A_1260 : i32
      %select_n3A_1262 = arith.select %and3A_1259, %sub3A_1261, %div3A_1240 : i32
      %mul3A_1263 = arith.constant 128 : i32
      %mul3A_1264 = arith.muli %select_n3A_1262, %mul3A_1263 : i32
      %sub3A_1265 = arith.subi %squeeze3A_1234, %mul3A_1264 : i32
      %add3A_1266 = arith.constant 64 : i32
      %add3A_1267 = vector.broadcast %add3A_1266 : i32 to vector<16xi32>
      %add3A_1268 = arith.addi %iota3A, %add3A_1267 : vector<16xi32>
      %broadcast_in_dim3A_1269 = vector.broadcast %sub3A_1265 : i32 to vector<16xi32>
      %gather3A_1270 = tpu.vector_load_idx %arg6[%add3A_1268, %broadcast_in_dim3A_1269] : memref<256x128xf32, #tpu.memory_space<vmem>>[vector<16xi32>, vector<16xi32>], vector<16xf32>,
      %add3A_1271 = arith.constant 0 : i32
      %add3A_1272 = vector.broadcast %add3A_1271 : i32 to vector<16xi32>
      %add3A_1273 = arith.addi %iota3A, %add3A_1272 : vector<16xi32>
      %broadcast_in_dim3A_1274 = vector.broadcast %add3A_1238 : i32 to vector<16xi32>
      tpu.vector_store_idx %arg7[%add3A_1273, %broadcast_in_dim3A_1274], %gather3A_1270 : memref<64x128xf32, #tpu.memory_space<vmem>>[vector<16xi32>, vector<16xi32>], vector<16xf32>,
      %add3A_1275 = arith.constant 80 : i32
      %add3A_1276 = vector.broadcast %add3A_1275 : i32 to vector<16xi32>
      %add3A_1277 = arith.addi %iota3A, %add3A_1276 : vector<16xi32>
      %broadcast_in_dim3A_1278 = vector.broadcast %sub3A_1265 : i32 to vector<16xi32>
      %gather3A_1279 = tpu.vector_load_idx %arg6[%add3A_1277, %broadcast_in_dim3A_1278] : memref<256x128xf32, #tpu.memory_space<vmem>>[vector<16xi32>, vector<16xi32>], vector<16xf32>,
      %add3A_1280 = arith.constant 16 : i32
      %add3A_1281 = vector.broadcast %add3A_1280 : i32 to vector<16xi32>
      %add3A_1282 = arith.addi %iota3A, %add3A_1281 : vector<16xi32>
      %broadcast_in_dim3A_1283 = vector.broadcast %add3A_1238 : i32 to vector<16xi32>
      tpu.vector_store_idx %arg7[%add3A_1282, %broadcast_in_dim3A_1283], %gather3A_1279 : memref<64x128xf32, #tpu.memory_space<vmem>>[vector<16xi32>, vector<16xi32>], vector<16xf32>,
      %add3A_1284 = arith.constant 96 : i32
      %add3A_1285 = vector.broadcast %add3A_1284 : i32 to vector<16xi32>
      %add3A_1286 = arith.addi %iota3A, %add3A_1285 : vector<16xi32>
      %broadcast_in_dim3A_1287 = vector.broadcast %sub3A_1265 : i32 to vector<16xi32>
      %gather3A_1288 = tpu.vector_load_idx %arg6[%add3A_1286, %broadcast_in_dim3A_1287] : memref<256x128xf32, #tpu.memory_space<vmem>>[vector<16xi32>, vector<16xi32>], vector<16xf32>,
      %add3A_1289 = arith.constant 32 : i32
      %add3A_1290 = vector.broadcast %add3A_1289 : i32 to vector<16xi32>
      %add3A_1291 = arith.addi %iota3A, %add3A_1290 : vector<16xi32>
      %broadcast_in_dim3A_1292 = vector.broadcast %add3A_1238 : i32 to vector<16xi32>
      tpu.vector_store_idx %arg7[%add3A_1291, %broadcast_in_dim3A_1292], %gather3A_1288 : memref<64x128xf32, #tpu.memory_space<vmem>>[vector<16xi32>, vector<16xi32>], vector<16xf32>,
      %add3A_1293 = arith.constant 112 : i32
      %add3A_1294 = vector.broadcast %add3A_1293 : i32 to vector<16xi32>
      %add3A_1295 = arith.addi %iota3A, %add3A_1294 : vector<16xi32>
      %broadcast_in_dim3A_1296 = vector.broadcast %sub3A_1265 : i32 to vector<16xi32>
      %gather3A_1297 = tpu.vector_load_idx %arg6[%add3A_1295, %broadcast_in_dim3A_1296] : memref<256x128xf32, #tpu.memory_space<vmem>>[vector<16xi32>, vector<16xi32>], vector<16xf32>,
      %add3A_1298 = arith.constant 48 : i32
      %add3A_1299 = vector.broadcast %add3A_1298 : i32 to vector<16xi32>
      %add3A_1300 = arith.addi %iota3A, %add3A_1299 : vector<16xi32>
      %broadcast_in_dim3A_1301 = vector.broadcast %add3A_1238 : i32 to vector<16xi32>
      tpu.vector_store_idx %arg7[%add3A_1300, %broadcast_in_dim3A_1301], %gather3A_1297 : memref<64x128xf32, #tpu.memory_space<vmem>>[vector<16xi32>, vector<16xi32>], vector<16xf32>,
      %slice3A_1302 = vector.extract_strided_slice %get3A_11 {offsets = [13], sizes = [1], strides = [1]} : vector<16xi32> to vector<1xi32>
      %squeeze3A_1303 = vector.extract %slice3A_1302[0] : i32 from vector<1xi32>
      %jit3A_1304 = arith.constant 128 : i32
      %div3A_1305 = arith.divsi %squeeze3A_1303, %jit3A_1304 : i32
      %sign3A_1306 = arith.constant 0 : i32
      %sign3A_1307 = arith.cmpi sgt, %squeeze3A_1303, %sign3A_1306 : i32
      %sign3A_1308 = arith.extui %sign3A_1307 : i1 to i32
      %sign3A_1309 = arith.constant 0 : i32
      %sign3A_1310 = arith.cmpi slt, %squeeze3A_1303, %sign3A_1309 : i32
      %sign3A_1311 = arith.extui %sign3A_1310 : i1 to i32
      %sign3A_1312 = arith.subi %sign3A_1308, %sign3A_1311 : i32
      %sign3A_1313 = arith.constant 0 : i32
      %sign3A_1314 = arith.cmpi sgt, %jit3A_1304, %sign3A_1313 : i32
      %sign3A_1315 = arith.extui %sign3A_1314 : i1 to i32
      %sign3A_1316 = arith.constant 0 : i32
      %sign3A_1317 = arith.cmpi slt, %jit3A_1304, %sign3A_1316 : i32
      %sign3A_1318 = arith.extui %sign3A_1317 : i1 to i32
      %sign3A_1319 = arith.subi %sign3A_1315, %sign3A_1318 : i32
      %ne3A_1320 = arith.cmpi ne, %sign3A_1312, %sign3A_1319 : i32
      %rem3A_1321 = arith.remsi %squeeze3A_1303, %jit3A_1304 : i32
      %ne3A_1322 = arith.constant 0 : i32
      %ne3A_1323 = arith.cmpi ne, %rem3A_1321, %ne3A_1322 : i32
      %and3A_1324 = arith.andi %ne3A_1320, %ne3A_1323 : i1
      %sub3A_1325 = arith.constant 1 : i32
      %sub3A_1326 = arith.subi %div3A_1305, %sub3A_1325 : i32
      %select_n3A_1327 = arith.select %and3A_1324, %sub3A_1326, %div3A_1305 : i32
      %mul3A_1328 = arith.constant 128 : i32
      %mul3A_1329 = arith.muli %select_n3A_1327, %mul3A_1328 : i32
      %dma_start3A_1330 = arith.constant 64 : i32
      %dma_start3A_1331 = arith.constant 0 : i32
      %dma_start3A_1332 = tpu.memref_slice %arg6[%dma_start3A_1330, %dma_start3A_1331] : memref<256x128xf32, #tpu.memory_space<vmem>> -> memref<64x128xf32, #tpu.memory_space<vmem>>
      %dma_start3A_1333 = arith.constant 0 : i32
      %dma_start3A_1334 = tpu.memref_slice %arg3[%dma_start3A_1333, %mul3A_1329] : memref<64x1000001xf32, #tpu.memory_space<hbm>> -> memref<64x128xf32, #tpu.memory_space<hbm>>
      %dma_start3A_1335 = arith.constant 64 : i32
      %dma_start3A_1336 = arith.constant 0 : i32
      %dma_start3A_1337 = tpu.memref_slice %arg6[%dma_start3A_1335, %dma_start3A_1336] : memref<256x128xf32, #tpu.memory_space<vmem>> -> memref<64x128xf32, #tpu.memory_space<vmem>>
      %dma_start3A_1338 = arith.constant 0 : i32
      %dma_start3A_1339 = tpu.memref_slice %arg3[%dma_start3A_1338, %mul3A_1329] : memref<64x1000001xf32, #tpu.memory_space<hbm>> -> memref<64x128xf32, #tpu.memory_space<hbm>>
      tpu.enqueue_dma source(%dma_start3A_1339 : memref<64x128xf32, #tpu.memory_space<hbm>>) target(%dma_start3A_1337 : memref<64x128xf32, #tpu.memory_space<vmem>>) target_semaphore(%arg9 : memref<!tpu.dma_semaphore, #tpu.memory_space<semaphore_mem>>)
      %dma_wait3A_1340 = arith.constant 128 : i32
      %dma_wait3A_1341 = arith.constant 0 : i32
      %dma_wait3A_1342 = tpu.memref_slice %arg6[%dma_wait3A_1340, %dma_wait3A_1341] : memref<256x128xf32, #tpu.memory_space<vmem>> -> memref<64x128xf32, #tpu.memory_space<vmem>>
      %dma_wait3A_1343 = arith.constant 0 : i32
      %dma_wait3A_1344 = arith.constant 0 : i32
      %dma_wait3A_1345 = tpu.memref_slice %arg3[%dma_wait3A_1343, %dma_wait3A_1344] : memref<64x1000001xf32, #tpu.memory_space<hbm>> -> memref<64x128xf32, #tpu.memory_space<hbm>>
      %dma_wait3A_1346 = arith.constant 128 : i32
      %dma_wait3A_1347 = arith.constant 0 : i32
      %dma_wait3A_1348 = tpu.memref_slice %arg6[%dma_wait3A_1346, %dma_wait3A_1347] : memref<256x128xf32, #tpu.memory_space<vmem>> -> memref<64x128xf32, #tpu.memory_space<vmem>>
      %dma_wait3A_1349 = arith.constant 0 : i32
      %dma_wait3A_1350 = arith.constant 0 : i32
      %dma_wait3A_1351 = tpu.memref_slice %arg3[%dma_wait3A_1349, %dma_wait3A_1350] : memref<64x1000001xf32, #tpu.memory_space<hbm>> -> memref<64x128xf32, #tpu.memory_space<hbm>>
      tpu.wait_dma2 semaphore(%arg10 : memref<!tpu.dma_semaphore, #tpu.memory_space<semaphore_mem>>) src(%dma_wait3A_1351 : memref<64x128xf32, #tpu.memory_space<hbm>>) dst(%dma_wait3A_1348 : memref<64x128xf32, #tpu.memory_space<vmem>>)
      %slice3A_1352 = vector.extract_strided_slice %get3A_11 {offsets = [10], sizes = [1], strides = [1]} : vector<16xi32> to vector<1xi32>
      %squeeze3A_1353 = vector.extract %slice3A_1352[0] : i32 from vector<1xi32>
      %mul3A_1354 = arith.constant 16 : i32
      %mul3A_1355 = arith.muli %scan3A_8, %mul3A_1354 : i32
      %add3A_1356 = arith.constant 10 : i32
      %add3A_1357 = arith.addi %mul3A_1355, %add3A_1356 : i32
      %jit3A_1358 = arith.constant 128 : i32
      %div3A_1359 = arith.divsi %squeeze3A_1353, %jit3A_1358 : i32
      %sign3A_1360 = arith.constant 0 : i32
      %sign3A_1361 = arith.cmpi sgt, %squeeze3A_1353, %sign3A_1360 : i32
      %sign3A_1362 = arith.extui %sign3A_1361 : i1 to i32
      %sign3A_1363 = arith.constant 0 : i32
      %sign3A_1364 = arith.cmpi slt, %squeeze3A_1353, %sign3A_1363 : i32
      %sign3A_1365 = arith.extui %sign3A_1364 : i1 to i32
      %sign3A_1366 = arith.subi %sign3A_1362, %sign3A_1365 : i32
      %sign3A_1367 = arith.constant 0 : i32
      %sign3A_1368 = arith.cmpi sgt, %jit3A_1358, %sign3A_1367 : i32
      %sign3A_1369 = arith.extui %sign3A_1368 : i1 to i32
      %sign3A_1370 = arith.constant 0 : i32
      %sign3A_1371 = arith.cmpi slt, %jit3A_1358, %sign3A_1370 : i32
      %sign3A_1372 = arith.extui %sign3A_1371 : i1 to i32
      %sign3A_1373 = arith.subi %sign3A_1369, %sign3A_1372 : i32
      %ne3A_1374 = arith.cmpi ne, %sign3A_1366, %sign3A_1373 : i32
      %rem3A_1375 = arith.remsi %squeeze3A_1353, %jit3A_1358 : i32
      %ne3A_1376 = arith.constant 0 : i32
      %ne3A_1377 = arith.cmpi ne, %rem3A_1375, %ne3A_1376 : i32
      %and3A_1378 = arith.andi %ne3A_1374, %ne3A_1377 : i1
      %sub3A_1379 = arith.constant 1 : i32
      %sub3A_1380 = arith.subi %div3A_1359, %sub3A_1379 : i32
      %select_n3A_1381 = arith.select %and3A_1378, %sub3A_1380, %div3A_1359 : i32
      %mul3A_1382 = arith.constant 128 : i32
      %mul3A_1383 = arith.muli %select_n3A_1381, %mul3A_1382 : i32
      %sub3A_1384 = arith.subi %squeeze3A_1353, %mul3A_1383 : i32
      %add3A_1385 = arith.constant 128 : i32
      %add3A_1386 = vector.broadcast %add3A_1385 : i32 to vector<16xi32>
      %add3A_1387 = arith.addi %iota3A, %add3A_1386 : vector<16xi32>
      %broadcast_in_dim3A_1388 = vector.broadcast %sub3A_1384 : i32 to vector<16xi32>
      %gather3A_1389 = tpu.vector_load_idx %arg6[%add3A_1387, %broadcast_in_dim3A_1388] : memref<256x128xf32, #tpu.memory_space<vmem>>[vector<16xi32>, vector<16xi32>], vector<16xf32>,
      %add3A_1390 = arith.constant 0 : i32
      %add3A_1391 = vector.broadcast %add3A_1390 : i32 to vector<16xi32>
      %add3A_1392 = arith.addi %iota3A, %add3A_1391 : vector<16xi32>
      %broadcast_in_dim3A_1393 = vector.broadcast %add3A_1357 : i32 to vector<16xi32>
      tpu.vector_store_idx %arg7[%add3A_1392, %broadcast_in_dim3A_1393], %gather3A_1389 : memref<64x128xf32, #tpu.memory_space<vmem>>[vector<16xi32>, vector<16xi32>], vector<16xf32>,
      %add3A_1394 = arith.constant 144 : i32
      %add3A_1395 = vector.broadcast %add3A_1394 : i32 to vector<16xi32>
      %add3A_1396 = arith.addi %iota3A, %add3A_1395 : vector<16xi32>
      %broadcast_in_dim3A_1397 = vector.broadcast %sub3A_1384 : i32 to vector<16xi32>
      %gather3A_1398 = tpu.vector_load_idx %arg6[%add3A_1396, %broadcast_in_dim3A_1397] : memref<256x128xf32, #tpu.memory_space<vmem>>[vector<16xi32>, vector<16xi32>], vector<16xf32>,
      %add3A_1399 = arith.constant 16 : i32
      %add3A_1400 = vector.broadcast %add3A_1399 : i32 to vector<16xi32>
      %add3A_1401 = arith.addi %iota3A, %add3A_1400 : vector<16xi32>
      %broadcast_in_dim3A_1402 = vector.broadcast %add3A_1357 : i32 to vector<16xi32>
      tpu.vector_store_idx %arg7[%add3A_1401, %broadcast_in_dim3A_1402], %gather3A_1398 : memref<64x128xf32, #tpu.memory_space<vmem>>[vector<16xi32>, vector<16xi32>], vector<16xf32>,
      %add3A_1403 = arith.constant 160 : i32
      %add3A_1404 = vector.broadcast %add3A_1403 : i32 to vector<16xi32>
      %add3A_1405 = arith.addi %iota3A, %add3A_1404 : vector<16xi32>
      %broadcast_in_dim3A_1406 = vector.broadcast %sub3A_1384 : i32 to vector<16xi32>
      %gather3A_1407 = tpu.vector_load_idx %arg6[%add3A_1405, %broadcast_in_dim3A_1406] : memref<256x128xf32, #tpu.memory_space<vmem>>[vector<16xi32>, vector<16xi32>], vector<16xf32>,
      %add3A_1408 = arith.constant 32 : i32
      %add3A_1409 = vector.broadcast %add3A_1408 : i32 to vector<16xi32>
      %add3A_1410 = arith.addi %iota3A, %add3A_1409 : vector<16xi32>
      %broadcast_in_dim3A_1411 = vector.broadcast %add3A_1357 : i32 to vector<16xi32>
      tpu.vector_store_idx %arg7[%add3A_1410, %broadcast_in_dim3A_1411], %gather3A_1407 : memref<64x128xf32, #tpu.memory_space<vmem>>[vector<16xi32>, vector<16xi32>], vector<16xf32>,
      %add3A_1412 = arith.constant 176 : i32
      %add3A_1413 = vector.broadcast %add3A_1412 : i32 to vector<16xi32>
      %add3A_1414 = arith.addi %iota3A, %add3A_1413 : vector<16xi32>
      %broadcast_in_dim3A_1415 = vector.broadcast %sub3A_1384 : i32 to vector<16xi32>
      %gather3A_1416 = tpu.vector_load_idx %arg6[%add3A_1414, %broadcast_in_dim3A_1415] : memref<256x128xf32, #tpu.memory_space<vmem>>[vector<16xi32>, vector<16xi32>], vector<16xf32>,
      %add3A_1417 = arith.constant 48 : i32
      %add3A_1418 = vector.broadcast %add3A_1417 : i32 to vector<16xi32>
      %add3A_1419 = arith.addi %iota3A, %add3A_1418 : vector<16xi32>
      %broadcast_in_dim3A_1420 = vector.broadcast %add3A_1357 : i32 to vector<16xi32>
      tpu.vector_store_idx %arg7[%add3A_1419, %broadcast_in_dim3A_1420], %gather3A_1416 : memref<64x128xf32, #tpu.memory_space<vmem>>[vector<16xi32>, vector<16xi32>], vector<16xf32>,
      %slice3A_1421 = vector.extract_strided_slice %get3A_11 {offsets = [14], sizes = [1], strides = [1]} : vector<16xi32> to vector<1xi32>
      %squeeze3A_1422 = vector.extract %slice3A_1421[0] : i32 from vector<1xi32>
      %jit3A_1423 = arith.constant 128 : i32
      %div3A_1424 = arith.divsi %squeeze3A_1422, %jit3A_1423 : i32
      %sign3A_1425 = arith.constant 0 : i32
      %sign3A_1426 = arith.cmpi sgt, %squeeze3A_1422, %sign3A_1425 : i32
      %sign3A_1427 = arith.extui %sign3A_1426 : i1 to i32
      %sign3A_1428 = arith.constant 0 : i32
      %sign3A_1429 = arith.cmpi slt, %squeeze3A_1422, %sign3A_1428 : i32
      %sign3A_1430 = arith.extui %sign3A_1429 : i1 to i32
      %sign3A_1431 = arith.subi %sign3A_1427, %sign3A_1430 : i32
      %sign3A_1432 = arith.constant 0 : i32
      %sign3A_1433 = arith.cmpi sgt, %jit3A_1423, %sign3A_1432 : i32
      %sign3A_1434 = arith.extui %sign3A_1433 : i1 to i32
      %sign3A_1435 = arith.constant 0 : i32
      %sign3A_1436 = arith.cmpi slt, %jit3A_1423, %sign3A_1435 : i32
      %sign3A_1437 = arith.extui %sign3A_1436 : i1 to i32
      %sign3A_1438 = arith.subi %sign3A_1434, %sign3A_1437 : i32
      %ne3A_1439 = arith.cmpi ne, %sign3A_1431, %sign3A_1438 : i32
      %rem3A_1440 = arith.remsi %squeeze3A_1422, %jit3A_1423 : i32
      %ne3A_1441 = arith.constant 0 : i32
      %ne3A_1442 = arith.cmpi ne, %rem3A_1440, %ne3A_1441 : i32
      %and3A_1443 = arith.andi %ne3A_1439, %ne3A_1442 : i1
      %sub3A_1444 = arith.constant 1 : i32
      %sub3A_1445 = arith.subi %div3A_1424, %sub3A_1444 : i32
      %select_n3A_1446 = arith.select %and3A_1443, %sub3A_1445, %div3A_1424 : i32
      %mul3A_1447 = arith.constant 128 : i32
      %mul3A_1448 = arith.muli %select_n3A_1446, %mul3A_1447 : i32
      %dma_start3A_1449 = arith.constant 128 : i32
      %dma_start3A_1450 = arith.constant 0 : i32
      %dma_start3A_1451 = tpu.memref_slice %arg6[%dma_start3A_1449, %dma_start3A_1450] : memref<256x128xf32, #tpu.memory_space<vmem>> -> memref<64x128xf32, #tpu.memory_space<vmem>>
      %dma_start3A_1452 = arith.constant 0 : i32
      %dma_start3A_1453 = tpu.memref_slice %arg3[%dma_start3A_1452, %mul3A_1448] : memref<64x1000001xf32, #tpu.memory_space<hbm>> -> memref<64x128xf32, #tpu.memory_space<hbm>>
      %dma_start3A_1454 = arith.constant 128 : i32
      %dma_start3A_1455 = arith.constant 0 : i32
      %dma_start3A_1456 = tpu.memref_slice %arg6[%dma_start3A_1454, %dma_start3A_1455] : memref<256x128xf32, #tpu.memory_space<vmem>> -> memref<64x128xf32, #tpu.memory_space<vmem>>
      %dma_start3A_1457 = arith.constant 0 : i32
      %dma_start3A_1458 = tpu.memref_slice %arg3[%dma_start3A_1457, %mul3A_1448] : memref<64x1000001xf32, #tpu.memory_space<hbm>> -> memref<64x128xf32, #tpu.memory_space<hbm>>
      tpu.enqueue_dma source(%dma_start3A_1458 : memref<64x128xf32, #tpu.memory_space<hbm>>) target(%dma_start3A_1456 : memref<64x128xf32, #tpu.memory_space<vmem>>) target_semaphore(%arg10 : memref<!tpu.dma_semaphore, #tpu.memory_space<semaphore_mem>>)
      %dma_wait3A_1459 = arith.constant 192 : i32
      %dma_wait3A_1460 = arith.constant 0 : i32
      %dma_wait3A_1461 = tpu.memref_slice %arg6[%dma_wait3A_1459, %dma_wait3A_1460] : memref<256x128xf32, #tpu.memory_space<vmem>> -> memref<64x128xf32, #tpu.memory_space<vmem>>
      %dma_wait3A_1462 = arith.constant 0 : i32
      %dma_wait3A_1463 = arith.constant 0 : i32
      %dma_wait3A_1464 = tpu.memref_slice %arg3[%dma_wait3A_1462, %dma_wait3A_1463] : memref<64x1000001xf32, #tpu.memory_space<hbm>> -> memref<64x128xf32, #tpu.memory_space<hbm>>
      %dma_wait3A_1465 = arith.constant 192 : i32
      %dma_wait3A_1466 = arith.constant 0 : i32
      %dma_wait3A_1467 = tpu.memref_slice %arg6[%dma_wait3A_1465, %dma_wait3A_1466] : memref<256x128xf32, #tpu.memory_space<vmem>> -> memref<64x128xf32, #tpu.memory_space<vmem>>
      %dma_wait3A_1468 = arith.constant 0 : i32
      %dma_wait3A_1469 = arith.constant 0 : i32
      %dma_wait3A_1470 = tpu.memref_slice %arg3[%dma_wait3A_1468, %dma_wait3A_1469] : memref<64x1000001xf32, #tpu.memory_space<hbm>> -> memref<64x128xf32, #tpu.memory_space<hbm>>
      tpu.wait_dma2 semaphore(%arg11 : memref<!tpu.dma_semaphore, #tpu.memory_space<semaphore_mem>>) src(%dma_wait3A_1470 : memref<64x128xf32, #tpu.memory_space<hbm>>) dst(%dma_wait3A_1467 : memref<64x128xf32, #tpu.memory_space<vmem>>)
      %slice3A_1471 = vector.extract_strided_slice %get3A_11 {offsets = [11], sizes = [1], strides = [1]} : vector<16xi32> to vector<1xi32>
      %squeeze3A_1472 = vector.extract %slice3A_1471[0] : i32 from vector<1xi32>
      %mul3A_1473 = arith.constant 16 : i32
      %mul3A_1474 = arith.muli %scan3A_8, %mul3A_1473 : i32
      %add3A_1475 = arith.constant 11 : i32
      %add3A_1476 = arith.addi %mul3A_1474, %add3A_1475 : i32
      %jit3A_1477 = arith.constant 128 : i32
      %div3A_1478 = arith.divsi %squeeze3A_1472, %jit3A_1477 : i32
      %sign3A_1479 = arith.constant 0 : i32
      %sign3A_1480 = arith.cmpi sgt, %squeeze3A_1472, %sign3A_1479 : i32
      %sign3A_1481 = arith.extui %sign3A_1480 : i1 to i32
      %sign3A_1482 = arith.constant 0 : i32
      %sign3A_1483 = arith.cmpi slt, %squeeze3A_1472, %sign3A_1482 : i32
      %sign3A_1484 = arith.extui %sign3A_1483 : i1 to i32
      %sign3A_1485 = arith.subi %sign3A_1481, %sign3A_1484 : i32
      %sign3A_1486 = arith.constant 0 : i32
      %sign3A_1487 = arith.cmpi sgt, %jit3A_1477, %sign3A_1486 : i32
      %sign3A_1488 = arith.extui %sign3A_1487 : i1 to i32
      %sign3A_1489 = arith.constant 0 : i32
      %sign3A_1490 = arith.cmpi slt, %jit3A_1477, %sign3A_1489 : i32
      %sign3A_1491 = arith.extui %sign3A_1490 : i1 to i32
      %sign3A_1492 = arith.subi %sign3A_1488, %sign3A_1491 : i32
      %ne3A_1493 = arith.cmpi ne, %sign3A_1485, %sign3A_1492 : i32
      %rem3A_1494 = arith.remsi %squeeze3A_1472, %jit3A_1477 : i32
      %ne3A_1495 = arith.constant 0 : i32
      %ne3A_1496 = arith.cmpi ne, %rem3A_1494, %ne3A_1495 : i32
      %and3A_1497 = arith.andi %ne3A_1493, %ne3A_1496 : i1
      %sub3A_1498 = arith.constant 1 : i32
      %sub3A_1499 = arith.subi %div3A_1478, %sub3A_1498 : i32
      %select_n3A_1500 = arith.select %and3A_1497, %sub3A_1499, %div3A_1478 : i32
      %mul3A_1501 = arith.constant 128 : i32
      %mul3A_1502 = arith.muli %select_n3A_1500, %mul3A_1501 : i32
      %sub3A_1503 = arith.subi %squeeze3A_1472, %mul3A_1502 : i32
      %add3A_1504 = arith.constant 192 : i32
      %add3A_1505 = vector.broadcast %add3A_1504 : i32 to vector<16xi32>
      %add3A_1506 = arith.addi %iota3A, %add3A_1505 : vector<16xi32>
      %broadcast_in_dim3A_1507 = vector.broadcast %sub3A_1503 : i32 to vector<16xi32>
      %gather3A_1508 = tpu.vector_load_idx %arg6[%add3A_1506, %broadcast_in_dim3A_1507] : memref<256x128xf32, #tpu.memory_space<vmem>>[vector<16xi32>, vector<16xi32>], vector<16xf32>,
      %add3A_1509 = arith.constant 0 : i32
      %add3A_1510 = vector.broadcast %add3A_1509 : i32 to vector<16xi32>
      %add3A_1511 = arith.addi %iota3A, %add3A_1510 : vector<16xi32>
      %broadcast_in_dim3A_1512 = vector.broadcast %add3A_1476 : i32 to vector<16xi32>
      tpu.vector_store_idx %arg7[%add3A_1511, %broadcast_in_dim3A_1512], %gather3A_1508 : memref<64x128xf32, #tpu.memory_space<vmem>>[vector<16xi32>, vector<16xi32>], vector<16xf32>,
      %add3A_1513 = arith.constant 208 : i32
      %add3A_1514 = vector.broadcast %add3A_1513 : i32 to vector<16xi32>
      %add3A_1515 = arith.addi %iota3A, %add3A_1514 : vector<16xi32>
      %broadcast_in_dim3A_1516 = vector.broadcast %sub3A_1503 : i32 to vector<16xi32>
      %gather3A_1517 = tpu.vector_load_idx %arg6[%add3A_1515, %broadcast_in_dim3A_1516] : memref<256x128xf32, #tpu.memory_space<vmem>>[vector<16xi32>, vector<16xi32>], vector<16xf32>,
      %add3A_1518 = arith.constant 16 : i32
      %add3A_1519 = vector.broadcast %add3A_1518 : i32 to vector<16xi32>
      %add3A_1520 = arith.addi %iota3A, %add3A_1519 : vector<16xi32>
      %broadcast_in_dim3A_1521 = vector.broadcast %add3A_1476 : i32 to vector<16xi32>
      tpu.vector_store_idx %arg7[%add3A_1520, %broadcast_in_dim3A_1521], %gather3A_1517 : memref<64x128xf32, #tpu.memory_space<vmem>>[vector<16xi32>, vector<16xi32>], vector<16xf32>,
      %add3A_1522 = arith.constant 224 : i32
      %add3A_1523 = vector.broadcast %add3A_1522 : i32 to vector<16xi32>
      %add3A_1524 = arith.addi %iota3A, %add3A_1523 : vector<16xi32>
      %broadcast_in_dim3A_1525 = vector.broadcast %sub3A_1503 : i32 to vector<16xi32>
      %gather3A_1526 = tpu.vector_load_idx %arg6[%add3A_1524, %broadcast_in_dim3A_1525] : memref<256x128xf32, #tpu.memory_space<vmem>>[vector<16xi32>, vector<16xi32>], vector<16xf32>,
      %add3A_1527 = arith.constant 32 : i32
      %add3A_1528 = vector.broadcast %add3A_1527 : i32 to vector<16xi32>
      %add3A_1529 = arith.addi %iota3A, %add3A_1528 : vector<16xi32>
      %broadcast_in_dim3A_1530 = vector.broadcast %add3A_1476 : i32 to vector<16xi32>
      tpu.vector_store_idx %arg7[%add3A_1529, %broadcast_in_dim3A_1530], %gather3A_1526 : memref<64x128xf32, #tpu.memory_space<vmem>>[vector<16xi32>, vector<16xi32>], vector<16xf32>,
      %add3A_1531 = arith.constant 240 : i32
      %add3A_1532 = vector.broadcast %add3A_1531 : i32 to vector<16xi32>
      %add3A_1533 = arith.addi %iota3A, %add3A_1532 : vector<16xi32>
      %broadcast_in_dim3A_1534 = vector.broadcast %sub3A_1503 : i32 to vector<16xi32>
      %gather3A_1535 = tpu.vector_load_idx %arg6[%add3A_1533, %broadcast_in_dim3A_1534] : memref<256x128xf32, #tpu.memory_space<vmem>>[vector<16xi32>, vector<16xi32>], vector<16xf32>,
      %add3A_1536 = arith.constant 48 : i32
      %add3A_1537 = vector.broadcast %add3A_1536 : i32 to vector<16xi32>
      %add3A_1538 = arith.addi %iota3A, %add3A_1537 : vector<16xi32>
      %broadcast_in_dim3A_1539 = vector.broadcast %add3A_1476 : i32 to vector<16xi32>
      tpu.vector_store_idx %arg7[%add3A_1538, %broadcast_in_dim3A_1539], %gather3A_1535 : memref<64x128xf32, #tpu.memory_space<vmem>>[vector<16xi32>, vector<16xi32>], vector<16xf32>,
      %slice3A_1540 = vector.extract_strided_slice %get3A_11 {offsets = [15], sizes = [1], strides = [1]} : vector<16xi32> to vector<1xi32>
      %squeeze3A_1541 = vector.extract %slice3A_1540[0] : i32 from vector<1xi32>
      %jit3A_1542 = arith.constant 128 : i32
      %div3A_1543 = arith.divsi %squeeze3A_1541, %jit3A_1542 : i32
      %sign3A_1544 = arith.constant 0 : i32
      %sign3A_1545 = arith.cmpi sgt, %squeeze3A_1541, %sign3A_1544 : i32
      %sign3A_1546 = arith.extui %sign3A_1545 : i1 to i32
      %sign3A_1547 = arith.constant 0 : i32
      %sign3A_1548 = arith.cmpi slt, %squeeze3A_1541, %sign3A_1547 : i32
      %sign3A_1549 = arith.extui %sign3A_1548 : i1 to i32
      %sign3A_1550 = arith.subi %sign3A_1546, %sign3A_1549 : i32
      %sign3A_1551 = arith.constant 0 : i32
      %sign3A_1552 = arith.cmpi sgt, %jit3A_1542, %sign3A_1551 : i32
      %sign3A_1553 = arith.extui %sign3A_1552 : i1 to i32
      %sign3A_1554 = arith.constant 0 : i32
      %sign3A_1555 = arith.cmpi slt, %jit3A_1542, %sign3A_1554 : i32
      %sign3A_1556 = arith.extui %sign3A_1555 : i1 to i32
      %sign3A_1557 = arith.subi %sign3A_1553, %sign3A_1556 : i32
      %ne3A_1558 = arith.cmpi ne, %sign3A_1550, %sign3A_1557 : i32
      %rem3A_1559 = arith.remsi %squeeze3A_1541, %jit3A_1542 : i32
      %ne3A_1560 = arith.constant 0 : i32
      %ne3A_1561 = arith.cmpi ne, %rem3A_1559, %ne3A_1560 : i32
      %and3A_1562 = arith.andi %ne3A_1558, %ne3A_1561 : i1
      %sub3A_1563 = arith.constant 1 : i32
      %sub3A_1564 = arith.subi %div3A_1543, %sub3A_1563 : i32
      %select_n3A_1565 = arith.select %and3A_1562, %sub3A_1564, %div3A_1543 : i32
      %mul3A_1566 = arith.constant 128 : i32
      %mul3A_1567 = arith.muli %select_n3A_1565, %mul3A_1566 : i32
      %dma_start3A_1568 = arith.constant 192 : i32
      %dma_start3A_1569 = arith.constant 0 : i32
      %dma_start3A_1570 = tpu.memref_slice %arg6[%dma_start3A_1568, %dma_start3A_1569] : memref<256x128xf32, #tpu.memory_space<vmem>> -> memref<64x128xf32, #tpu.memory_space<vmem>>
      %dma_start3A_1571 = arith.constant 0 : i32
      %dma_start3A_1572 = tpu.memref_slice %arg3[%dma_start3A_1571, %mul3A_1567] : memref<64x1000001xf32, #tpu.memory_space<hbm>> -> memref<64x128xf32, #tpu.memory_space<hbm>>
      %dma_start3A_1573 = arith.constant 192 : i32
      %dma_start3A_1574 = arith.constant 0 : i32
      %dma_start3A_1575 = tpu.memref_slice %arg6[%dma_start3A_1573, %dma_start3A_1574] : memref<256x128xf32, #tpu.memory_space<vmem>> -> memref<64x128xf32, #tpu.memory_space<vmem>>
      %dma_start3A_1576 = arith.constant 0 : i32
      %dma_start3A_1577 = tpu.memref_slice %arg3[%dma_start3A_1576, %mul3A_1567] : memref<64x1000001xf32, #tpu.memory_space<hbm>> -> memref<64x128xf32, #tpu.memory_space<hbm>>
      tpu.enqueue_dma source(%dma_start3A_1577 : memref<64x128xf32, #tpu.memory_space<hbm>>) target(%dma_start3A_1575 : memref<64x128xf32, #tpu.memory_space<vmem>>) target_semaphore(%arg11 : memref<!tpu.dma_semaphore, #tpu.memory_space<semaphore_mem>>)
      %dma_wait3A_1578 = arith.constant 0 : i32
      %dma_wait3A_1579 = arith.constant 0 : i32
      %dma_wait3A_1580 = tpu.memref_slice %arg6[%dma_wait3A_1578, %dma_wait3A_1579] : memref<256x128xf32, #tpu.memory_space<vmem>> -> memref<64x128xf32, #tpu.memory_space<vmem>>
      %dma_wait3A_1581 = arith.constant 0 : i32
      %dma_wait3A_1582 = arith.constant 0 : i32
      %dma_wait3A_1583 = tpu.memref_slice %arg3[%dma_wait3A_1581, %dma_wait3A_1582] : memref<64x1000001xf32, #tpu.memory_space<hbm>> -> memref<64x128xf32, #tpu.memory_space<hbm>>
      %dma_wait3A_1584 = arith.constant 0 : i32
      %dma_wait3A_1585 = arith.constant 0 : i32
      %dma_wait3A_1586 = tpu.memref_slice %arg6[%dma_wait3A_1584, %dma_wait3A_1585] : memref<256x128xf32, #tpu.memory_space<vmem>> -> memref<64x128xf32, #tpu.memory_space<vmem>>
      %dma_wait3A_1587 = arith.constant 0 : i32
      %dma_wait3A_1588 = arith.constant 0 : i32
      %dma_wait3A_1589 = tpu.memref_slice %arg3[%dma_wait3A_1587, %dma_wait3A_1588] : memref<64x1000001xf32, #tpu.memory_space<hbm>> -> memref<64x128xf32, #tpu.memory_space<hbm>>
      tpu.wait_dma2 semaphore(%arg8 : memref<!tpu.dma_semaphore, #tpu.memory_space<semaphore_mem>>) src(%dma_wait3A_1589 : memref<64x128xf32, #tpu.memory_space<hbm>>) dst(%dma_wait3A_1586 : memref<64x128xf32, #tpu.memory_space<vmem>>)
      %slice3A_1590 = vector.extract_strided_slice %get3A_11 {offsets = [12], sizes = [1], strides = [1]} : vector<16xi32> to vector<1xi32>
      %squeeze3A_1591 = vector.extract %slice3A_1590[0] : i32 from vector<1xi32>
      %mul3A_1592 = arith.constant 16 : i32
      %mul3A_1593 = arith.muli %scan3A_8, %mul3A_1592 : i32
      %add3A_1594 = arith.constant 12 : i32
      %add3A_1595 = arith.addi %mul3A_1593, %add3A_1594 : i32
      %jit3A_1596 = arith.constant 128 : i32
      %div3A_1597 = arith.divsi %squeeze3A_1591, %jit3A_1596 : i32
      %sign3A_1598 = arith.constant 0 : i32
      %sign3A_1599 = arith.cmpi sgt, %squeeze3A_1591, %sign3A_1598 : i32
      %sign3A_1600 = arith.extui %sign3A_1599 : i1 to i32
      %sign3A_1601 = arith.constant 0 : i32
      %sign3A_1602 = arith.cmpi slt, %squeeze3A_1591, %sign3A_1601 : i32
      %sign3A_1603 = arith.extui %sign3A_1602 : i1 to i32
      %sign3A_1604 = arith.subi %sign3A_1600, %sign3A_1603 : i32
      %sign3A_1605 = arith.constant 0 : i32
      %sign3A_1606 = arith.cmpi sgt, %jit3A_1596, %sign3A_1605 : i32
      %sign3A_1607 = arith.extui %sign3A_1606 : i1 to i32
      %sign3A_1608 = arith.constant 0 : i32
      %sign3A_1609 = arith.cmpi slt, %jit3A_1596, %sign3A_1608 : i32
      %sign3A_1610 = arith.extui %sign3A_1609 : i1 to i32
      %sign3A_1611 = arith.subi %sign3A_1607, %sign3A_1610 : i32
      %ne3A_1612 = arith.cmpi ne, %sign3A_1604, %sign3A_1611 : i32
      %rem3A_1613 = arith.remsi %squeeze3A_1591, %jit3A_1596 : i32
      %ne3A_1614 = arith.constant 0 : i32
      %ne3A_1615 = arith.cmpi ne, %rem3A_1613, %ne3A_1614 : i32
      %and3A_1616 = arith.andi %ne3A_1612, %ne3A_1615 : i1
      %sub3A_1617 = arith.constant 1 : i32
      %sub3A_1618 = arith.subi %div3A_1597, %sub3A_1617 : i32
      %select_n3A_1619 = arith.select %and3A_1616, %sub3A_1618, %div3A_1597 : i32
      %mul3A_1620 = arith.constant 128 : i32
      %mul3A_1621 = arith.muli %select_n3A_1619, %mul3A_1620 : i32
      %sub3A_1622 = arith.subi %squeeze3A_1591, %mul3A_1621 : i32
      %add3A_1623 = arith.constant 0 : i32
      %add3A_1624 = vector.broadcast %add3A_1623 : i32 to vector<16xi32>
      %add3A_1625 = arith.addi %iota3A, %add3A_1624 : vector<16xi32>
      %broadcast_in_dim3A_1626 = vector.broadcast %sub3A_1622 : i32 to vector<16xi32>
      %gather3A_1627 = tpu.vector_load_idx %arg6[%add3A_1625, %broadcast_in_dim3A_1626] : memref<256x128xf32, #tpu.memory_space<vmem>>[vector<16xi32>, vector<16xi32>], vector<16xf32>,
      %add3A_1628 = arith.constant 0 : i32
      %add3A_1629 = vector.broadcast %add3A_1628 : i32 to vector<16xi32>
      %add3A_1630 = arith.addi %iota3A, %add3A_1629 : vector<16xi32>
      %broadcast_in_dim3A_1631 = vector.broadcast %add3A_1595 : i32 to vector<16xi32>
      tpu.vector_store_idx %arg7[%add3A_1630, %broadcast_in_dim3A_1631], %gather3A_1627 : memref<64x128xf32, #tpu.memory_space<vmem>>[vector<16xi32>, vector<16xi32>], vector<16xf32>,
      %add3A_1632 = arith.constant 16 : i32
      %add3A_1633 = vector.broadcast %add3A_1632 : i32 to vector<16xi32>
      %add3A_1634 = arith.addi %iota3A, %add3A_1633 : vector<16xi32>
      %broadcast_in_dim3A_1635 = vector.broadcast %sub3A_1622 : i32 to vector<16xi32>
      %gather3A_1636 = tpu.vector_load_idx %arg6[%add3A_1634, %broadcast_in_dim3A_1635] : memref<256x128xf32, #tpu.memory_space<vmem>>[vector<16xi32>, vector<16xi32>], vector<16xf32>,
      %add3A_1637 = arith.constant 16 : i32
      %add3A_1638 = vector.broadcast %add3A_1637 : i32 to vector<16xi32>
      %add3A_1639 = arith.addi %iota3A, %add3A_1638 : vector<16xi32>
      %broadcast_in_dim3A_1640 = vector.broadcast %add3A_1595 : i32 to vector<16xi32>
      tpu.vector_store_idx %arg7[%add3A_1639, %broadcast_in_dim3A_1640], %gather3A_1636 : memref<64x128xf32, #tpu.memory_space<vmem>>[vector<16xi32>, vector<16xi32>], vector<16xf32>,
      %add3A_1641 = arith.constant 32 : i32
      %add3A_1642 = vector.broadcast %add3A_1641 : i32 to vector<16xi32>
      %add3A_1643 = arith.addi %iota3A, %add3A_1642 : vector<16xi32>
      %broadcast_in_dim3A_1644 = vector.broadcast %sub3A_1622 : i32 to vector<16xi32>
      %gather3A_1645 = tpu.vector_load_idx %arg6[%add3A_1643, %broadcast_in_dim3A_1644] : memref<256x128xf32, #tpu.memory_space<vmem>>[vector<16xi32>, vector<16xi32>], vector<16xf32>,
      %add3A_1646 = arith.constant 32 : i32
      %add3A_1647 = vector.broadcast %add3A_1646 : i32 to vector<16xi32>
      %add3A_1648 = arith.addi %iota3A, %add3A_1647 : vector<16xi32>
      %broadcast_in_dim3A_1649 = vector.broadcast %add3A_1595 : i32 to vector<16xi32>
      tpu.vector_store_idx %arg7[%add3A_1648, %broadcast_in_dim3A_1649], %gather3A_1645 : memref<64x128xf32, #tpu.memory_space<vmem>>[vector<16xi32>, vector<16xi32>], vector<16xf32>,
      %add3A_1650 = arith.constant 48 : i32
      %add3A_1651 = vector.broadcast %add3A_1650 : i32 to vector<16xi32>
      %add3A_1652 = arith.addi %iota3A, %add3A_1651 : vector<16xi32>
      %broadcast_in_dim3A_1653 = vector.broadcast %sub3A_1622 : i32 to vector<16xi32>
      %gather3A_1654 = tpu.vector_load_idx %arg6[%add3A_1652, %broadcast_in_dim3A_1653] : memref<256x128xf32, #tpu.memory_space<vmem>>[vector<16xi32>, vector<16xi32>], vector<16xf32>,
      %add3A_1655 = arith.constant 48 : i32
      %add3A_1656 = vector.broadcast %add3A_1655 : i32 to vector<16xi32>
      %add3A_1657 = arith.addi %iota3A, %add3A_1656 : vector<16xi32>
      %broadcast_in_dim3A_1658 = vector.broadcast %add3A_1595 : i32 to vector<16xi32>
      tpu.vector_store_idx %arg7[%add3A_1657, %broadcast_in_dim3A_1658], %gather3A_1654 : memref<64x128xf32, #tpu.memory_space<vmem>>[vector<16xi32>, vector<16xi32>], vector<16xf32>,
      %dma_wait3A_1659 = arith.constant 64 : i32
      %dma_wait3A_1660 = arith.constant 0 : i32
      %dma_wait3A_1661 = tpu.memref_slice %arg6[%dma_wait3A_1659, %dma_wait3A_1660] : memref<256x128xf32, #tpu.memory_space<vmem>> -> memref<64x128xf32, #tpu.memory_space<vmem>>
      %dma_wait3A_1662 = arith.constant 0 : i32
      %dma_wait3A_1663 = arith.constant 0 : i32
      %dma_wait3A_1664 = tpu.memref_slice %arg3[%dma_wait3A_1662, %dma_wait3A_1663] : memref<64x1000001xf32, #tpu.memory_space<hbm>> -> memref<64x128xf32, #tpu.memory_space<hbm>>
      %dma_wait3A_1665 = arith.constant 64 : i32
      %dma_wait3A_1666 = arith.constant 0 : i32
      %dma_wait3A_1667 = tpu.memref_slice %arg6[%dma_wait3A_1665, %dma_wait3A_1666] : memref<256x128xf32, #tpu.memory_space<vmem>> -> memref<64x128xf32, #tpu.memory_space<vmem>>
      %dma_wait3A_1668 = arith.constant 0 : i32
      %dma_wait3A_1669 = arith.constant 0 : i32
      %dma_wait3A_1670 = tpu.memref_slice %arg3[%dma_wait3A_1668, %dma_wait3A_1669] : memref<64x1000001xf32, #tpu.memory_space<hbm>> -> memref<64x128xf32, #tpu.memory_space<hbm>>
      tpu.wait_dma2 semaphore(%arg9 : memref<!tpu.dma_semaphore, #tpu.memory_space<semaphore_mem>>) src(%dma_wait3A_1670 : memref<64x128xf32, #tpu.memory_space<hbm>>) dst(%dma_wait3A_1667 : memref<64x128xf32, #tpu.memory_space<vmem>>)
      %slice3A_1671 = vector.extract_strided_slice %get3A_11 {offsets = [13], sizes = [1], strides = [1]} : vector<16xi32> to vector<1xi32>
      %squeeze3A_1672 = vector.extract %slice3A_1671[0] : i32 from vector<1xi32>
      %mul3A_1673 = arith.constant 16 : i32
      %mul3A_1674 = arith.muli %scan3A_8, %mul3A_1673 : i32
      %add3A_1675 = arith.constant 13 : i32
      %add3A_1676 = arith.addi %mul3A_1674, %add3A_1675 : i32
      %jit3A_1677 = arith.constant 128 : i32
      %div3A_1678 = arith.divsi %squeeze3A_1672, %jit3A_1677 : i32
      %sign3A_1679 = arith.constant 0 : i32
      %sign3A_1680 = arith.cmpi sgt, %squeeze3A_1672, %sign3A_1679 : i32
      %sign3A_1681 = arith.extui %sign3A_1680 : i1 to i32
      %sign3A_1682 = arith.constant 0 : i32
      %sign3A_1683 = arith.cmpi slt, %squeeze3A_1672, %sign3A_1682 : i32
      %sign3A_1684 = arith.extui %sign3A_1683 : i1 to i32
      %sign3A_1685 = arith.subi %sign3A_1681, %sign3A_1684 : i32
      %sign3A_1686 = arith.constant 0 : i32
      %sign3A_1687 = arith.cmpi sgt, %jit3A_1677, %sign3A_1686 : i32
      %sign3A_1688 = arith.extui %sign3A_1687 : i1 to i32
      %sign3A_1689 = arith.constant 0 : i32
      %sign3A_1690 = arith.cmpi slt, %jit3A_1677, %sign3A_1689 : i32
      %sign3A_1691 = arith.extui %sign3A_1690 : i1 to i32
      %sign3A_1692 = arith.subi %sign3A_1688, %sign3A_1691 : i32
      %ne3A_1693 = arith.cmpi ne, %sign3A_1685, %sign3A_1692 : i32
      %rem3A_1694 = arith.remsi %squeeze3A_1672, %jit3A_1677 : i32
      %ne3A_1695 = arith.constant 0 : i32
      %ne3A_1696 = arith.cmpi ne, %rem3A_1694, %ne3A_1695 : i32
      %and3A_1697 = arith.andi %ne3A_1693, %ne3A_1696 : i1
      %sub3A_1698 = arith.constant 1 : i32
      %sub3A_1699 = arith.subi %div3A_1678, %sub3A_1698 : i32
      %select_n3A_1700 = arith.select %and3A_1697, %sub3A_1699, %div3A_1678 : i32
      %mul3A_1701 = arith.constant 128 : i32
      %mul3A_1702 = arith.muli %select_n3A_1700, %mul3A_1701 : i32
      %sub3A_1703 = arith.subi %squeeze3A_1672, %mul3A_1702 : i32
      %add3A_1704 = arith.constant 64 : i32
      %add3A_1705 = vector.broadcast %add3A_1704 : i32 to vector<16xi32>
      %add3A_1706 = arith.addi %iota3A, %add3A_1705 : vector<16xi32>
      %broadcast_in_dim3A_1707 = vector.broadcast %sub3A_1703 : i32 to vector<16xi32>
      %gather3A_1708 = tpu.vector_load_idx %arg6[%add3A_1706, %broadcast_in_dim3A_1707] : memref<256x128xf32, #tpu.memory_space<vmem>>[vector<16xi32>, vector<16xi32>], vector<16xf32>,
      %add3A_1709 = arith.constant 0 : i32
      %add3A_1710 = vector.broadcast %add3A_1709 : i32 to vector<16xi32>
      %add3A_1711 = arith.addi %iota3A, %add3A_1710 : vector<16xi32>
      %broadcast_in_dim3A_1712 = vector.broadcast %add3A_1676 : i32 to vector<16xi32>
      tpu.vector_store_idx %arg7[%add3A_1711, %broadcast_in_dim3A_1712], %gather3A_1708 : memref<64x128xf32, #tpu.memory_space<vmem>>[vector<16xi32>, vector<16xi32>], vector<16xf32>,
      %add3A_1713 = arith.constant 80 : i32
      %add3A_1714 = vector.broadcast %add3A_1713 : i32 to vector<16xi32>
      %add3A_1715 = arith.addi %iota3A, %add3A_1714 : vector<16xi32>
      %broadcast_in_dim3A_1716 = vector.broadcast %sub3A_1703 : i32 to vector<16xi32>
      %gather3A_1717 = tpu.vector_load_idx %arg6[%add3A_1715, %broadcast_in_dim3A_1716] : memref<256x128xf32, #tpu.memory_space<vmem>>[vector<16xi32>, vector<16xi32>], vector<16xf32>,
      %add3A_1718 = arith.constant 16 : i32
      %add3A_1719 = vector.broadcast %add3A_1718 : i32 to vector<16xi32>
      %add3A_1720 = arith.addi %iota3A, %add3A_1719 : vector<16xi32>
      %broadcast_in_dim3A_1721 = vector.broadcast %add3A_1676 : i32 to vector<16xi32>
      tpu.vector_store_idx %arg7[%add3A_1720, %broadcast_in_dim3A_1721], %gather3A_1717 : memref<64x128xf32, #tpu.memory_space<vmem>>[vector<16xi32>, vector<16xi32>], vector<16xf32>,
      %add3A_1722 = arith.constant 96 : i32
      %add3A_1723 = vector.broadcast %add3A_1722 : i32 to vector<16xi32>
      %add3A_1724 = arith.addi %iota3A, %add3A_1723 : vector<16xi32>
      %broadcast_in_dim3A_1725 = vector.broadcast %sub3A_1703 : i32 to vector<16xi32>
      %gather3A_1726 = tpu.vector_load_idx %arg6[%add3A_1724, %broadcast_in_dim3A_1725] : memref<256x128xf32, #tpu.memory_space<vmem>>[vector<16xi32>, vector<16xi32>], vector<16xf32>,
      %add3A_1727 = arith.constant 32 : i32
      %add3A_1728 = vector.broadcast %add3A_1727 : i32 to vector<16xi32>
      %add3A_1729 = arith.addi %iota3A, %add3A_1728 : vector<16xi32>
      %broadcast_in_dim3A_1730 = vector.broadcast %add3A_1676 : i32 to vector<16xi32>
      tpu.vector_store_idx %arg7[%add3A_1729, %broadcast_in_dim3A_1730], %gather3A_1726 : memref<64x128xf32, #tpu.memory_space<vmem>>[vector<16xi32>, vector<16xi32>], vector<16xf32>,
      %add3A_1731 = arith.constant 112 : i32
      %add3A_1732 = vector.broadcast %add3A_1731 : i32 to vector<16xi32>
      %add3A_1733 = arith.addi %iota3A, %add3A_1732 : vector<16xi32>
      %broadcast_in_dim3A_1734 = vector.broadcast %sub3A_1703 : i32 to vector<16xi32>
      %gather3A_1735 = tpu.vector_load_idx %arg6[%add3A_1733, %broadcast_in_dim3A_1734] : memref<256x128xf32, #tpu.memory_space<vmem>>[vector<16xi32>, vector<16xi32>], vector<16xf32>,
      %add3A_1736 = arith.constant 48 : i32
      %add3A_1737 = vector.broadcast %add3A_1736 : i32 to vector<16xi32>
      %add3A_1738 = arith.addi %iota3A, %add3A_1737 : vector<16xi32>
      %broadcast_in_dim3A_1739 = vector.broadcast %add3A_1676 : i32 to vector<16xi32>
      tpu.vector_store_idx %arg7[%add3A_1738, %broadcast_in_dim3A_1739], %gather3A_1735 : memref<64x128xf32, #tpu.memory_space<vmem>>[vector<16xi32>, vector<16xi32>], vector<16xf32>,
      %dma_wait3A_1740 = arith.constant 128 : i32
      %dma_wait3A_1741 = arith.constant 0 : i32
      %dma_wait3A_1742 = tpu.memref_slice %arg6[%dma_wait3A_1740, %dma_wait3A_1741] : memref<256x128xf32, #tpu.memory_space<vmem>> -> memref<64x128xf32, #tpu.memory_space<vmem>>
      %dma_wait3A_1743 = arith.constant 0 : i32
      %dma_wait3A_1744 = arith.constant 0 : i32
      %dma_wait3A_1745 = tpu.memref_slice %arg3[%dma_wait3A_1743, %dma_wait3A_1744] : memref<64x1000001xf32, #tpu.memory_space<hbm>> -> memref<64x128xf32, #tpu.memory_space<hbm>>
      %dma_wait3A_1746 = arith.constant 128 : i32
      %dma_wait3A_1747 = arith.constant 0 : i32
      %dma_wait3A_1748 = tpu.memref_slice %arg6[%dma_wait3A_1746, %dma_wait3A_1747] : memref<256x128xf32, #tpu.memory_space<vmem>> -> memref<64x128xf32, #tpu.memory_space<vmem>>
      %dma_wait3A_1749 = arith.constant 0 : i32
      %dma_wait3A_1750 = arith.constant 0 : i32
      %dma_wait3A_1751 = tpu.memref_slice %arg3[%dma_wait3A_1749, %dma_wait3A_1750] : memref<64x1000001xf32, #tpu.memory_space<hbm>> -> memref<64x128xf32, #tpu.memory_space<hbm>>
      tpu.wait_dma2 semaphore(%arg10 : memref<!tpu.dma_semaphore, #tpu.memory_space<semaphore_mem>>) src(%dma_wait3A_1751 : memref<64x128xf32, #tpu.memory_space<hbm>>) dst(%dma_wait3A_1748 : memref<64x128xf32, #tpu.memory_space<vmem>>)
      %slice3A_1752 = vector.extract_strided_slice %get3A_11 {offsets = [14], sizes = [1], strides = [1]} : vector<16xi32> to vector<1xi32>
      %squeeze3A_1753 = vector.extract %slice3A_1752[0] : i32 from vector<1xi32>
      %mul3A_1754 = arith.constant 16 : i32
      %mul3A_1755 = arith.muli %scan3A_8, %mul3A_1754 : i32
      %add3A_1756 = arith.constant 14 : i32
      %add3A_1757 = arith.addi %mul3A_1755, %add3A_1756 : i32
      %jit3A_1758 = arith.constant 128 : i32
      %div3A_1759 = arith.divsi %squeeze3A_1753, %jit3A_1758 : i32
      %sign3A_1760 = arith.constant 0 : i32
      %sign3A_1761 = arith.cmpi sgt, %squeeze3A_1753, %sign3A_1760 : i32
      %sign3A_1762 = arith.extui %sign3A_1761 : i1 to i32
      %sign3A_1763 = arith.constant 0 : i32
      %sign3A_1764 = arith.cmpi slt, %squeeze3A_1753, %sign3A_1763 : i32
      %sign3A_1765 = arith.extui %sign3A_1764 : i1 to i32
      %sign3A_1766 = arith.subi %sign3A_1762, %sign3A_1765 : i32
      %sign3A_1767 = arith.constant 0 : i32
      %sign3A_1768 = arith.cmpi sgt, %jit3A_1758, %sign3A_1767 : i32
      %sign3A_1769 = arith.extui %sign3A_1768 : i1 to i32
      %sign3A_1770 = arith.constant 0 : i32
      %sign3A_1771 = arith.cmpi slt, %jit3A_1758, %sign3A_1770 : i32
      %sign3A_1772 = arith.extui %sign3A_1771 : i1 to i32
      %sign3A_1773 = arith.subi %sign3A_1769, %sign3A_1772 : i32
      %ne3A_1774 = arith.cmpi ne, %sign3A_1766, %sign3A_1773 : i32
      %rem3A_1775 = arith.remsi %squeeze3A_1753, %jit3A_1758 : i32
      %ne3A_1776 = arith.constant 0 : i32
      %ne3A_1777 = arith.cmpi ne, %rem3A_1775, %ne3A_1776 : i32
      %and3A_1778 = arith.andi %ne3A_1774, %ne3A_1777 : i1
      %sub3A_1779 = arith.constant 1 : i32
      %sub3A_1780 = arith.subi %div3A_1759, %sub3A_1779 : i32
      %select_n3A_1781 = arith.select %and3A_1778, %sub3A_1780, %div3A_1759 : i32
      %mul3A_1782 = arith.constant 128 : i32
      %mul3A_1783 = arith.muli %select_n3A_1781, %mul3A_1782 : i32
      %sub3A_1784 = arith.subi %squeeze3A_1753, %mul3A_1783 : i32
      %add3A_1785 = arith.constant 128 : i32
      %add3A_1786 = vector.broadcast %add3A_1785 : i32 to vector<16xi32>
      %add3A_1787 = arith.addi %iota3A, %add3A_1786 : vector<16xi32>
      %broadcast_in_dim3A_1788 = vector.broadcast %sub3A_1784 : i32 to vector<16xi32>
      %gather3A_1789 = tpu.vector_load_idx %arg6[%add3A_1787, %broadcast_in_dim3A_1788] : memref<256x128xf32, #tpu.memory_space<vmem>>[vector<16xi32>, vector<16xi32>], vector<16xf32>,
      %add3A_1790 = arith.constant 0 : i32
      %add3A_1791 = vector.broadcast %add3A_1790 : i32 to vector<16xi32>
      %add3A_1792 = arith.addi %iota3A, %add3A_1791 : vector<16xi32>
      %broadcast_in_dim3A_1793 = vector.broadcast %add3A_1757 : i32 to vector<16xi32>
      tpu.vector_store_idx %arg7[%add3A_1792, %broadcast_in_dim3A_1793], %gather3A_1789 : memref<64x128xf32, #tpu.memory_space<vmem>>[vector<16xi32>, vector<16xi32>], vector<16xf32>,
      %add3A_1794 = arith.constant 144 : i32
      %add3A_1795 = vector.broadcast %add3A_1794 : i32 to vector<16xi32>
      %add3A_1796 = arith.addi %iota3A, %add3A_1795 : vector<16xi32>
      %broadcast_in_dim3A_1797 = vector.broadcast %sub3A_1784 : i32 to vector<16xi32>
      %gather3A_1798 = tpu.vector_load_idx %arg6[%add3A_1796, %broadcast_in_dim3A_1797] : memref<256x128xf32, #tpu.memory_space<vmem>>[vector<16xi32>, vector<16xi32>], vector<16xf32>,
      %add3A_1799 = arith.constant 16 : i32
      %add3A_1800 = vector.broadcast %add3A_1799 : i32 to vector<16xi32>
      %add3A_1801 = arith.addi %iota3A, %add3A_1800 : vector<16xi32>
      %broadcast_in_dim3A_1802 = vector.broadcast %add3A_1757 : i32 to vector<16xi32>
      tpu.vector_store_idx %arg7[%add3A_1801, %broadcast_in_dim3A_1802], %gather3A_1798 : memref<64x128xf32, #tpu.memory_space<vmem>>[vector<16xi32>, vector<16xi32>], vector<16xf32>,
      %add3A_1803 = arith.constant 160 : i32
      %add3A_1804 = vector.broadcast %add3A_1803 : i32 to vector<16xi32>
      %add3A_1805 = arith.addi %iota3A, %add3A_1804 : vector<16xi32>
      %broadcast_in_dim3A_1806 = vector.broadcast %sub3A_1784 : i32 to vector<16xi32>
      %gather3A_1807 = tpu.vector_load_idx %arg6[%add3A_1805, %broadcast_in_dim3A_1806] : memref<256x128xf32, #tpu.memory_space<vmem>>[vector<16xi32>, vector<16xi32>], vector<16xf32>,
      %add3A_1808 = arith.constant 32 : i32
      %add3A_1809 = vector.broadcast %add3A_1808 : i32 to vector<16xi32>
      %add3A_1810 = arith.addi %iota3A, %add3A_1809 : vector<16xi32>
      %broadcast_in_dim3A_1811 = vector.broadcast %add3A_1757 : i32 to vector<16xi32>
      tpu.vector_store_idx %arg7[%add3A_1810, %broadcast_in_dim3A_1811], %gather3A_1807 : memref<64x128xf32, #tpu.memory_space<vmem>>[vector<16xi32>, vector<16xi32>], vector<16xf32>,
      %add3A_1812 = arith.constant 176 : i32
      %add3A_1813 = vector.broadcast %add3A_1812 : i32 to vector<16xi32>
      %add3A_1814 = arith.addi %iota3A, %add3A_1813 : vector<16xi32>
      %broadcast_in_dim3A_1815 = vector.broadcast %sub3A_1784 : i32 to vector<16xi32>
      %gather3A_1816 = tpu.vector_load_idx %arg6[%add3A_1814, %broadcast_in_dim3A_1815] : memref<256x128xf32, #tpu.memory_space<vmem>>[vector<16xi32>, vector<16xi32>], vector<16xf32>,
      %add3A_1817 = arith.constant 48 : i32
      %add3A_1818 = vector.broadcast %add3A_1817 : i32 to vector<16xi32>
      %add3A_1819 = arith.addi %iota3A, %add3A_1818 : vector<16xi32>
      %broadcast_in_dim3A_1820 = vector.broadcast %add3A_1757 : i32 to vector<16xi32>
      tpu.vector_store_idx %arg7[%add3A_1819, %broadcast_in_dim3A_1820], %gather3A_1816 : memref<64x128xf32, #tpu.memory_space<vmem>>[vector<16xi32>, vector<16xi32>], vector<16xf32>,
      %dma_wait3A_1821 = arith.constant 192 : i32
      %dma_wait3A_1822 = arith.constant 0 : i32
      %dma_wait3A_1823 = tpu.memref_slice %arg6[%dma_wait3A_1821, %dma_wait3A_1822] : memref<256x128xf32, #tpu.memory_space<vmem>> -> memref<64x128xf32, #tpu.memory_space<vmem>>
      %dma_wait3A_1824 = arith.constant 0 : i32
      %dma_wait3A_1825 = arith.constant 0 : i32
      %dma_wait3A_1826 = tpu.memref_slice %arg3[%dma_wait3A_1824, %dma_wait3A_1825] : memref<64x1000001xf32, #tpu.memory_space<hbm>> -> memref<64x128xf32, #tpu.memory_space<hbm>>
      %dma_wait3A_1827 = arith.constant 192 : i32
      %dma_wait3A_1828 = arith.constant 0 : i32
      %dma_wait3A_1829 = tpu.memref_slice %arg6[%dma_wait3A_1827, %dma_wait3A_1828] : memref<256x128xf32, #tpu.memory_space<vmem>> -> memref<64x128xf32, #tpu.memory_space<vmem>>
      %dma_wait3A_1830 = arith.constant 0 : i32
      %dma_wait3A_1831 = arith.constant 0 : i32
      %dma_wait3A_1832 = tpu.memref_slice %arg3[%dma_wait3A_1830, %dma_wait3A_1831] : memref<64x1000001xf32, #tpu.memory_space<hbm>> -> memref<64x128xf32, #tpu.memory_space<hbm>>
      tpu.wait_dma2 semaphore(%arg11 : memref<!tpu.dma_semaphore, #tpu.memory_space<semaphore_mem>>) src(%dma_wait3A_1832 : memref<64x128xf32, #tpu.memory_space<hbm>>) dst(%dma_wait3A_1829 : memref<64x128xf32, #tpu.memory_space<vmem>>)
      %slice3A_1833 = vector.extract_strided_slice %get3A_11 {offsets = [15], sizes = [1], strides = [1]} : vector<16xi32> to vector<1xi32>
      %squeeze3A_1834 = vector.extract %slice3A_1833[0] : i32 from vector<1xi32>
      %mul3A_1835 = arith.constant 16 : i32
      %mul3A_1836 = arith.muli %scan3A_8, %mul3A_1835 : i32
      %add3A_1837 = arith.constant 15 : i32
      %add3A_1838 = arith.addi %mul3A_1836, %add3A_1837 : i32
      %jit3A_1839 = arith.constant 128 : i32
      %div3A_1840 = arith.divsi %squeeze3A_1834, %jit3A_1839 : i32
      %sign3A_1841 = arith.constant 0 : i32
      %sign3A_1842 = arith.cmpi sgt, %squeeze3A_1834, %sign3A_1841 : i32
      %sign3A_1843 = arith.extui %sign3A_1842 : i1 to i32
      %sign3A_1844 = arith.constant 0 : i32
      %sign3A_1845 = arith.cmpi slt, %squeeze3A_1834, %sign3A_1844 : i32
      %sign3A_1846 = arith.extui %sign3A_1845 : i1 to i32
      %sign3A_1847 = arith.subi %sign3A_1843, %sign3A_1846 : i32
      %sign3A_1848 = arith.constant 0 : i32
      %sign3A_1849 = arith.cmpi sgt, %jit3A_1839, %sign3A_1848 : i32
      %sign3A_1850 = arith.extui %sign3A_1849 : i1 to i32
      %sign3A_1851 = arith.constant 0 : i32
      %sign3A_1852 = arith.cmpi slt, %jit3A_1839, %sign3A_1851 : i32
      %sign3A_1853 = arith.extui %sign3A_1852 : i1 to i32
      %sign3A_1854 = arith.subi %sign3A_1850, %sign3A_1853 : i32
      %ne3A_1855 = arith.cmpi ne, %sign3A_1847, %sign3A_1854 : i32
      %rem3A_1856 = arith.remsi %squeeze3A_1834, %jit3A_1839 : i32
      %ne3A_1857 = arith.constant 0 : i32
      %ne3A_1858 = arith.cmpi ne, %rem3A_1856, %ne3A_1857 : i32
      %and3A_1859 = arith.andi %ne3A_1855, %ne3A_1858 : i1
      %sub3A_1860 = arith.constant 1 : i32
      %sub3A_1861 = arith.subi %div3A_1840, %sub3A_1860 : i32
      %select_n3A_1862 = arith.select %and3A_1859, %sub3A_1861, %div3A_1840 : i32
      %mul3A_1863 = arith.constant 128 : i32
      %mul3A_1864 = arith.muli %select_n3A_1862, %mul3A_1863 : i32
      %sub3A_1865 = arith.subi %squeeze3A_1834, %mul3A_1864 : i32
      %add3A_1866 = arith.constant 192 : i32
      %add3A_1867 = vector.broadcast %add3A_1866 : i32 to vector<16xi32>
      %add3A_1868 = arith.addi %iota3A, %add3A_1867 : vector<16xi32>
      %broadcast_in_dim3A_1869 = vector.broadcast %sub3A_1865 : i32 to vector<16xi32>
      %gather3A_1870 = tpu.vector_load_idx %arg6[%add3A_1868, %broadcast_in_dim3A_1869] : memref<256x128xf32, #tpu.memory_space<vmem>>[vector<16xi32>, vector<16xi32>], vector<16xf32>,
      %add3A_1871 = arith.constant 0 : i32
      %add3A_1872 = vector.broadcast %add3A_1871 : i32 to vector<16xi32>
      %add3A_1873 = arith.addi %iota3A, %add3A_1872 : vector<16xi32>
      %broadcast_in_dim3A_1874 = vector.broadcast %add3A_1838 : i32 to vector<16xi32>
      tpu.vector_store_idx %arg7[%add3A_1873, %broadcast_in_dim3A_1874], %gather3A_1870 : memref<64x128xf32, #tpu.memory_space<vmem>>[vector<16xi32>, vector<16xi32>], vector<16xf32>,
      %add3A_1875 = arith.constant 208 : i32
      %add3A_1876 = vector.broadcast %add3A_1875 : i32 to vector<16xi32>
      %add3A_1877 = arith.addi %iota3A, %add3A_1876 : vector<16xi32>
      %broadcast_in_dim3A_1878 = vector.broadcast %sub3A_1865 : i32 to vector<16xi32>
      %gather3A_1879 = tpu.vector_load_idx %arg6[%add3A_1877, %broadcast_in_dim3A_1878] : memref<256x128xf32, #tpu.memory_space<vmem>>[vector<16xi32>, vector<16xi32>], vector<16xf32>,
      %add3A_1880 = arith.constant 16 : i32
      %add3A_1881 = vector.broadcast %add3A_1880 : i32 to vector<16xi32>
      %add3A_1882 = arith.addi %iota3A, %add3A_1881 : vector<16xi32>
      %broadcast_in_dim3A_1883 = vector.broadcast %add3A_1838 : i32 to vector<16xi32>
      tpu.vector_store_idx %arg7[%add3A_1882, %broadcast_in_dim3A_1883], %gather3A_1879 : memref<64x128xf32, #tpu.memory_space<vmem>>[vector<16xi32>, vector<16xi32>], vector<16xf32>,
      %add3A_1884 = arith.constant 224 : i32
      %add3A_1885 = vector.broadcast %add3A_1884 : i32 to vector<16xi32>
      %add3A_1886 = arith.addi %iota3A, %add3A_1885 : vector<16xi32>
      %broadcast_in_dim3A_1887 = vector.broadcast %sub3A_1865 : i32 to vector<16xi32>
      %gather3A_1888 = tpu.vector_load_idx %arg6[%add3A_1886, %broadcast_in_dim3A_1887] : memref<256x128xf32, #tpu.memory_space<vmem>>[vector<16xi32>, vector<16xi32>], vector<16xf32>,
      %add3A_1889 = arith.constant 32 : i32
      %add3A_1890 = vector.broadcast %add3A_1889 : i32 to vector<16xi32>
      %add3A_1891 = arith.addi %iota3A, %add3A_1890 : vector<16xi32>
      %broadcast_in_dim3A_1892 = vector.broadcast %add3A_1838 : i32 to vector<16xi32>
      tpu.vector_store_idx %arg7[%add3A_1891, %broadcast_in_dim3A_1892], %gather3A_1888 : memref<64x128xf32, #tpu.memory_space<vmem>>[vector<16xi32>, vector<16xi32>], vector<16xf32>,
      %add3A_1893 = arith.constant 240 : i32
      %add3A_1894 = vector.broadcast %add3A_1893 : i32 to vector<16xi32>
      %add3A_1895 = arith.addi %iota3A, %add3A_1894 : vector<16xi32>
      %broadcast_in_dim3A_1896 = vector.broadcast %sub3A_1865 : i32 to vector<16xi32>
      %gather3A_1897 = tpu.vector_load_idx %arg6[%add3A_1895, %broadcast_in_dim3A_1896] : memref<256x128xf32, #tpu.memory_space<vmem>>[vector<16xi32>, vector<16xi32>], vector<16xf32>,
      %add3A_1898 = arith.constant 48 : i32
      %add3A_1899 = vector.broadcast %add3A_1898 : i32 to vector<16xi32>
      %add3A_1900 = arith.addi %iota3A, %add3A_1899 : vector<16xi32>
      %broadcast_in_dim3A_1901 = vector.broadcast %add3A_1838 : i32 to vector<16xi32>
      tpu.vector_store_idx %arg7[%add3A_1900, %broadcast_in_dim3A_1901], %gather3A_1897 : memref<64x128xf32, #tpu.memory_space<vmem>>[vector<16xi32>, vector<16xi32>], vector<16xf32>,
    }
    %scan3A_7 = arith.constant 8 : i32
    "tpu.region"() ({
      %run_scoped3A = tpu.sem_alloc : memref<!tpu.dma_semaphore, #tpu.memory_space<semaphore_mem>>
      %dma_start3A = arith.constant 0 : i32
      %dma_start3A_8 = tpu.memref_slice %arg4[%dma_start3A, %mul3A_2] : memref<64x4096xf32, #tpu.memory_space<hbm>> -> memref<64x128xf32, #tpu.memory_space<hbm>>
      %dma_start3A_9 = arith.constant 0 : i32
      %dma_start3A_10 = tpu.memref_slice %arg4[%dma_start3A_9, %mul3A_2] : memref<64x4096xf32, #tpu.memory_space<hbm>> -> memref<64x128xf32, #tpu.memory_space<hbm>>
      tpu.enqueue_dma source(%arg7 : memref<64x128xf32, #tpu.memory_space<vmem>>) target(%dma_start3A_10 : memref<64x128xf32, #tpu.memory_space<hbm>>) target_semaphore(%run_scoped3A : memref<!tpu.dma_semaphore, #tpu.memory_space<semaphore_mem>>)
      %dma_wait3A = arith.constant 0 : i32
      %dma_wait3A_11 = tpu.memref_slice %arg4[%dma_wait3A, %mul3A_2] : memref<64x4096xf32, #tpu.memory_space<hbm>> -> memref<64x128xf32, #tpu.memory_space<hbm>>
      %dma_wait3A_12 = arith.constant 0 : i32
      %dma_wait3A_13 = tpu.memref_slice %arg4[%dma_wait3A_12, %mul3A_2] : memref<64x4096xf32, #tpu.memory_space<hbm>> -> memref<64x128xf32, #tpu.memory_space<hbm>>
      tpu.wait_dma2 semaphore(%run_scoped3A : memref<!tpu.dma_semaphore, #tpu.memory_space<semaphore_mem>>) src(%arg7 : memref<64x128xf32, #tpu.memory_space<vmem>>) dst(%dma_wait3A_13 : memref<64x128xf32, #tpu.memory_space<hbm>>)
      tpu.yield
    }) : () -> ()
    return
  }
}

#map = affine_map<(d0, d1) -> (0, 0)>
module attributes {stable_mosaic.version = 14 : i64} {
  func.func @_sc_body(%arg0: i32, %arg1: i32, %arg2: memref<208x4096xi32, #tpu.memory_space<hbm>>, %arg3: memref<100001x64xf32, #tpu.memory_space<hbm>>, %arg4: memref<1001x64xf32, #tpu.memory_space<hbm>>, %arg5: memref<64x4096xf32, #tpu.memory_space<hbm>>, %arg6: memref<4096x64xf32, #tpu.memory_space<hbm>>, %arg7: memref<4096x64xf32, #tpu.memory_space<hbm>>, %arg8: memref<4096x64xf32, #tpu.memory_space<hbm>>, %arg9: memref<200x128xi32, #tpu.memory_space<vmem>>, %arg10: memref<128x64xf32, #tpu.memory_space<vmem>>, %arg11: memref<128x64xf32, #tpu.memory_space<vmem>>, %arg12: memref<5x128xi32, #tpu.memory_space<vmem>>, %arg13: memref<128x64xf32, #tpu.memory_space<vmem>>, %arg14: memref<!tpu.dma_semaphore, #tpu.memory_space<semaphore_mem>>, %arg15: memref<!tpu.dma_semaphore, #tpu.memory_space<semaphore_mem>>, %arg16: memref<!tpu.dma_semaphore, #tpu.memory_space<semaphore_mem>>) attributes {dimension_semantics = [#tpu.dimension_semantics<core_parallel>, #tpu.dimension_semantics<subcore_parallel>], iteration_bounds = array<i64: 2, 16>, scalar_prefetch = 0 : i64, scratch_operands = 8 : i64, tpu.core_type = #tpu.core_type<sc_vector_subcore>, window_params = [{transform_indices = #map}, {transform_indices = #map}, {transform_indices = #map}, {transform_indices = #map}, {transform_indices = #map}, {transform_indices = #map}, {transform_indices = #map}]} {
    %mul3A = arith.constant 2 : i32
    %mul3A_0 = arith.muli %arg1, %mul3A : i32
    %add3A = arith.addi %mul3A_0, %arg0 : i32
    %mul3A_1 = arith.constant 128 : i32
    %mul3A_2 = arith.muli %add3A, %mul3A_1 : i32
    "tpu.region"() ({
      %run_scoped3A = tpu.sem_alloc : memref<!tpu.dma_semaphore, #tpu.memory_space<semaphore_mem>>
      %dma_start3A_110 = arith.constant 0 : i32
      %dma_start3A_111 = tpu.memref_slice %arg2[%dma_start3A_110, %mul3A_2] : memref<208x4096xi32, #tpu.memory_space<hbm>> -> memref<200x128xi32, #tpu.memory_space<hbm>>
      %dma_start3A_112 = arith.constant 0 : i32
      %dma_start3A_113 = tpu.memref_slice %arg2[%dma_start3A_112, %mul3A_2] : memref<208x4096xi32, #tpu.memory_space<hbm>> -> memref<200x128xi32, #tpu.memory_space<hbm>>
      tpu.enqueue_dma source(%dma_start3A_113 : memref<200x128xi32, #tpu.memory_space<hbm>>) target(%arg9 : memref<200x128xi32, #tpu.memory_space<vmem>>) target_semaphore(%run_scoped3A : memref<!tpu.dma_semaphore, #tpu.memory_space<semaphore_mem>>)
      %dma_wait3A_114 = arith.constant 0 : i32
      %dma_wait3A_115 = tpu.memref_slice %arg2[%dma_wait3A_114, %mul3A_2] : memref<208x4096xi32, #tpu.memory_space<hbm>> -> memref<200x128xi32, #tpu.memory_space<hbm>>
      %dma_wait3A_116 = arith.constant 0 : i32
      %dma_wait3A_117 = tpu.memref_slice %arg2[%dma_wait3A_116, %mul3A_2] : memref<208x4096xi32, #tpu.memory_space<hbm>> -> memref<200x128xi32, #tpu.memory_space<hbm>>
      tpu.wait_dma2 semaphore(%run_scoped3A : memref<!tpu.dma_semaphore, #tpu.memory_space<semaphore_mem>>) src(%dma_wait3A_117 : memref<200x128xi32, #tpu.memory_space<hbm>>) dst(%arg9 : memref<200x128xi32, #tpu.memory_space<vmem>>)
      tpu.yield
    }) : () -> ()
    "tpu.region"() ({
      %run_scoped3A = tpu.sem_alloc : memref<!tpu.dma_semaphore, #tpu.memory_space<semaphore_mem>>
      %dma_start3A_110 = arith.constant 200 : i32
      %dma_start3A_111 = tpu.memref_slice %arg2[%dma_start3A_110, %mul3A_2] : memref<208x4096xi32, #tpu.memory_space<hbm>> -> memref<5x128xi32, #tpu.memory_space<hbm>>
      %dma_start3A_112 = arith.constant 200 : i32
      %dma_start3A_113 = tpu.memref_slice %arg2[%dma_start3A_112, %mul3A_2] : memref<208x4096xi32, #tpu.memory_space<hbm>> -> memref<5x128xi32, #tpu.memory_space<hbm>>
      tpu.enqueue_dma source(%dma_start3A_113 : memref<5x128xi32, #tpu.memory_space<hbm>>) target(%arg12 : memref<5x128xi32, #tpu.memory_space<vmem>>) target_semaphore(%run_scoped3A : memref<!tpu.dma_semaphore, #tpu.memory_space<semaphore_mem>>)
      %dma_wait3A_114 = arith.constant 200 : i32
      %dma_wait3A_115 = tpu.memref_slice %arg2[%dma_wait3A_114, %mul3A_2] : memref<208x4096xi32, #tpu.memory_space<hbm>> -> memref<5x128xi32, #tpu.memory_space<hbm>>
      %dma_wait3A_116 = arith.constant 200 : i32
      %dma_wait3A_117 = tpu.memref_slice %arg2[%dma_wait3A_116, %mul3A_2] : memref<208x4096xi32, #tpu.memory_space<hbm>> -> memref<5x128xi32, #tpu.memory_space<hbm>>
      tpu.wait_dma2 semaphore(%run_scoped3A : memref<!tpu.dma_semaphore, #tpu.memory_space<semaphore_mem>>) src(%dma_wait3A_117 : memref<5x128xi32, #tpu.memory_space<hbm>>) dst(%arg12 : memref<5x128xi32, #tpu.memory_space<vmem>>)
      tpu.yield
    }) : () -> ()
    %dma_start3A = arith.constant 0 : i32
    %dma_start3A_3 = arith.constant 0 : i32
    %dma_start3A_4 = tpu.memref_slice %arg12[%dma_start3A, %dma_start3A_3] : memref<5x128xi32, #tpu.memory_space<vmem>> -> memref<1x128xi32, #tpu.memory_space<vmem>>
    %dma_start3A_5 = tpu.memref_squeeze %dma_start3A_4 : memref<1x128xi32, #tpu.memory_space<vmem>> -> memref<128xi32, #tpu.memory_space<vmem>>
    %dma_start3A_6 = arith.constant 0 : i32
    %dma_start3A_7 = arith.constant 0 : i32
    %dma_start3A_8 = tpu.memref_slice %arg4[%dma_start3A_6, %dma_start3A_7] : memref<1001x64xf32, #tpu.memory_space<hbm>> -> memref<1001x64xf32, #tpu.memory_space<hbm>>
    tpu.enqueue_indirect_dma source(%dma_start3A_8 : memref<1001x64xf32, #tpu.memory_space<hbm>>) target(%arg13 : memref<128x64xf32, #tpu.memory_space<vmem>>) offsets(%dma_start3A_5 : memref<128xi32, #tpu.memory_space<vmem>>) semaphore(%arg14 : memref<!tpu.dma_semaphore, #tpu.memory_space<semaphore_mem>>)
    %dma_start3A_9 = arith.constant 0 : i32
    %dma_start3A_10 = arith.constant 0 : i32
    %dma_start3A_11 = tpu.memref_slice %arg9[%dma_start3A_9, %dma_start3A_10] : memref<200x128xi32, #tpu.memory_space<vmem>> -> memref<1x128xi32, #tpu.memory_space<vmem>>
    %dma_start3A_12 = tpu.memref_squeeze %dma_start3A_11 : memref<1x128xi32, #tpu.memory_space<vmem>> -> memref<128xi32, #tpu.memory_space<vmem>>
    %dma_start3A_13 = arith.constant 0 : i32
    %dma_start3A_14 = arith.constant 0 : i32
    %dma_start3A_15 = tpu.memref_slice %arg3[%dma_start3A_13, %dma_start3A_14] : memref<100001x64xf32, #tpu.memory_space<hbm>> -> memref<100001x64xf32, #tpu.memory_space<hbm>>
    tpu.enqueue_indirect_dma source(%dma_start3A_15 : memref<100001x64xf32, #tpu.memory_space<hbm>>) target(%arg10 : memref<128x64xf32, #tpu.memory_space<vmem>>) offsets(%dma_start3A_12 : memref<128xi32, #tpu.memory_space<vmem>>) semaphore(%arg15 : memref<!tpu.dma_semaphore, #tpu.memory_space<semaphore_mem>>)
    %dma_start3A_16 = arith.constant 100 : i32
    %dma_start3A_17 = arith.constant 0 : i32
    %dma_start3A_18 = tpu.memref_slice %arg9[%dma_start3A_16, %dma_start3A_17] : memref<200x128xi32, #tpu.memory_space<vmem>> -> memref<1x128xi32, #tpu.memory_space<vmem>>
    %dma_start3A_19 = tpu.memref_squeeze %dma_start3A_18 : memref<1x128xi32, #tpu.memory_space<vmem>> -> memref<128xi32, #tpu.memory_space<vmem>>
    %dma_start3A_20 = arith.constant 0 : i32
    %dma_start3A_21 = arith.constant 0 : i32
    %dma_start3A_22 = tpu.memref_slice %arg3[%dma_start3A_20, %dma_start3A_21] : memref<100001x64xf32, #tpu.memory_space<hbm>> -> memref<100001x64xf32, #tpu.memory_space<hbm>>
    tpu.enqueue_indirect_dma source(%dma_start3A_22 : memref<100001x64xf32, #tpu.memory_space<hbm>>) target(%arg11 : memref<128x64xf32, #tpu.memory_space<vmem>>) offsets(%dma_start3A_19 : memref<128xi32, #tpu.memory_space<vmem>>) semaphore(%arg16 : memref<!tpu.dma_semaphore, #tpu.memory_space<semaphore_mem>>)
    %dma_wait3A = arith.constant 0 : i32
    %dma_wait3A_23 = arith.constant 0 : i32
    %dma_wait3A_24 = tpu.memref_slice %arg12[%dma_wait3A, %dma_wait3A_23] : memref<5x128xi32, #tpu.memory_space<vmem>> -> memref<1x128xi32, #tpu.memory_space<vmem>>
    %dma_wait3A_25 = tpu.memref_squeeze %dma_wait3A_24 : memref<1x128xi32, #tpu.memory_space<vmem>> -> memref<128xi32, #tpu.memory_space<vmem>>
    %dma_wait3A_26 = arith.constant 0 : i32
    %dma_wait3A_27 = arith.constant 0 : i32
    %dma_wait3A_28 = tpu.memref_slice %arg4[%dma_wait3A_26, %dma_wait3A_27] : memref<1001x64xf32, #tpu.memory_space<hbm>> -> memref<1001x64xf32, #tpu.memory_space<hbm>>
    tpu.wait_indirect_dma semaphore(%arg14 : memref<!tpu.dma_semaphore, #tpu.memory_space<semaphore_mem>>) src(%dma_wait3A_28 : memref<1001x64xf32, #tpu.memory_space<hbm>>) dst(%arg13 : memref<128x64xf32, #tpu.memory_space<vmem>>)
    %dma_start3A_29 = arith.constant 1 : i32
    %dma_start3A_30 = arith.constant 0 : i32
    %dma_start3A_31 = tpu.memref_slice %arg12[%dma_start3A_29, %dma_start3A_30] : memref<5x128xi32, #tpu.memory_space<vmem>> -> memref<1x128xi32, #tpu.memory_space<vmem>>
    %dma_start3A_32 = tpu.memref_squeeze %dma_start3A_31 : memref<1x128xi32, #tpu.memory_space<vmem>> -> memref<128xi32, #tpu.memory_space<vmem>>
    %dma_start3A_33 = arith.constant 0 : i32
    %dma_start3A_34 = arith.constant 0 : i32
    %dma_start3A_35 = tpu.memref_slice %arg4[%dma_start3A_33, %dma_start3A_34] : memref<1001x64xf32, #tpu.memory_space<hbm>> -> memref<1001x64xf32, #tpu.memory_space<hbm>>
    tpu.enqueue_indirect_dma source(%dma_start3A_35 : memref<1001x64xf32, #tpu.memory_space<hbm>>) target(%arg13 : memref<128x64xf32, #tpu.memory_space<vmem>>) offsets(%dma_start3A_32 : memref<128xi32, #tpu.memory_space<vmem>>) semaphore(%arg14 : memref<!tpu.dma_semaphore, #tpu.memory_space<semaphore_mem>>) {add = true}
    %dma_start3A_36 = arith.constant 2 : i32
    %dma_start3A_37 = arith.constant 0 : i32
    %dma_start3A_38 = tpu.memref_slice %arg12[%dma_start3A_36, %dma_start3A_37] : memref<5x128xi32, #tpu.memory_space<vmem>> -> memref<1x128xi32, #tpu.memory_space<vmem>>
    %dma_start3A_39 = tpu.memref_squeeze %dma_start3A_38 : memref<1x128xi32, #tpu.memory_space<vmem>> -> memref<128xi32, #tpu.memory_space<vmem>>
    %dma_start3A_40 = arith.constant 0 : i32
    %dma_start3A_41 = arith.constant 0 : i32
    %dma_start3A_42 = tpu.memref_slice %arg4[%dma_start3A_40, %dma_start3A_41] : memref<1001x64xf32, #tpu.memory_space<hbm>> -> memref<1001x64xf32, #tpu.memory_space<hbm>>
    tpu.enqueue_indirect_dma source(%dma_start3A_42 : memref<1001x64xf32, #tpu.memory_space<hbm>>) target(%arg13 : memref<128x64xf32, #tpu.memory_space<vmem>>) offsets(%dma_start3A_39 : memref<128xi32, #tpu.memory_space<vmem>>) semaphore(%arg14 : memref<!tpu.dma_semaphore, #tpu.memory_space<semaphore_mem>>) {add = true}
    %dma_start3A_43 = arith.constant 3 : i32
    %dma_start3A_44 = arith.constant 0 : i32
    %dma_start3A_45 = tpu.memref_slice %arg12[%dma_start3A_43, %dma_start3A_44] : memref<5x128xi32, #tpu.memory_space<vmem>> -> memref<1x128xi32, #tpu.memory_space<vmem>>
    %dma_start3A_46 = tpu.memref_squeeze %dma_start3A_45 : memref<1x128xi32, #tpu.memory_space<vmem>> -> memref<128xi32, #tpu.memory_space<vmem>>
    %dma_start3A_47 = arith.constant 0 : i32
    %dma_start3A_48 = arith.constant 0 : i32
    %dma_start3A_49 = tpu.memref_slice %arg4[%dma_start3A_47, %dma_start3A_48] : memref<1001x64xf32, #tpu.memory_space<hbm>> -> memref<1001x64xf32, #tpu.memory_space<hbm>>
    tpu.enqueue_indirect_dma source(%dma_start3A_49 : memref<1001x64xf32, #tpu.memory_space<hbm>>) target(%arg13 : memref<128x64xf32, #tpu.memory_space<vmem>>) offsets(%dma_start3A_46 : memref<128xi32, #tpu.memory_space<vmem>>) semaphore(%arg14 : memref<!tpu.dma_semaphore, #tpu.memory_space<semaphore_mem>>) {add = true}
    %dma_start3A_50 = arith.constant 4 : i32
    %dma_start3A_51 = arith.constant 0 : i32
    %dma_start3A_52 = tpu.memref_slice %arg12[%dma_start3A_50, %dma_start3A_51] : memref<5x128xi32, #tpu.memory_space<vmem>> -> memref<1x128xi32, #tpu.memory_space<vmem>>
    %dma_start3A_53 = tpu.memref_squeeze %dma_start3A_52 : memref<1x128xi32, #tpu.memory_space<vmem>> -> memref<128xi32, #tpu.memory_space<vmem>>
    %dma_start3A_54 = arith.constant 0 : i32
    %dma_start3A_55 = arith.constant 0 : i32
    %dma_start3A_56 = tpu.memref_slice %arg4[%dma_start3A_54, %dma_start3A_55] : memref<1001x64xf32, #tpu.memory_space<hbm>> -> memref<1001x64xf32, #tpu.memory_space<hbm>>
    tpu.enqueue_indirect_dma source(%dma_start3A_56 : memref<1001x64xf32, #tpu.memory_space<hbm>>) target(%arg13 : memref<128x64xf32, #tpu.memory_space<vmem>>) offsets(%dma_start3A_53 : memref<128xi32, #tpu.memory_space<vmem>>) semaphore(%arg14 : memref<!tpu.dma_semaphore, #tpu.memory_space<semaphore_mem>>) {add = true}
    %dma_wait3A_57 = arith.constant 0 : i32
    %dma_wait3A_58 = arith.constant 0 : i32
    %dma_wait3A_59 = tpu.memref_slice %arg9[%dma_wait3A_57, %dma_wait3A_58] : memref<200x128xi32, #tpu.memory_space<vmem>> -> memref<1x128xi32, #tpu.memory_space<vmem>>
    %dma_wait3A_60 = tpu.memref_squeeze %dma_wait3A_59 : memref<1x128xi32, #tpu.memory_space<vmem>> -> memref<128xi32, #tpu.memory_space<vmem>>
    %dma_wait3A_61 = arith.constant 0 : i32
    %dma_wait3A_62 = arith.constant 0 : i32
    %dma_wait3A_63 = tpu.memref_slice %arg3[%dma_wait3A_61, %dma_wait3A_62] : memref<100001x64xf32, #tpu.memory_space<hbm>> -> memref<100001x64xf32, #tpu.memory_space<hbm>>
    tpu.wait_indirect_dma semaphore(%arg15 : memref<!tpu.dma_semaphore, #tpu.memory_space<semaphore_mem>>) src(%dma_wait3A_63 : memref<100001x64xf32, #tpu.memory_space<hbm>>) dst(%arg10 : memref<128x64xf32, #tpu.memory_space<vmem>>)
    %dma_wait3A_64 = arith.constant 100 : i32
    %dma_wait3A_65 = arith.constant 0 : i32
    %dma_wait3A_66 = tpu.memref_slice %arg9[%dma_wait3A_64, %dma_wait3A_65] : memref<200x128xi32, #tpu.memory_space<vmem>> -> memref<1x128xi32, #tpu.memory_space<vmem>>
    %dma_wait3A_67 = tpu.memref_squeeze %dma_wait3A_66 : memref<1x128xi32, #tpu.memory_space<vmem>> -> memref<128xi32, #tpu.memory_space<vmem>>
    %dma_wait3A_68 = arith.constant 0 : i32
    %dma_wait3A_69 = arith.constant 0 : i32
    %dma_wait3A_70 = tpu.memref_slice %arg3[%dma_wait3A_68, %dma_wait3A_69] : memref<100001x64xf32, #tpu.memory_space<hbm>> -> memref<100001x64xf32, #tpu.memory_space<hbm>>
    tpu.wait_indirect_dma semaphore(%arg16 : memref<!tpu.dma_semaphore, #tpu.memory_space<semaphore_mem>>) src(%dma_wait3A_70 : memref<100001x64xf32, #tpu.memory_space<hbm>>) dst(%arg11 : memref<128x64xf32, #tpu.memory_space<vmem>>)
    %scan3A = arith.constant 0 : i32
    %scan3A_71 = arith.constant 1 : i32
    %scan3A_72 = arith.constant 99 : i32
    %scan3A_73 = arith.addi %scan3A_71, %scan3A_72 : i32
    %scan3A_74 = arith.constant 1 : i32
    scf.for %scan3A_110 = %scan3A_71 to %scan3A_73 step %scan3A_74  : i32 {
      %add3A_111 = arith.constant 0 : i32
      %add3A_112 = arith.addi %scan3A_110, %add3A_111 : i32
      %dma_start3A_113 = arith.constant 0 : i32
      %dma_start3A_114 = tpu.memref_slice %arg9[%add3A_112, %dma_start3A_113] : memref<200x128xi32, #tpu.memory_space<vmem>> -> memref<1x128xi32, #tpu.memory_space<vmem>>
      %dma_start3A_115 = tpu.memref_squeeze %dma_start3A_114 : memref<1x128xi32, #tpu.memory_space<vmem>> -> memref<128xi32, #tpu.memory_space<vmem>>
      %dma_start3A_116 = arith.constant 0 : i32
      %dma_start3A_117 = arith.constant 0 : i32
      %dma_start3A_118 = tpu.memref_slice %arg3[%dma_start3A_116, %dma_start3A_117] : memref<100001x64xf32, #tpu.memory_space<hbm>> -> memref<100001x64xf32, #tpu.memory_space<hbm>>
      tpu.enqueue_indirect_dma source(%dma_start3A_118 : memref<100001x64xf32, #tpu.memory_space<hbm>>) target(%arg10 : memref<128x64xf32, #tpu.memory_space<vmem>>) offsets(%dma_start3A_115 : memref<128xi32, #tpu.memory_space<vmem>>) semaphore(%arg15 : memref<!tpu.dma_semaphore, #tpu.memory_space<semaphore_mem>>) {add = true}
      %add3A_119 = arith.constant 100 : i32
      %add3A_120 = arith.addi %scan3A_110, %add3A_119 : i32
      %dma_start3A_121 = arith.constant 0 : i32
      %dma_start3A_122 = tpu.memref_slice %arg9[%add3A_120, %dma_start3A_121] : memref<200x128xi32, #tpu.memory_space<vmem>> -> memref<1x128xi32, #tpu.memory_space<vmem>>
      %dma_start3A_123 = tpu.memref_squeeze %dma_start3A_122 : memref<1x128xi32, #tpu.memory_space<vmem>> -> memref<128xi32, #tpu.memory_space<vmem>>
      %dma_start3A_124 = arith.constant 0 : i32
      %dma_start3A_125 = arith.constant 0 : i32
      %dma_start3A_126 = tpu.memref_slice %arg3[%dma_start3A_124, %dma_start3A_125] : memref<100001x64xf32, #tpu.memory_space<hbm>> -> memref<100001x64xf32, #tpu.memory_space<hbm>>
      tpu.enqueue_indirect_dma source(%dma_start3A_126 : memref<100001x64xf32, #tpu.memory_space<hbm>>) target(%arg11 : memref<128x64xf32, #tpu.memory_space<vmem>>) offsets(%dma_start3A_123 : memref<128xi32, #tpu.memory_space<vmem>>) semaphore(%arg16 : memref<!tpu.dma_semaphore, #tpu.memory_space<semaphore_mem>>) {add = true}
    }
    %scan3A_75 = arith.constant 99 : i32
    %dma_wait3A_76 = arith.constant 0 : i32
    %dma_wait3A_77 = arith.constant 0 : i32
    %dma_wait3A_78 = tpu.memref_slice %arg12[%dma_wait3A_76, %dma_wait3A_77] : memref<5x128xi32, #tpu.memory_space<vmem>> -> memref<1x128xi32, #tpu.memory_space<vmem>>
    %dma_wait3A_79 = tpu.memref_squeeze %dma_wait3A_78 : memref<1x128xi32, #tpu.memory_space<vmem>> -> memref<128xi32, #tpu.memory_space<vmem>>
    %dma_wait3A_80 = arith.constant 0 : i32
    %dma_wait3A_81 = arith.constant 0 : i32
    %dma_wait3A_82 = tpu.memref_slice %arg4[%dma_wait3A_80, %dma_wait3A_81] : memref<1001x64xf32, #tpu.memory_space<hbm>> -> memref<1001x64xf32, #tpu.memory_space<hbm>>
    tpu.wait_indirect_dma semaphore(%arg14 : memref<!tpu.dma_semaphore, #tpu.memory_space<semaphore_mem>>) src(%dma_wait3A_82 : memref<1001x64xf32, #tpu.memory_space<hbm>>) dst(%arg13 : memref<128x64xf32, #tpu.memory_space<vmem>>)
    %dma_wait3A_83 = arith.constant 0 : i32
    %dma_wait3A_84 = arith.constant 0 : i32
    %dma_wait3A_85 = tpu.memref_slice %arg12[%dma_wait3A_83, %dma_wait3A_84] : memref<5x128xi32, #tpu.memory_space<vmem>> -> memref<1x128xi32, #tpu.memory_space<vmem>>
    %dma_wait3A_86 = tpu.memref_squeeze %dma_wait3A_85 : memref<1x128xi32, #tpu.memory_space<vmem>> -> memref<128xi32, #tpu.memory_space<vmem>>
    %dma_wait3A_87 = arith.constant 0 : i32
    %dma_wait3A_88 = arith.constant 0 : i32
    %dma_wait3A_89 = tpu.memref_slice %arg4[%dma_wait3A_87, %dma_wait3A_88] : memref<1001x64xf32, #tpu.memory_space<hbm>> -> memref<1001x64xf32, #tpu.memory_space<hbm>>
    tpu.wait_indirect_dma semaphore(%arg14 : memref<!tpu.dma_semaphore, #tpu.memory_space<semaphore_mem>>) src(%dma_wait3A_89 : memref<1001x64xf32, #tpu.memory_space<hbm>>) dst(%arg13 : memref<128x64xf32, #tpu.memory_space<vmem>>)
    %dma_wait3A_90 = arith.constant 0 : i32
    %dma_wait3A_91 = arith.constant 0 : i32
    %dma_wait3A_92 = tpu.memref_slice %arg12[%dma_wait3A_90, %dma_wait3A_91] : memref<5x128xi32, #tpu.memory_space<vmem>> -> memref<1x128xi32, #tpu.memory_space<vmem>>
    %dma_wait3A_93 = tpu.memref_squeeze %dma_wait3A_92 : memref<1x128xi32, #tpu.memory_space<vmem>> -> memref<128xi32, #tpu.memory_space<vmem>>
    %dma_wait3A_94 = arith.constant 0 : i32
    %dma_wait3A_95 = arith.constant 0 : i32
    %dma_wait3A_96 = tpu.memref_slice %arg4[%dma_wait3A_94, %dma_wait3A_95] : memref<1001x64xf32, #tpu.memory_space<hbm>> -> memref<1001x64xf32, #tpu.memory_space<hbm>>
    tpu.wait_indirect_dma semaphore(%arg14 : memref<!tpu.dma_semaphore, #tpu.memory_space<semaphore_mem>>) src(%dma_wait3A_96 : memref<1001x64xf32, #tpu.memory_space<hbm>>) dst(%arg13 : memref<128x64xf32, #tpu.memory_space<vmem>>)
    %dma_wait3A_97 = arith.constant 0 : i32
    %dma_wait3A_98 = arith.constant 0 : i32
    %dma_wait3A_99 = tpu.memref_slice %arg12[%dma_wait3A_97, %dma_wait3A_98] : memref<5x128xi32, #tpu.memory_space<vmem>> -> memref<1x128xi32, #tpu.memory_space<vmem>>
    %dma_wait3A_100 = tpu.memref_squeeze %dma_wait3A_99 : memref<1x128xi32, #tpu.memory_space<vmem>> -> memref<128xi32, #tpu.memory_space<vmem>>
    %dma_wait3A_101 = arith.constant 0 : i32
    %dma_wait3A_102 = arith.constant 0 : i32
    %dma_wait3A_103 = tpu.memref_slice %arg4[%dma_wait3A_101, %dma_wait3A_102] : memref<1001x64xf32, #tpu.memory_space<hbm>> -> memref<1001x64xf32, #tpu.memory_space<hbm>>
    tpu.wait_indirect_dma semaphore(%arg14 : memref<!tpu.dma_semaphore, #tpu.memory_space<semaphore_mem>>) src(%dma_wait3A_103 : memref<1001x64xf32, #tpu.memory_space<hbm>>) dst(%arg13 : memref<128x64xf32, #tpu.memory_space<vmem>>)
    "tpu.region"() ({
      %run_scoped3A = tpu.sem_alloc : memref<!tpu.dma_semaphore, #tpu.memory_space<semaphore_mem>>
      %dma_start3A_110 = arith.constant 0 : i32
      %dma_start3A_111 = tpu.memref_slice %arg8[%mul3A_2, %dma_start3A_110] : memref<4096x64xf32, #tpu.memory_space<hbm>> -> memref<128x64xf32, #tpu.memory_space<hbm>>
      %dma_start3A_112 = arith.constant 0 : i32
      %dma_start3A_113 = tpu.memref_slice %arg8[%mul3A_2, %dma_start3A_112] : memref<4096x64xf32, #tpu.memory_space<hbm>> -> memref<128x64xf32, #tpu.memory_space<hbm>>
      tpu.enqueue_dma source(%arg13 : memref<128x64xf32, #tpu.memory_space<vmem>>) target(%dma_start3A_113 : memref<128x64xf32, #tpu.memory_space<hbm>>) target_semaphore(%run_scoped3A : memref<!tpu.dma_semaphore, #tpu.memory_space<semaphore_mem>>)
      %dma_wait3A_114 = arith.constant 0 : i32
      %dma_wait3A_115 = tpu.memref_slice %arg8[%mul3A_2, %dma_wait3A_114] : memref<4096x64xf32, #tpu.memory_space<hbm>> -> memref<128x64xf32, #tpu.memory_space<hbm>>
      %dma_wait3A_116 = arith.constant 0 : i32
      %dma_wait3A_117 = tpu.memref_slice %arg8[%mul3A_2, %dma_wait3A_116] : memref<4096x64xf32, #tpu.memory_space<hbm>> -> memref<128x64xf32, #tpu.memory_space<hbm>>
      tpu.wait_dma2 semaphore(%run_scoped3A : memref<!tpu.dma_semaphore, #tpu.memory_space<semaphore_mem>>) src(%arg13 : memref<128x64xf32, #tpu.memory_space<vmem>>) dst(%dma_wait3A_117 : memref<128x64xf32, #tpu.memory_space<hbm>>)
      tpu.yield
    }) : () -> ()
    %scan3A_104 = arith.constant 0 : i32
    %scan3A_105 = arith.constant 1 : i32
    %scan3A_106 = arith.constant 99 : i32
    %scan3A_107 = arith.addi %scan3A_105, %scan3A_106 : i32
    %scan3A_108 = arith.constant 1 : i32
    scf.for %scan3A_110 = %scan3A_105 to %scan3A_107 step %scan3A_108  : i32 {
      %dma_wait3A_111 = arith.constant 0 : i32
      %dma_wait3A_112 = arith.constant 0 : i32
      %dma_wait3A_113 = tpu.memref_slice %arg9[%dma_wait3A_111, %dma_wait3A_112] : memref<200x128xi32, #tpu.memory_space<vmem>> -> memref<1x128xi32, #tpu.memory_space<vmem>>
      %dma_wait3A_114 = tpu.memref_squeeze %dma_wait3A_113 : memref<1x128xi32, #tpu.memory_space<vmem>> -> memref<128xi32, #tpu.memory_space<vmem>>
      %dma_wait3A_115 = arith.constant 0 : i32
      %dma_wait3A_116 = arith.constant 0 : i32
      %dma_wait3A_117 = tpu.memref_slice %arg3[%dma_wait3A_115, %dma_wait3A_116] : memref<100001x64xf32, #tpu.memory_space<hbm>> -> memref<100001x64xf32, #tpu.memory_space<hbm>>
      tpu.wait_indirect_dma semaphore(%arg15 : memref<!tpu.dma_semaphore, #tpu.memory_space<semaphore_mem>>) src(%dma_wait3A_117 : memref<100001x64xf32, #tpu.memory_space<hbm>>) dst(%arg10 : memref<128x64xf32, #tpu.memory_space<vmem>>)
      %dma_wait3A_118 = arith.constant 0 : i32
      %dma_wait3A_119 = arith.constant 0 : i32
      %dma_wait3A_120 = tpu.memref_slice %arg9[%dma_wait3A_118, %dma_wait3A_119] : memref<200x128xi32, #tpu.memory_space<vmem>> -> memref<1x128xi32, #tpu.memory_space<vmem>>
      %dma_wait3A_121 = tpu.memref_squeeze %dma_wait3A_120 : memref<1x128xi32, #tpu.memory_space<vmem>> -> memref<128xi32, #tpu.memory_space<vmem>>
      %dma_wait3A_122 = arith.constant 0 : i32
      %dma_wait3A_123 = arith.constant 0 : i32
      %dma_wait3A_124 = tpu.memref_slice %arg3[%dma_wait3A_122, %dma_wait3A_123] : memref<100001x64xf32, #tpu.memory_space<hbm>> -> memref<100001x64xf32, #tpu.memory_space<hbm>>
      tpu.wait_indirect_dma semaphore(%arg16 : memref<!tpu.dma_semaphore, #tpu.memory_space<semaphore_mem>>) src(%dma_wait3A_124 : memref<100001x64xf32, #tpu.memory_space<hbm>>) dst(%arg11 : memref<128x64xf32, #tpu.memory_space<vmem>>)
    }
    %scan3A_109 = arith.constant 99 : i32
    "tpu.region"() ({
      %run_scoped3A = tpu.sem_alloc : memref<!tpu.dma_semaphore, #tpu.memory_space<semaphore_mem>>
      %dma_start3A_110 = arith.constant 0 : i32
      %dma_start3A_111 = tpu.memref_slice %arg6[%mul3A_2, %dma_start3A_110] : memref<4096x64xf32, #tpu.memory_space<hbm>> -> memref<128x64xf32, #tpu.memory_space<hbm>>
      %dma_start3A_112 = arith.constant 0 : i32
      %dma_start3A_113 = tpu.memref_slice %arg6[%mul3A_2, %dma_start3A_112] : memref<4096x64xf32, #tpu.memory_space<hbm>> -> memref<128x64xf32, #tpu.memory_space<hbm>>
      tpu.enqueue_dma source(%arg10 : memref<128x64xf32, #tpu.memory_space<vmem>>) target(%dma_start3A_113 : memref<128x64xf32, #tpu.memory_space<hbm>>) target_semaphore(%run_scoped3A : memref<!tpu.dma_semaphore, #tpu.memory_space<semaphore_mem>>)
      %dma_wait3A_114 = arith.constant 0 : i32
      %dma_wait3A_115 = tpu.memref_slice %arg6[%mul3A_2, %dma_wait3A_114] : memref<4096x64xf32, #tpu.memory_space<hbm>> -> memref<128x64xf32, #tpu.memory_space<hbm>>
      %dma_wait3A_116 = arith.constant 0 : i32
      %dma_wait3A_117 = tpu.memref_slice %arg6[%mul3A_2, %dma_wait3A_116] : memref<4096x64xf32, #tpu.memory_space<hbm>> -> memref<128x64xf32, #tpu.memory_space<hbm>>
      tpu.wait_dma2 semaphore(%run_scoped3A : memref<!tpu.dma_semaphore, #tpu.memory_space<semaphore_mem>>) src(%arg10 : memref<128x64xf32, #tpu.memory_space<vmem>>) dst(%dma_wait3A_117 : memref<128x64xf32, #tpu.memory_space<hbm>>)
      tpu.yield
    }) : () -> ()
    "tpu.region"() ({
      %run_scoped3A = tpu.sem_alloc : memref<!tpu.dma_semaphore, #tpu.memory_space<semaphore_mem>>
      %dma_start3A_110 = arith.constant 0 : i32
      %dma_start3A_111 = tpu.memref_slice %arg7[%mul3A_2, %dma_start3A_110] : memref<4096x64xf32, #tpu.memory_space<hbm>> -> memref<128x64xf32, #tpu.memory_space<hbm>>
      %dma_start3A_112 = arith.constant 0 : i32
      %dma_start3A_113 = tpu.memref_slice %arg7[%mul3A_2, %dma_start3A_112] : memref<4096x64xf32, #tpu.memory_space<hbm>> -> memref<128x64xf32, #tpu.memory_space<hbm>>
      tpu.enqueue_dma source(%arg11 : memref<128x64xf32, #tpu.memory_space<vmem>>) target(%dma_start3A_113 : memref<128x64xf32, #tpu.memory_space<hbm>>) target_semaphore(%run_scoped3A : memref<!tpu.dma_semaphore, #tpu.memory_space<semaphore_mem>>)
      %dma_wait3A_114 = arith.constant 0 : i32
      %dma_wait3A_115 = tpu.memref_slice %arg7[%mul3A_2, %dma_wait3A_114] : memref<4096x64xf32, #tpu.memory_space<hbm>> -> memref<128x64xf32, #tpu.memory_space<hbm>>
      %dma_wait3A_116 = arith.constant 0 : i32
      %dma_wait3A_117 = tpu.memref_slice %arg7[%mul3A_2, %dma_wait3A_116] : memref<4096x64xf32, #tpu.memory_space<hbm>> -> memref<128x64xf32, #tpu.memory_space<hbm>>
      tpu.wait_dma2 semaphore(%run_scoped3A : memref<!tpu.dma_semaphore, #tpu.memory_space<semaphore_mem>>) src(%arg11 : memref<128x64xf32, #tpu.memory_space<vmem>>) dst(%dma_wait3A_117 : memref<128x64xf32, #tpu.memory_space<hbm>>)
      tpu.yield
    }) : () -> ()
    return
  }
}

module attributes {stable_mosaic.version = 14 : i64} {
  func.func @_prep_body(%arg0: i32, %arg1: memref<512x200xi32, #tpu.memory_space<vmem>>, %arg2: memref<512x5xi32, #tpu.memory_space<vmem>>, %arg3: memref<208x512xi32, #tpu.memory_space<vmem>>, %arg4: memref<512x1xf32, #tpu.memory_space<vmem>>, %arg5: memref<512x1xf32, #tpu.memory_space<vmem>>) attributes {dimension_semantics = [#tpu.dimension_semantics<arbitrary>], iteration_bounds = array<i64: 8>, scalar_prefetch = 0 : i64, scratch_operands = 0 : i64, tpu.core_type = #tpu.core_type<tc>, window_params = [{transform_indices = @transform_0, window_bounds = array<i64: 512, 200>}, {transform_indices = @transform_1, window_bounds = array<i64: 512, 5>}, {transform_indices = @transform_2, window_bounds = array<i64: 208, 512>}, {transform_indices = @transform_3, window_bounds = array<i64: 512, 1>}, {transform_indices = @transform_4, window_bounds = array<i64: 512, 1>}]} {
    %get3A = arith.constant 0 : index
    %get3A_0 = arith.constant 0 : index
    %get3A_1 = vector.load %arg1[%get3A, %get3A_0] : memref<512x200xi32, #tpu.memory_space<vmem>>, vector<512x200xi32>
    %get3A_2 = arith.constant 0 : index
    %get3A_3 = arith.constant 0 : index
    %get3A_4 = vector.load %arg2[%get3A_2, %get3A_3] : memref<512x5xi32, #tpu.memory_space<vmem>>, vector<512x5xi32>
    %transpose3A = tpu.transpose %get3A_1, [1, 0] : vector<512x200xi32> -> vector<200x512xi32>
    %transpose3A_5 = tpu.transpose %get3A_4, [1, 0] : vector<512x5xi32> -> vector<5x512xi32>
    %broadcast_in_dim3A = arith.constant 0 : i32
    %broadcast_in_dim3A_6 = vector.broadcast %broadcast_in_dim3A : i32 to vector<3x512xi32>
    %concatenate3A = tpu.concatenate %transpose3A, %transpose3A_5, %broadcast_in_dim3A_6 in 0 : vector<200x512xi32>, vector<5x512xi32>, vector<3x512xi32> -> vector<208x512xi32>
    %swap3A = arith.constant 0 : index
    %swap3A_7 = arith.constant 0 : index
    %swap3A_8 = vector.load %arg3[%swap3A, %swap3A_7] : memref<208x512xi32, #tpu.memory_space<vmem>>, vector<208x512xi32>
    tpu.vector_store %arg3[%swap3A, %swap3A_7], %concatenate3A {strides = array<i32>} : memref<208x512xi32, #tpu.memory_space<vmem>>, vector<208x512xi32>,
    %gt3A = arith.constant 0 : i32
    %gt3A_9 = vector.broadcast %gt3A : i32 to vector<512x200xi32>
    %gt3A_10 = arith.cmpi sgt, %get3A_1, %gt3A_9 : vector<512x200xi32>
    %convert_element_type3A = arith.extui %gt3A_10 : vector<512x200xi1> to vector<512x200xi32>
    %convert_element_type3A_11 = arith.sitofp %convert_element_type3A : vector<512x200xi32> to vector<512x200xf32>
    %reduce_sum3A = arith.constant dense<0.000000e+00> : vector<512xf32>
    %reduce_sum3A_12 = vector.multi_reduction <add>, %convert_element_type3A_11, %reduce_sum3A [1] : vector<512x200xf32> to vector<512xf32>
    %broadcast_in_dim3A_13 = vector.shape_cast %reduce_sum3A_12 : vector<512xf32> to vector<512x1xf32>
    %swap3A_14 = arith.constant 0 : index
    %swap3A_15 = arith.constant 0 : index
    %swap3A_16 = vector.load %arg4[%swap3A_14, %swap3A_15] : memref<512x1xf32, #tpu.memory_space<vmem>>, vector<512x1xf32>
    tpu.vector_store %arg4[%swap3A_14, %swap3A_15], %broadcast_in_dim3A_13 {strides = array<i32>} : memref<512x1xf32, #tpu.memory_space<vmem>>, vector<512x1xf32>,
    %gt3A_17 = arith.constant 0 : i32
    %gt3A_18 = vector.broadcast %gt3A_17 : i32 to vector<512x5xi32>
    %gt3A_19 = arith.cmpi sgt, %get3A_4, %gt3A_18 : vector<512x5xi32>
    %convert_element_type3A_20 = arith.extui %gt3A_19 : vector<512x5xi1> to vector<512x5xi32>
    %convert_element_type3A_21 = arith.sitofp %convert_element_type3A_20 : vector<512x5xi32> to vector<512x5xf32>
    %reduce_sum3A_22 = arith.constant dense<0.000000e+00> : vector<512xf32>
    %reduce_sum3A_23 = vector.multi_reduction <add>, %convert_element_type3A_21, %reduce_sum3A_22 [1] : vector<512x5xf32> to vector<512xf32>
    %broadcast_in_dim3A_24 = vector.shape_cast %reduce_sum3A_23 : vector<512xf32> to vector<512x1xf32>
    %swap3A_25 = arith.constant 0 : index
    %swap3A_26 = arith.constant 0 : index
    %swap3A_27 = vector.load %arg5[%swap3A_25, %swap3A_26] : memref<512x1xf32, #tpu.memory_space<vmem>>, vector<512x1xf32>
    tpu.vector_store %arg5[%swap3A_25, %swap3A_26], %broadcast_in_dim3A_24 {strides = array<i32>} : memref<512x1xf32, #tpu.memory_space<vmem>>, vector<512x1xf32>,
    return
  }
  func.func @transform_0(%arg0: i32) -> (i32, i32) {
    %c0_i32 = arith.constant 0 : i32
    %c0_i32_0 = arith.constant 0 : i32
    return %arg0, %c0_i32 : i32, i32
  }
  func.func @transform_1(%arg0: i32) -> (i32, i32) {
    %c0_i32 = arith.constant 0 : i32
    %c0_i32_0 = arith.constant 0 : i32
    return %arg0, %c0_i32 : i32, i32
  }
  func.func @transform_2(%arg0: i32) -> (i32, i32) {
    %c0_i32 = arith.constant 0 : i32
    %c0_i32_0 = arith.constant 0 : i32
    return %c0_i32, %arg0 : i32, i32
  }
  func.func @transform_3(%arg0: i32) -> (i32, i32) {
    %c0_i32 = arith.constant 0 : i32
    %c0_i32_0 = arith.constant 0 : i32
    return %arg0, %c0_i32 : i32, i32
  }
  func.func @transform_4(%arg0: i32) -> (i32, i32) {
    %c0_i32 = arith.constant 0 : i32
    %c0_i32_0 = arith.constant 0 : i32
    return %arg0, %c0_i32 : i32, i32
  }
}

module attributes {stable_mosaic.version = 14 : i64} {
  func.func @_tc_body(%arg0: i32, %arg1: memref<512x1xf32, #tpu.memory_space<vmem>>, %arg2: memref<512x1xf32, #tpu.memory_space<vmem>>, %arg3: memref<512x2xf32, #tpu.memory_space<vmem>>, %arg4: memref<64x512xf32, #tpu.memory_space<vmem>>, %arg5: memref<512x64xf32, #tpu.memory_space<vmem>>, %arg6: memref<512x64xf32, #tpu.memory_space<vmem>>, %arg7: memref<512x64xf32, #tpu.memory_space<vmem>>, %arg8: memref<2x64xf32, #tpu.memory_space<vmem>>, %arg9: memref<1x64xf32, #tpu.memory_space<vmem>>, %arg10: memref<256x128xf32, #tpu.memory_space<vmem>>, %arg11: memref<1x128xf32, #tpu.memory_space<vmem>>, %arg12: memref<128x64xf32, #tpu.memory_space<vmem>>, %arg13: memref<1x64xf32, #tpu.memory_space<vmem>>, %arg14: memref<64x512xf32, #tpu.memory_space<vmem>>) attributes {dimension_semantics = [#tpu.dimension_semantics<arbitrary>], iteration_bounds = array<i64: 8>, scalar_prefetch = 0 : i64, scratch_operands = 0 : i64, tpu.core_type = #tpu.core_type<tc>, window_params = [{transform_indices = @transform_0, window_bounds = array<i64: 512, 1>}, {transform_indices = @transform_1, window_bounds = array<i64: 512, 1>}, {transform_indices = @transform_2, window_bounds = array<i64: 512, 2>}, {transform_indices = @transform_3, window_bounds = array<i64: 64, 512>}, {transform_indices = @transform_4, window_bounds = array<i64: 512, 64>}, {transform_indices = @transform_5, window_bounds = array<i64: 512, 64>}, {transform_indices = @transform_6, window_bounds = array<i64: 512, 64>}, {pipeline_mode = #tpu.pipeline_mode<synchronous>, transform_indices = @transform_7, window_bounds = array<i64: 2, 64>}, {pipeline_mode = #tpu.pipeline_mode<synchronous>, transform_indices = @transform_8, window_bounds = array<i64: 1, 64>}, {pipeline_mode = #tpu.pipeline_mode<synchronous>, transform_indices = @transform_9, window_bounds = array<i64: 256, 128>}, {pipeline_mode = #tpu.pipeline_mode<synchronous>, transform_indices = @transform_10, window_bounds = array<i64: 1, 128>}, {pipeline_mode = #tpu.pipeline_mode<synchronous>, transform_indices = @transform_11, window_bounds = array<i64: 128, 64>}, {pipeline_mode = #tpu.pipeline_mode<synchronous>, transform_indices = @transform_12, window_bounds = array<i64: 1, 64>}, {transform_indices = @transform_13, window_bounds = array<i64: 64, 512>}]} {
    %get3A = arith.constant 0 : index
    %get3A_0 = arith.constant 0 : index
    %get3A_1 = vector.load %arg5[%get3A, %get3A_0] : memref<512x64xf32, #tpu.memory_space<vmem>>, vector<512x64xf32>
    %get3A_2 = arith.constant 0 : index
    %get3A_3 = arith.constant 0 : index
    %get3A_4 = vector.load %arg6[%get3A_2, %get3A_3] : memref<512x64xf32, #tpu.memory_space<vmem>>, vector<512x64xf32>
    %add3A = arith.addf %get3A_1, %get3A_4 : vector<512x64xf32>
    %get3A_5 = arith.constant 0 : index
    %get3A_6 = arith.constant 0 : index
    %get3A_7 = vector.load %arg1[%get3A_5, %get3A_6] : memref<512x1xf32, #tpu.memory_space<vmem>>, vector<512x1xf32>
    %add3A_8 = arith.constant 9.99999993E-9 : f32
    %add3A_9 = vector.broadcast %add3A_8 : f32 to vector<512x1xf32>
    %add3A_10 = arith.addf %get3A_7, %add3A_9 : vector<512x1xf32>
    %div3A = vector.broadcast %add3A_10 : vector<512x1xf32> to vector<512x64xf32>
    %div3A_11 = arith.divf %add3A, %div3A : vector<512x64xf32>
    %get3A_12 = arith.constant 0 : index
    %get3A_13 = arith.constant 0 : index
    %get3A_14 = vector.load %arg7[%get3A_12, %get3A_13] : memref<512x64xf32, #tpu.memory_space<vmem>>, vector<512x64xf32>
    %get3A_15 = arith.constant 0 : index
    %get3A_16 = arith.constant 0 : index
    %get3A_17 = vector.load %arg2[%get3A_15, %get3A_16] : memref<512x1xf32, #tpu.memory_space<vmem>>, vector<512x1xf32>
    %add3A_18 = arith.constant 9.99999993E-9 : f32
    %add3A_19 = vector.broadcast %add3A_18 : f32 to vector<512x1xf32>
    %add3A_20 = arith.addf %get3A_17, %add3A_19 : vector<512x1xf32>
    %div3A_21 = vector.broadcast %add3A_20 : vector<512x1xf32> to vector<512x64xf32>
    %div3A_22 = arith.divf %get3A_14, %div3A_21 : vector<512x64xf32>
    %get3A_23 = arith.constant 0 : index
    %get3A_24 = arith.constant 0 : index
    %get3A_25 = vector.load %arg3[%get3A_23, %get3A_24] : memref<512x2xf32, #tpu.memory_space<vmem>>, vector<512x2xf32>
    %get3A_26 = arith.constant 0 : index
    %get3A_27 = arith.constant 0 : index
    %get3A_28 = vector.load %arg8[%get3A_26, %get3A_27] : memref<2x64xf32, #tpu.memory_space<vmem>>, vector<2x64xf32>
    %dot_general3A = arith.constant dense<0.000000e+00> : vector<512x64xf32>
    %dot_general3A_29 = tpu.matmul %get3A_25, %get3A_28, %dot_general3A {dimension_numbers = #tpu.dot_dimension_numbers<[1], [0], [0], [1], [0, 0, 1, 1], [], []>, transpose_lhs_hint = false} : vector<512x2xf32>, vector<2x64xf32>, vector<512x64xf32> -> vector<512x64xf32>
    %get3A_30 = arith.constant 0 : index
    %get3A_31 = arith.constant 0 : index
    %get3A_32 = vector.load %arg9[%get3A_30, %get3A_31] : memref<1x64xf32, #tpu.memory_space<vmem>>, vector<1x64xf32>
    %add3A_33 = vector.broadcast %get3A_32 : vector<1x64xf32> to vector<512x64xf32>
    %add3A_34 = arith.addf %dot_general3A_29, %add3A_33 : vector<512x64xf32>
    %max3A = arith.constant 0.000000e+00 : f32
    %max3A_35 = vector.broadcast %max3A : f32 to vector<512x64xf32>
    %max3A_36 = arith.maximumf %add3A_34, %max3A_35 : vector<512x64xf32>
    %get3A_37 = arith.constant 0 : index
    %get3A_38 = arith.constant 0 : index
    %get3A_39 = vector.load %arg4[%get3A_37, %get3A_38] : memref<64x512xf32, #tpu.memory_space<vmem>>, vector<64x512xf32>
    %transpose3A = tpu.transpose %get3A_39, [1, 0] : vector<64x512xf32> -> vector<512x64xf32>
    %concatenate3A = tpu.concatenate %transpose3A, %div3A_11, %div3A_22, %max3A_36 in 1 : vector<512x64xf32>, vector<512x64xf32>, vector<512x64xf32>, vector<512x64xf32> -> vector<512x256xf32>
    %get3A_40 = arith.constant 0 : index
    %get3A_41 = arith.constant 0 : index
    %get3A_42 = vector.load %arg10[%get3A_40, %get3A_41] : memref<256x128xf32, #tpu.memory_space<vmem>>, vector<256x128xf32>
    %dot_general3A_43 = arith.constant dense<0.000000e+00> : vector<512x128xf32>
    %dot_general3A_44 = tpu.matmul %concatenate3A, %get3A_42, %dot_general3A_43 {dimension_numbers = #tpu.dot_dimension_numbers<[1], [0], [0], [1], [0, 0, 1, 1], [], []>, transpose_lhs_hint = false} : vector<512x256xf32>, vector<256x128xf32>, vector<512x128xf32> -> vector<512x128xf32>
    %get3A_45 = arith.constant 0 : index
    %get3A_46 = arith.constant 0 : index
    %get3A_47 = vector.load %arg11[%get3A_45, %get3A_46] : memref<1x128xf32, #tpu.memory_space<vmem>>, vector<1x128xf32>
    %add3A_48 = vector.broadcast %get3A_47 : vector<1x128xf32> to vector<512x128xf32>
    %add3A_49 = arith.addf %dot_general3A_44, %add3A_48 : vector<512x128xf32>
    %max3A_50 = arith.constant 0.000000e+00 : f32
    %max3A_51 = vector.broadcast %max3A_50 : f32 to vector<512x128xf32>
    %max3A_52 = arith.maximumf %add3A_49, %max3A_51 : vector<512x128xf32>
    %get3A_53 = arith.constant 0 : index
    %get3A_54 = arith.constant 0 : index
    %get3A_55 = vector.load %arg12[%get3A_53, %get3A_54] : memref<128x64xf32, #tpu.memory_space<vmem>>, vector<128x64xf32>
    %dot_general3A_56 = arith.constant dense<0.000000e+00> : vector<512x64xf32>
    %dot_general3A_57 = tpu.matmul %max3A_52, %get3A_55, %dot_general3A_56 {dimension_numbers = #tpu.dot_dimension_numbers<[1], [0], [0], [1], [0, 0, 1, 1], [], []>, transpose_lhs_hint = false} : vector<512x128xf32>, vector<128x64xf32>, vector<512x64xf32> -> vector<512x64xf32>
    %get3A_58 = arith.constant 0 : index
    %get3A_59 = arith.constant 0 : index
    %get3A_60 = vector.load %arg13[%get3A_58, %get3A_59] : memref<1x64xf32, #tpu.memory_space<vmem>>, vector<1x64xf32>
    %add3A_61 = vector.broadcast %get3A_60 : vector<1x64xf32> to vector<512x64xf32>
    %add3A_62 = arith.addf %dot_general3A_57, %add3A_61 : vector<512x64xf32>
    %mul3A = arith.mulf %add3A_62, %add3A_62 : vector<512x64xf32>
    %reduce_sum3A = arith.constant dense<0.000000e+00> : vector<512xf32>
    %reduce_sum3A_63 = vector.multi_reduction <add>, %mul3A, %reduce_sum3A [1] : vector<512x64xf32> to vector<512xf32>
    %broadcast_in_dim3A = vector.shape_cast %reduce_sum3A_63 : vector<512xf32> to vector<512x1xf32>
    %sqrt3A = math.sqrt %broadcast_in_dim3A : vector<512x1xf32>
    %max3A_64 = arith.constant 9.99999996E-13 : f32
    %max3A_65 = vector.broadcast %max3A_64 : f32 to vector<512x1xf32>
    %max3A_66 = arith.maximumf %sqrt3A, %max3A_65 : vector<512x1xf32>
    %div3A_67 = vector.broadcast %max3A_66 : vector<512x1xf32> to vector<512x64xf32>
    %div3A_68 = arith.divf %add3A_62, %div3A_67 : vector<512x64xf32>
    %transpose3A_69 = tpu.transpose %div3A_68, [1, 0] : vector<512x64xf32> -> vector<64x512xf32>
    %swap3A = arith.constant 0 : index
    %swap3A_70 = arith.constant 0 : index
    %swap3A_71 = vector.load %arg14[%swap3A, %swap3A_70] : memref<64x512xf32, #tpu.memory_space<vmem>>, vector<64x512xf32>
    tpu.vector_store %arg14[%swap3A, %swap3A_70], %transpose3A_69 {strides = array<i32>} : memref<64x512xf32, #tpu.memory_space<vmem>>, vector<64x512xf32>,
    return
  }
  func.func @transform_0(%arg0: i32) -> (i32, i32) {
    %c0_i32 = arith.constant 0 : i32
    %c0_i32_0 = arith.constant 0 : i32
    return %arg0, %c0_i32 : i32, i32
  }
  func.func @transform_1(%arg0: i32) -> (i32, i32) {
    %c0_i32 = arith.constant 0 : i32
    %c0_i32_0 = arith.constant 0 : i32
    return %arg0, %c0_i32 : i32, i32
  }
  func.func @transform_2(%arg0: i32) -> (i32, i32) {
    %c0_i32 = arith.constant 0 : i32
    %c0_i32_0 = arith.constant 0 : i32
    return %arg0, %c0_i32 : i32, i32
  }
  func.func @transform_3(%arg0: i32) -> (i32, i32) {
    %c0_i32 = arith.constant 0 : i32
    %c0_i32_0 = arith.constant 0 : i32
    return %c0_i32, %arg0 : i32, i32
  }
  func.func @transform_4(%arg0: i32) -> (i32, i32) {
    %c0_i32 = arith.constant 0 : i32
    %c0_i32_0 = arith.constant 0 : i32
    return %arg0, %c0_i32 : i32, i32
  }
  func.func @transform_5(%arg0: i32) -> (i32, i32) {
    %c0_i32 = arith.constant 0 : i32
    %c0_i32_0 = arith.constant 0 : i32
    return %arg0, %c0_i32 : i32, i32
  }
  func.func @transform_6(%arg0: i32) -> (i32, i32) {
    %c0_i32 = arith.constant 0 : i32
    %c0_i32_0 = arith.constant 0 : i32
    return %arg0, %c0_i32 : i32, i32
  }
  func.func @transform_7(%arg0: i32) -> (i32, i32) {
    %c0_i32 = arith.constant 0 : i32
    %c0_i32_0 = arith.constant 0 : i32
    %c0_i32_1 = arith.constant 0 : i32
    return %c0_i32, %c0_i32_0 : i32, i32
  }
  func.func @transform_8(%arg0: i32) -> (i32, i32) {
    %c0_i32 = arith.constant 0 : i32
    %c0_i32_0 = arith.constant 0 : i32
    %c0_i32_1 = arith.constant 0 : i32
    return %c0_i32, %c0_i32_0 : i32, i32
  }
  func.func @transform_9(%arg0: i32) -> (i32, i32) {
    %c0_i32 = arith.constant 0 : i32
    %c0_i32_0 = arith.constant 0 : i32
    %c0_i32_1 = arith.constant 0 : i32
    return %c0_i32, %c0_i32_0 : i32, i32
  }
  func.func @transform_10(%arg0: i32) -> (i32, i32) {
    %c0_i32 = arith.constant 0 : i32
    %c0_i32_0 = arith.constant 0 : i32
    %c0_i32_1 = arith.constant 0 : i32
    return %c0_i32, %c0_i32_0 : i32, i32
  }
  func.func @transform_11(%arg0: i32) -> (i32, i32) {
    %c0_i32 = arith.constant 0 : i32
    %c0_i32_0 = arith.constant 0 : i32
    %c0_i32_1 = arith.constant 0 : i32
    return %c0_i32, %c0_i32_0 : i32, i32
  }
  func.func @transform_12(%arg0: i32) -> (i32, i32) {
    %c0_i32 = arith.constant 0 : i32
    %c0_i32_0 = arith.constant 0 : i32
    %c0_i32_1 = arith.constant 0 : i32
    return %c0_i32, %c0_i32_0 : i32, i32
  }
  func.func @transform_13(%arg0: i32) -> (i32, i32) {
    %c0_i32 = arith.constant 0 : i32
    %c0_i32_0 = arith.constant 0 : i32
    return %c0_i32, %arg0 : i32, i32
  }
}

</mosaic_0001>

<sc_bundles>
// kernel: kernel.6.cloned.1.call-start
scs
__scs_entry_jumppad:
0x0: {  	(pc) =	sbr.rel $0x88, $3  }
0x1: {  	(tag) =	ssettag $0x0;
	lr =	simm.s32 $0x1  }
0x2: {  	[smem:$0x3F93] =	sst lr;
	_ =	strace $0xD0000000  }
0x3: {  	_ = 	snop  }
0x4: {  	_ = 	snop  }
0x5: {  	_ = 	snop  }
0x6: {  	_ = 	snop  }
0x7: {  	_ = 	snop  }
__scs_overlays_trampoline_lowered:
0x8: {  	[smem:$0x3FA2] =	sst s0  }
0x9: {  	[smem:$0x3FA3] =	sst s1  }
0xa: {  	[smem:$0x3FA4] =	sst s2  }
0xb: {  	[smem:$0x3FA5] =	sst s3  }
0xc: {  	[smem:$0x3FA6] =	sst s4  }
0xd: {  	[smem:$0x3FA7] =	sst s5  }
0xe: {  	[smem:$0x3FA8] =	sst s6  }
0xf: {  	[smem:$0x3FA9] =	sst s7  }
0x10: {  	[smem:$0x3FAA] =	sst s8  }
0x11: {  	[smem:$0x3FAB] =	sst s9;
	s0 =	simm.s32 @!p0 $0x0  }
0x12: {  	s1 =	sld [smem:$0x3F91];
	s0 =	simm.s32 @p0 $0x1  }
0x13: {  	[smem:$0x3FAC] =	sst s0;
	s0 =	simm.s32 @!p1 $0x0  }
0x14: {  	s2 =	sld [smem:$0x3F90];
	s0 =	simm.s32 @p1 $0x1  }
0x15: {  	[smem:$0x3FAD] =	sst s0;
	s0 =	simm.s32 @!p2 $0x0  }
0x16: {  	s3 =	sld [smem:$0x3FDB];
	s0 =	simm.s32 @p2 $0x1  }
0x17: {  	s4 =	simm.s32 $0x1BF5;
	[smem:$0x3FAF] =	sst s0  }
0x18: {  	s0 =	sld [smem:$0x3F92];
	_ =	swait.ge [sflag:s4], $0x0  }
0x19: {  	s7 =	sld [smem:$0x3F93]  }
0x1a: {  	s8 =	sadd.s32 $0xFFFFE003, lr  }
0x1b: {  	s9 =	sadd.s32 $0xFFFFFEF7, lr;
	s5 =	simm.s32 $0xFFFFFFFF;
	p2 =	slt.u32 s8, $0xFFFFF086  }
0x1c: {  	p1 =	slt.u32 s9, $0xF7A;
	s5 =	simm.s32 @!p2 $0x0  }
0x1d: {  	s5 =	simm.s32 @p1 $0x1;
	p0 =	seq.s32 s7, s2  }
0x1e: {  	s7 =	smul.u32 @!p0 $0xF7A, s2;
	p2 =	seq.s32 @!p0 s5, $0x0  }
0x1f: {  	s9 =	smul.u32 $0xF7A, s1;
	s8 =	simm.s32 @!p0 $0x1BF5;
	p2 =	por !p2, p0  }
0x20: {  	[sflag:s8] =	ssyncset.s32 @!p0 $0xFFFFF086;
	s6 =	sadd.s32 @!p0 s3, s7;
	s7 =	simm.s32 @!p0 $0x108  }
0x21: {  	s3 =	sadd.s32 s3, s9;
	s6 =	sadd.s32 @!p0 $0x88, s6;
	s7 =	simm.s32 @p2 $0x1082  }
0x22: {  	[simem:s7], [sflag:s8] =	dma.local @!p0 [hbm:s6], $0xF7A  }
0x23: {  	s9 =	sor.u32 $0xD0000000, s2;
	s6 =	simm.s32 $0x108;
	_ =	swait.ge @!p0 [sflag:s8], $0x0  }
0x24: {  	s3 =	sadd.s32 $0x88, s3;
	s6 =	simm.s32 @!p1 $0x1082;
	[sflag:s4] =	ssyncset.s32 $0xFFFFF086  }
0x25: {  	[simem:s6], [sflag:s4] =	dma.local [hbm:s3], $0xF7A  }
0x26: {  	[smem:$0x3F93] =	sst s1;
	(tag) =	ssettag s2;
	_ =	strace s9  }
0x27: {  	s1 =	sld [smem:$0x3FA3]  }
0x28: {  	s2 =	sld [smem:$0x3FA4]  }
0x29: {  	s4 =	sld [smem:$0x3FA6]  }
0x2a: {  	p0 =	seq.s32 s5, $0x0;
	s5 =	sld [smem:$0x3FA7]  }
0x2b: {  	s6 =	sld [smem:$0x3FA8]  }
0x2c: {  	s7 =	sld [smem:$0x3FA9]  }
0x2d: {  	s3 =	simm.s32 $0x108;
	s8 =	sld [smem:$0x3FAA]  }
0x2e: {  	s3 =	simm.s32 @!p0 $0x1082;
	s9 =	sld [smem:$0x3FAB]  }
0x2f: {  	lr =	sadd.s32 s0, s3;
	s0 =	sld [smem:$0x3FA2]  }
0x30: {  	s3 =	sld [smem:$0x3FA5]  }
0x31: {  	[smem:$0x3FAE] =	sst s10  }
0x32: {  	s10 =	sld [smem:$0x3FAC];
	_ =	sdelay $0x3  }
0x33: {  	p0 =	seq.s32 s10, $0x1;
	s10 =	sld [smem:$0x3FAE];
	_ =	sdelay $0x3  }
0x34: {  	[smem:$0x3FAE] =	sst s10  }
0x35: {  	s10 =	sld [smem:$0x3FAD];
	_ =	sdelay $0x3  }
0x36: {  	p1 =	seq.s32 s10, $0x1;
	s10 =	sld [smem:$0x3FAE];
	_ =	sdelay $0x3  }
0x37: {  	[smem:$0x3FAE] =	sst s10  }
0x38: {  	s10 =	sld [smem:$0x3FAF]  }
0x39: {  	_ = 	snop;
	(pc) =	sbr.ind lr, $3  }
0x3a: {  	_ = 	snop  }
0x3b: {  	_ = 	snop  }
0x3c: {  	p2 =	seq.s32 s10, $0x1;
	s10 =	sld [smem:$0x3FAE]  }
0x3d: {  	_ =	shalt  }
0x3e: {  	_ =	shalt  }
0x3f: {  	_ =	shalt  }
0x40: {  	_ =	shalt  }
0x41: {  	_ =	shalt  }
0x42: {  	_ =	shalt  }
0x43: {  	_ =	shalt  }
0x44: {  	_ =	shalt  }
0x45: {  	_ =	shalt  }
0x46: {  	_ =	shalt  }
0x47: {  	_ =	shalt  }
0x48: {  	_ =	shalt  }
0x49: {  	_ =	shalt  }
0x4a: {  	_ =	shalt  }
0x4b: {  	_ =	shalt  }
0x4c: {  	_ =	shalt  }
0x4d: {  	_ =	shalt  }
0x4e: {  	_ =	shalt  }
0x4f: {  	_ =	shalt  }
0x50: {  	_ =	shalt  }
0x51: {  	_ =	shalt  }
0x52: {  	_ =	shalt  }
0x53: {  	_ =	shalt  }
0x54: {  	_ =	shalt  }
0x55: {  	_ =	shalt  }
0x56: {  	_ =	shalt  }
0x57: {  	_ =	shalt  }
0x58: {  	_ =	shalt  }
0x59: {  	_ =	shalt  }
0x5a: {  	_ =	shalt  }
0x5b: {  	_ =	shalt  }
0x5c: {  	_ =	shalt  }
0x5d: {  	_ =	shalt  }
0x5e: {  	_ =	shalt  }
0x5f: {  	_ =	shalt  }
0x60: {  	_ =	shalt  }
0x61: {  	_ =	shalt  }
0x62: {  	_ =	shalt  }
0x63: {  	_ =	shalt  }
0x64: {  	_ =	shalt  }
0x65: {  	_ =	shalt  }
0x66: {  	_ =	shalt  }
0x67: {  	_ =	shalt  }
0x68: {  	_ =	shalt  }
0x69: {  	_ =	shalt  }
0x6a: {  	_ =	shalt  }
0x6b: {  	_ =	shalt  }
0x6c: {  	_ =	shalt  }
0x6d: {  	_ =	shalt  }
0x6e: {  	_ =	shalt  }
0x6f: {  	_ =	shalt  }
0x70: {  	_ =	shalt  }
0x71: {  	_ =	shalt  }
0x72: {  	_ =	shalt  }
0x73: {  	_ =	shalt  }
0x74: {  	_ =	shalt  }
0x75: {  	_ =	shalt  }
0x76: {  	_ =	shalt  }
0x77: {  	_ =	shalt  }
0x78: {  	_ =	shalt  }
0x79: {  	_ =	shalt  }
0x7a: {  	_ =	shalt  }
0x7b: {  	_ =	shalt  }
0x7c: {  	_ =	shalt  }
0x7d: {  	_ =	shalt  }
0x7e: {  	_ =	shalt  }
0x7f: {  	_ =	shalt  }
0x80: {  	_ =	shalt  }
0x81: {  	_ =	shalt  }
0x82: {  	_ =	shalt  }
0x83: {  	_ =	shalt  }
0x84: {  	_ =	shalt  }
0x85: {  	_ =	shalt  }
0x86: {  	_ =	shalt  }
0x87: {  	_ =	shalt  }
.Lfunc_end0:
.L_simem_size_0:
called_computation_lowered:
.L_overlay_start_0:
0x88: {  	s2 =	sld [smem:$0x3FD9]  }
0x89: {  	s3 =	sld [smem:$0x3FFE];
	_ =	sdelay $0x1  }
0x8a: {  	s1 =	srdreg.scid  }
0x8b: {  	s0 =	sand.u32 $0x1, s1  }
0x8c: {  	s17 =	sshll.u32 s0, $0xA;
	s2 =	sadd.s32 s3, s2  }
0x8d: {  	s2 =	sadd.s32 s2, s17  }
0x8e: {  	[smem:$0x3FBA] =	sst s2  }
0x8f: {  	_ = 	snop  }
0x90: {  	s2 =	sld [smem:$0x3FC9]  }
0x91: {  	s18 =	sld [smem:$0x3FC4];
	(tm) =	ssettm $0x1  }
0x92: {  	s4 =	sld [smem:$0x3FFB];
	_ =	sdelay $0x3  }
0x93: {  	_ =	strace s4  }
0x94: {  	s4 =	sld [smem:$0x3FFC];
	_ =	sdelay $0x3  }
0x95: {  	_ =	strace s4  }
0x96: {  	s4 =	sld [smem:$0x3FFD];
	_ =	sdelay $0x3  }
0x97: {  	_ =	strace s4  }
0x98: {  	_ =	strace $0x8FFFFFFF  }
0x99: {  	s19 =	sld [smem:$0x3FDB];
	_ =	sdelay $0x1  }
0x9a: {  	s5 =	simm.s32 $_scs_section_size  }
0x9b: {  	s6 =	simm.s32 $_size__tile_overlayer_lowered;
	s7 =	simm.s32 $_tile_overlayer_lowered  }
0x9c: {  	s22 =	simm.s32 $0x1BFF;
	s21 =	sshll.u32 s7, $0x1;
	s4 =	sadd.s32 s5, s19  }
0x9d: {  	s8 =	simm.s32 $0x0;
	s20 =	sshll.u32 s6, $0x1;
	s6 =	sadd.s32 s21, s4  }
0x9e: {  	[timem:s8], [sflag:s22] =	dma.local [hbm:s6], s20  }
0x9f: {  	_ =	swait.ge [sflag:s22], s20  }
0xa0: {  	s5 =	ssub.s32 $0x0, s20;
	[sflag:s22] =	ssyncset.done $0x0  }
0xa1: {  	[sflag:s22] =	ssyncadd.s32 s5;
	_ =	sdelay $0x1  }
0xa2: {  	s23 =	simm.s32 $0x1B8B  }
0xa3: {  	_ =	swait.ge [sflag:s23], $0x1  }
0xa4: {  	[sflag:s23] =	ssyncset.done $0x0  }
0xa5: {  	s25 =	simm.s32 $0x1B8E;
	s24 =	sld [smem:$0x3FFE];
	[sflag:s23] =	ssyncadd.s32 $0xFFFFFFFF  }
0xa6: {  	s26 =	simm.s32 $execute0_lowered;
	[smem:$0x3FD2] =	sst s25  }
0xa7: {  	s6 =	sshll.u32 s26, $0x1;
	_ =	strace $0x80000046;
	[dreg:$0x1] =	wrdreg $0xFFFFFFFF  }
0xa8: {  	s28 =	simm.s32 $_size_execute0_lowered;
	s4 =	sadd.s32 s4, s6;
	[dreg:$0x0] =	wrdreg $0x0  }
0xa9: {  	s6 =	sshll.u32 s28, $0x1;
	[dreg:$0x2] =	wrdreg s4  }
0xaa: {  	[dreg:$0x3] =	wrdreg s6  }
0xab: {  	[dreg:$0x4] =	wrdreg $0xC0  }
0xac: {  	_ =	task [dreg:s8], $0x5FFFF  }
0xad: {  	[dreg:$0x1] =	wrdreg $0xFFFFFFFF  }
0xae: {  	[dreg:$0x0] =	wrdreg $0x60  }
0xaf: {  	[dreg:$0x2] =	wrdreg s2  }
0xb0: {  	[dreg:$0x3] =	wrdreg s18  }
0xb1: {  	[dreg:$0x4] =	wrdreg s24  }
0xb2: {  	[dreg:$0x5] =	wrdreg $0x9  }
0xb3: {  	_ =	task.clear_ibuf [dreg:s8], $0x6FFFF;
	_ =	strace $0x90000046  }
0xb4: {  	s29 =	simm.s32 $0x9;
	_ =	strace $0x80000048  }
0xb5: {  	_ =	swait.ge [sflag:s29], $0x1  }
0xb6: {  	[sflag:s29] =	ssyncadd.s32 $0xFFFFFFFF  }
0xb7: {  	_ =	strace $0x90000048  }
0xb8: {  	_ =	sfence  }
0xb9: {  	s30 =	sld [smem:$0x0];
	_ =	sdelay $0x2  }
0xba: {  	s31 =	sshll.u32 s1, $0xD;
	s1 =	sshrl.u32 s1, $0x2  }
0xbb: {  	s3 =	sand.u32 $0x4000, s31;
	s1 =	sadd.s32 s1, s30  }
0xbc: {  	s0 =	sor.u32 s3, s0;
	s1 =	sshll.u32 s1, $0x11  }
0xbd: {  	s0 =	sor.u32 s1, s0  }
0xbe: {  	s0 =	sadd.s32 $0x8F2B, s0  }
0xbf: {  	[sflag:s0] =	ssyncadd.remote.s32 $0x1  }
0xc0: {  	_ =	sfence.sel $0xFFFF  }
0xc1: {  	[dreg:$0x0] =	wrdreg $0xFFFFFFFF;
	(pc) =	sbr.abs _section_cstart, $3  }
0xc2: {  	[dreg:$0x1] =	wrdreg $0xFFFFFFFF  }
0xc3: {  	_ =	task.clear_ibuf [dreg:s8], $0x2FFFF;
	_ =	strace $0x9FFFFFFF  }
0xc4: {  	(tm) =	ssettm $0x7FFFFFFF  }
0xc5: {  	_ =	shalt  }
tec
execute0_lowered:
.L_overlay_start_1:
0x0: {  	(tag) =	ssettag $0x1  }
0x1: {  	s4 =	rddreg [dreg:$0x0]  }
0x2: {  	s2 =	rddreg [dreg:$0x1]  }
0x3: {  	s5 =	rddreg [dreg:$0x2];
	s6 =	srdreg.scid  }
0x4: {  	s1 =	stileid.u32;
	s3 =	simm.s32 $0x0;
	s9 =	simm.s32 $0x400  }
0x5: {  	s10 =	simm.s32 $0x7A1400;
	s11 =	simm.s32 $0x80;
	s12 =	simm.s32 $0x2080  }
0x6: {  	v0 =	vlaneseq.u32;
	s13 =	simm.s32 $0x4080;
	s14 =	simm.s32 $0x6080;
	s15 =	simm.s32 $0x8080  }
0x7: {  	s16 =	simm.s32 $0x2;
	s17 =	simm.s32 $0x3;
	s18 =	simm.s32 $0x4;
	v0 =	vmul.u32 $0x80, v0  }
0x8: {  	s19 =	simm.s32 $0x8000;
	s6 =	sand.u32 $0x1, s6;
	s7 =	sshll.u32 s1, $0x1  }
0x9: {  	s20 =	simm.s32 $0x0;
	[smem:$0x7FF] =	sst s3;
	s7 =	sor.u32 s6, s7;
	v1 =	vor.u32 $0x800, v0;
	v2 =	vor.u32 $0x1000, v0;
	v3 =	vor.u32 $0x1800, v0  }
0xa: {  	_ =	strace $0x80000047;
	s6 =	ssub.s32 $0x2, s6;
	s8 =	sshll.u32 s7, $0x7;
	v4 =	vor.u32 $0x2000, v0;
	v5 =	vor.u32 $0x2800, v0;
	v6 =	vor.u32 $0x3000, v0  }
0xb: {  	s31 =	sshrl.u32 s6, $0x1;
	s7 =	sshll.u32 s7, $0x4;
	v7 =	vor.u32 $0x3800, v0;
	v8 =	vor.u32 $0x4000, v0;
	v9 =	vor.u32 $0x4800, v0;
	s5 =	sadd.s32 s8, s5  }
0xc: {  	v10 =	vor.u32 $0x5000, v0;
	v11 =	vor.u32 $0x5800, v0;
	v12 =	vor.u32 $0x6000, v0;
	s6 =	ssub.s32 s6, s31;
	s4 =	sadd.s32 s4, s7;
	s7 =	simm.s32 $0x5  }
0xd: {  	v13 =	vor.u32 $0x6800, v0;
	v14 =	vor.u32 $0x7000, v0;
	v15 =	vor.u32 $0x7800, v0;
	s8 =	simm.s32 $0x1;
	s5 =	sadd.s32 $0x2A00, s5;
	s6 =	smax.u32 s6, $0x1  }
.LBB2_1:
0xe: {  	[tilespmem:s3], [sflag:$0x5] =	stream.linear.gather [hbm4b:s4+s3], $0x80, $0x38;
	[tilespmem:$0xA080] =	vst v63  }
0xf: {  	_ =	swait.ge [sflag:s7], $0x80  }
0x10: {  	[sflag:s7] =	ssyncset.done $0x0  }
0x11: {  	s21 =	simm.s32 $0xF;
	s22 =	simm.s32 $0x0;
	[sflag:s7] =	ssyncadd.s32 $0xFFFFFF80  }
.LBB2_2:
0x12: {  	v16 =	vld [tilespmem:s22+$0x0];
	_ =	sdelay $0x4  }
0x13: {  	(v2sf) =	vpush v16, $0x0;
	_ =	sdelay $0xa  }
0x14: {  	(v2sf) =	vpush v16, $0x1;
	_ =	sdelay $0x3  }
0x15: {  	s23 =	spop (v2sf)  }
0x16: {  	s24 =	sand.u32 $0x7F, s23  }
0x17: {  	s25 =	sshra.s32 s23, $0x1F;
	p0 =	slt.s32 s23, $0x1;
	p1 =	sne.s32 s24, $0x0  }
0x18: {  	(v2sf) =	vpush v16, $0x2;
	s31 =	sshrl.u32 s25, $0x19;
	p0 =	por !p0, !p1  }
0x19: {  	s25 =	simm.s32 $0x1;
	s24 =	sadd.s32 s31, s23;
	p0 =	por !p0, !p0  }
0x1a: {  	s24 =	sshrl.u32 s24, $0x7;
	s25 =	simm.s32 @!p0 $0x0  }
0x1b: {  	s24 =	ssub.s32 s24, s25  }
0x1c: {  	s28 =	sshll.u32 s24, $0x7  }
0x1d: {  	s24 =	sand.u32 $0x1FFFFF80, s28  }
0x1e: {  	s24 =	sadd.s32 s2, s24  }
0x1f: {  	[tilespmem:s11], [sflag:$0x1] =	stream.strided.gather [hbm4b:s24+s9], $0x2000, s10, s9, $0x38;
	[tilespmem:$0xA080] =	vst v63  }
0x20: {  	s24 =	spop (v2sf)  }
0x21: {  	s0 =	sand.u32 $0x7F, s24  }
0x22: {  	s26 =	sshra.s32 s24, $0x1F;
	p1 =	slt.s32 s24, $0x1;
	p2 =	sne.s32 s0, $0x0  }
0x23: {  	s29 =	sshrl.u32 s26, $0x19;
	p0 =	por !p1, !p2  }
0x24: {  	(v2sf) =	vpush v16, $0x3;
	s26 =	simm.s32 $0x1;
	s25 =	sadd.s32 s29, s24;
	p0 =	por !p0, !p0  }
0x25: {  	s25 =	sshrl.u32 s25, $0x7;
	s26 =	simm.s32 @!p0 $0x0  }
0x26: {  	s25 =	ssub.s32 s25, s26  }
0x27: {  	s29 =	sshll.u32 s25, $0x7;
	s25 =	spop (v2sf)  }
0x28: {  	s30 =	sand.u32 $0x1FFFFF80, s29;
	s31 =	sand.u32 $0x7F, s25;
	p3 =	slt.s32 s25, $0x1  }
0x29: {  	s26 =	sadd.s32 s2, s30;
	s30 =	sshra.s32 s25, $0x1F;
	p4 =	sne.s32 s31, $0x0  }
0x2a: {  	[tilespmem:s12], [sflag:$0x2] =	stream.strided.gather [hbm4b:s26+s9], $0x2000, s10, s9, $0x38;
	[tilespmem:$0xA080] =	vst v63  }
0x2b: {  	s0 =	sshrl.u32 s30, $0x19;
	p0 =	por !p3, !p4  }
0x2c: {  	s30 =	simm.s32 $0x1;
	s26 =	sadd.s32 s0, s25;
	p0 =	por !p0, !p0  }
0x2d: {  	s26 =	sshrl.u32 s26, $0x7;
	s30 =	simm.s32 @!p0 $0x0  }
0x2e: {  	s26 =	ssub.s32 s26, s30  }
0x2f: {  	s30 =	sshll.u32 s26, $0x7  }
0x30: {  	s26 =	sand.u32 $0x1FFFFF80, s30  }
0x31: {  	s26 =	sadd.s32 s2, s26  }
0x32: {  	[tilespmem:s13], [sflag:$0x3] =	stream.strided.gather [hbm4b:s26+s9], $0x2000, s10, s9, $0x38;
	[tilespmem:$0xA080] =	vst v63  }
0x33: {  	s26 =	spop (v2sf)  }
0x34: {  	s31 =	sand.u32 $0x7F, s26  }
0x35: {  	s0 =	sshra.s32 s26, $0x1F;
	p5 =	slt.s32 s26, $0x1;
	p6 =	sne.s32 s31, $0x0  }
0x36: {  	s0 =	sshrl.u32 s0, $0x19;
	p0 =	por !p5, !p6  }
0x37: {  	s31 =	simm.s32 $0x1;
	s0 =	sadd.s32 s0, s26;
	p0 =	por !p0, !p0  }
0x38: {  	s0 =	sshrl.u32 s0, $0x7;
	s31 =	simm.s32 @!p0 $0x0  }
0x39: {  	s0 =	ssub.s32 s0, s31  }
0x3a: {  	s31 =	sshll.u32 s0, $0x7  }
0x3b: {  	s23 =	ssub.s32 s23, s28;
	s0 =	sand.u32 $0x1FFFFF80, s31  }
0x3c: {  	s28 =	sadd.s32 $0xFFFFFFF1, s21;
	v17 =	vadd.s32 s23, v0;
	s0 =	sadd.s32 s2, s0  }
0x3d: {  	v18 =	vmov s28;
	[tilespmem:s14], [sflag:$0x4] =	stream.strided.gather [hbm4b:s0+s9], $0x2000, s10, s9, $0x38;
	[tilespmem:$0xA080] =	vst v63  }
0x3e: {  	v18 =	vand.u32 $0x70, v18;
	_ =	swait.ge [sflag:s8], $0x2000  }
0x3f: {  	v18 =	vbroadcast v18, $0x0;
	[sflag:s8] =	ssyncset.done $0x0  }
0x40: {  	(v2sf) =	vpush v16, $0x4;
	[sflag:s8] =	ssyncadd.s32 $0xFFFFE000  }
0x41: {  	v19 =	vor.u32 v0, v18;
	v17 =	vld.idx.msk [tilespmem:v17+s11+$0x0], $0xffff  }
0x42: {  	v20 =	vadd.s32 s23, v1;
	_ =	sdelay $0x3  }
0x43: {  	[tilespmem:v19+s15+$0x0] =	vst.idx.msk $0xffff, v17  }
0x44: {  	v39 =	vor.u32 v1, v18;
	v17 =	vld.idx.msk [tilespmem:v20+s11+$0x0], $0xffff  }
0x45: {  	v40 =	vadd.s32 s23, v2;
	_ =	sdelay $0x3  }
0x46: {  	[tilespmem:v39+s15+$0x0] =	vst.idx.msk $0xffff, v17  }
0x47: {  	v41 =	vor.u32 v2, v18;
	v17 =	vld.idx.msk [tilespmem:v40+s11+$0x0], $0xffff  }
0x48: {  	v42 =	vadd.s32 s23, v3  }
0x49: {  	s23 =	spop (v2sf)  }
0x4a: {  	s0 =	sand.u32 $0x7F, s23  }
0x4b: {  	s28 =	sshra.s32 s23, $0x1F;
	p1 =	slt.s32 s23, $0x1;
	p2 =	sne.s32 s0, $0x0  }
0x4c: {  	s28 =	sshrl.u32 s28, $0x19;
	p0 =	por !p1, !p2;
	[tilespmem:v41+s15+$0x0] =	vst.idx.msk $0xffff, v17  }
0x4d: {  	v18 =	vor.u32 v3, v18;
	s0 =	sadd.s32 s28, s23;
	s28 =	simm.s32 $0x1;
	p0 =	por !p0, !p0;
	v17 =	vld.idx.msk [tilespmem:v42+s11+$0x0], $0xffff  }
0x4e: {  	s0 =	sshrl.u32 s0, $0x7;
	s28 =	simm.s32 @!p0 $0x0  }
0x4f: {  	s0 =	ssub.s32 s0, s28  }
0x50: {  	s28 =	sshll.u32 s0, $0x7  }
0x51: {  	s24 =	ssub.s32 s24, s29;
	s0 =	sand.u32 $0x1FFFFF80, s28  }
0x52: {  	s29 =	sadd.s32 $0xFFFFFFF2, s21;
	s0 =	sadd.s32 s2, s0;
	[tilespmem:v18+s15+$0x0] =	vst.idx.msk $0xffff, v17;
	v17 =	vadd.s32 s24, v4  }
0x53: {  	v43 =	vmov s29;
	[tilespmem:s11], [sflag:$0x1] =	stream.strided.gather [hbm4b:s0+s9], $0x2000, s10, s9, $0x38;
	[tilespmem:$0xA080] =	vst v63  }
0x54: {  	v18 =	vand.u32 $0x71, v43;
	_ =	swait.ge [sflag:s16], $0x2000  }
0x55: {  	v18 =	vbroadcast v18, $0x0;
	[sflag:s16] =	ssyncset.done $0x0  }
0x56: {  	(v2sf) =	vpush v16, $0x5;
	[sflag:s16] =	ssyncadd.s32 $0xFFFFE000  }
0x57: {  	v44 =	vor.u32 v0, v18;
	v17 =	vld.idx.msk [tilespmem:v17+s11+$0x0], $0xffff  }
0x58: {  	v45 =	vadd.s32 s24, v5;
	_ =	sdelay $0x3  }
0x59: {  	[tilespmem:v44+s15+$0x0] =	vst.idx.msk $0xffff, v17  }
0x5a: {  	v46 =	vor.u32 v1, v18;
	v17 =	vld.idx.msk [tilespmem:v45+s11+$0x0], $0xffff  }
0x5b: {  	v47 =	vadd.s32 s24, v6;
	_ =	sdelay $0x3  }
0x5c: {  	[tilespmem:v46+s15+$0x0] =	vst.idx.msk $0xffff, v17  }
0x5d: {  	v48 =	vor.u32 v2, v18;
	v17 =	vld.idx.msk [tilespmem:v47+s11+$0x0], $0xffff  }
0x5e: {  	v49 =	vadd.s32 s24, v7  }
0x5f: {  	s24 =	spop (v2sf)  }
0x60: {  	s0 =	sand.u32 $0x7F, s24  }
0x61: {  	s29 =	sshra.s32 s24, $0x1F;
	p3 =	slt.s32 s24, $0x1;
	p4 =	sne.s32 s0, $0x0  }
0x62: {  	s29 =	sshrl.u32 s29, $0x19;
	p0 =	por !p3, !p4;
	[tilespmem:v48+s15+$0x0] =	vst.idx.msk $0xffff, v17  }
0x63: {  	v18 =	vor.u32 v3, v18;
	s0 =	sadd.s32 s29, s24;
	s29 =	simm.s32 $0x1;
	p0 =	por !p0, !p0;
	v17 =	vld.idx.msk [tilespmem:v49+s11+$0x0], $0xffff  }
0x64: {  	s0 =	sshrl.u32 s0, $0x7;
	s29 =	simm.s32 @!p0 $0x0  }
0x65: {  	s0 =	ssub.s32 s0, s29  }
0x66: {  	s29 =	sshll.u32 s0, $0x7  }
0x67: {  	s25 =	ssub.s32 s25, s30;
	s0 =	sand.u32 $0x1FFFFF80, s29  }
0x68: {  	s30 =	sadd.s32 $0xFFFFFFF3, s21;
	s0 =	sadd.s32 s2, s0;
	[tilespmem:v18+s15+$0x0] =	vst.idx.msk $0xffff, v17;
	v17 =	vadd.s32 s25, v8  }
0x69: {  	v50 =	vmov s30;
	[tilespmem:s12], [sflag:$0x2] =	stream.strided.gather [hbm4b:s0+s9], $0x2000, s10, s9, $0x38;
	[tilespmem:$0xA080] =	vst v63  }
0x6a: {  	v18 =	vand.u32 $0x72, v50;
	_ =	swait.ge [sflag:s17], $0x2000  }
0x6b: {  	v18 =	vbroadcast v18, $0x0;
	[sflag:s17] =	ssyncset.done $0x0  }
0x6c: {  	(v2sf) =	vpush v16, $0x6;
	[sflag:s17] =	ssyncadd.s32 $0xFFFFE000  }
0x6d: {  	v51 =	vor.u32 v0, v18;
	v17 =	vld.idx.msk [tilespmem:v17+s11+$0x0], $0xffff  }
0x6e: {  	v52 =	vadd.s32 s25, v9;
	_ =	sdelay $0x3  }
0x6f: {  	[tilespmem:v51+s15+$0x0] =	vst.idx.msk $0xffff, v17  }
0x70: {  	v53 =	vor.u32 v1, v18;
	v17 =	vld.idx.msk [tilespmem:v52+s11+$0x0], $0xffff  }
0x71: {  	v54 =	vadd.s32 s25, v10;
	_ =	sdelay $0x3  }
0x72: {  	[tilespmem:v53+s15+$0x0] =	vst.idx.msk $0xffff, v17  }
0x73: {  	v55 =	vor.u32 v2, v18;
	v17 =	vld.idx.msk [tilespmem:v54+s11+$0x0], $0xffff  }
0x74: {  	v56 =	vadd.s32 s25, v11  }
0x75: {  	s25 =	spop (v2sf)  }
0x76: {  	s0 =	sand.u32 $0x7F, s25  }
0x77: {  	s30 =	sshra.s32 s25, $0x1F;
	p5 =	slt.s32 s25, $0x1;
	p6 =	sne.s32 s0, $0x0  }
0x78: {  	s30 =	sshrl.u32 s30, $0x19;
	p0 =	por !p5, !p6;
	[tilespmem:v55+s15+$0x0] =	vst.idx.msk $0xffff, v17  }
0x79: {  	v18 =	vor.u32 v3, v18;
	s0 =	sadd.s32 s30, s25;
	s30 =	simm.s32 $0x1;
	p0 =	por !p0, !p0;
	v17 =	vld.idx.msk [tilespmem:v56+s11+$0x0], $0xffff  }
0x7a: {  	s0 =	sshrl.u32 s0, $0x7;
	s30 =	simm.s32 @!p0 $0x0  }
0x7b: {  	s0 =	ssub.s32 s0, s30  }
0x7c: {  	s30 =	sshll.u32 s0, $0x7  }
0x7d: {  	s26 =	ssub.s32 s26, s31;
	s0 =	sand.u32 $0x1FFFFF80, s30  }
0x7e: {  	s31 =	sadd.s32 $0xFFFFFFF4, s21;
	s0 =	sadd.s32 s2, s0;
	[tilespmem:v18+s15+$0x0] =	vst.idx.msk $0xffff, v17;
	v17 =	vadd.s32 s26, v12  }
0x7f: {  	v57 =	vmov s31;
	[tilespmem:s13], [sflag:$0x3] =	stream.strided.gather [hbm4b:s0+s9], $0x2000, s10, s9, $0x38;
	[tilespmem:$0xA080] =	vst v63  }
0x80: {  	v18 =	vand.u32 $0x73, v57;
	_ =	swait.ge [sflag:s18], $0x2000  }
0x81: {  	v18 =	vbroadcast v18, $0x0;
	[sflag:s18] =	ssyncset.done $0x0  }
0x82: {  	(v2sf) =	vpush v16, $0x7;
	[sflag:s18] =	ssyncadd.s32 $0xFFFFE000  }
0x83: {  	v58 =	vor.u32 v0, v18;
	v17 =	vld.idx.msk [tilespmem:v17+s11+$0x0], $0xffff  }
0x84: {  	v59 =	vadd.s32 s26, v13;
	_ =	sdelay $0x3  }
0x85: {  	[tilespmem:v58+s15+$0x0] =	vst.idx.msk $0xffff, v17  }
0x86: {  	v60 =	vor.u32 v1, v18;
	v17 =	vld.idx.msk [tilespmem:v59+s11+$0x0], $0xffff  }
0x87: {  	v61 =	vadd.s32 s26, v14;
	_ =	sdelay $0x3  }
0x88: {  	[tilespmem:v60+s15+$0x0] =	vst.idx.msk $0xffff, v17  }
0x89: {  	v62 =	vor.u32 v2, v18;
	v17 =	vld.idx.msk [tilespmem:v61+s11+$0x0], $0xffff  }
0x8a: {  	v63 =	vadd.s32 s26, v15  }
0x8b: {  	s26 =	spop (v2sf)  }
0x8c: {  	s0 =	sand.u32 $0x7F, s26  }
0x8d: {  	s31 =	sshra.s32 s26, $0x1F;
	p1 =	slt.s32 s26, $0x1;
	p2 =	sne.s32 s0, $0x0  }
0x8e: {  	s31 =	sshrl.u32 s31, $0x19;
	p0 =	por !p1, !p2;
	[tilespmem:v62+s15+$0x0] =	vst.idx.msk $0xffff, v17  }
0x8f: {  	v18 =	vor.u32 v3, v18;
	s0 =	sadd.s32 s31, s26;
	s31 =	simm.s32 $0x1;
	p0 =	por !p0, !p0;
	v17 =	vld.idx.msk [tilespmem:v63+s11+$0x0], $0xffff  }
0x90: {  	s0 =	sshrl.u32 s0, $0x7;
	s31 =	simm.s32 @!p0 $0x0  }
0x91: {  	s0 =	ssub.s32 s0, s31  }
0x92: {  	s31 =	sshll.u32 s0, $0x7  }
0x93: {  	s23 =	ssub.s32 s23, s28;
	s0 =	sand.u32 $0x1FFFFF80, s31  }
0x94: {  	s28 =	sadd.s32 $0xFFFFFFF5, s21;
	s0 =	sadd.s32 s2, s0;
	[tilespmem:v18+s15+$0x0] =	vst.idx.msk $0xffff, v17;
	v17 =	vadd.s32 s23, v0  }
0x95: {  	v24 =	vmov s28;
	[tilespmem:s14], [sflag:$0x4] =	stream.strided.gather [hbm4b:s0+s9], $0x2000, s10, s9, $0x38;
	[tilespmem:$0xA080] =	vst v63  }
0x96: {  	v18 =	vand.u32 $0x74, v24;
	_ =	swait.ge [sflag:s8], $0x2000  }
0x97: {  	v18 =	vbroadcast v18, $0x0;
	[sflag:s8] =	ssyncset.done $0x0  }
0x98: {  	(v2sf) =	vpush v16, $0x8;
	[sflag:s8] =	ssyncadd.s32 $0xFFFFE000  }
0x99: {  	v25 =	vor.u32 v0, v18;
	v17 =	vld.idx.msk [tilespmem:v17+s11+$0x0], $0xffff  }
0x9a: {  	v26 =	vadd.s32 s23, v1;
	_ =	sdelay $0x3  }
0x9b: {  	[tilespmem:v25+s15+$0x0] =	vst.idx.msk $0xffff, v17  }
0x9c: {  	v27 =	vor.u32 v1, v18;
	v17 =	vld.idx.msk [tilespmem:v26+s11+$0x0], $0xffff  }
0x9d: {  	v28 =	vadd.s32 s23, v2;
	_ =	sdelay $0x3  }
0x9e: {  	[tilespmem:v27+s15+$0x0] =	vst.idx.msk $0xffff, v17  }
0x9f: {  	v29 =	vor.u32 v2, v18;
	v17 =	vld.idx.msk [tilespmem:v28+s11+$0x0], $0xffff  }
0xa0: {  	v30 =	vadd.s32 s23, v3  }
0xa1: {  	s23 =	spop (v2sf)  }
0xa2: {  	s0 =	sand.u32 $0x7F, s23  }
0xa3: {  	s28 =	sshra.s32 s23, $0x1F;
	p3 =	slt.s32 s23, $0x1;
	p4 =	sne.s32 s0, $0x0  }
0xa4: {  	s28 =	sshrl.u32 s28, $0x19;
	p0 =	por !p3, !p4;
	[tilespmem:v29+s15+$0x0] =	vst.idx.msk $0xffff, v17  }
0xa5: {  	v18 =	vor.u32 v3, v18;
	s0 =	sadd.s32 s28, s23;
	s28 =	simm.s32 $0x1;
	p0 =	por !p0, !p0;
	v17 =	vld.idx.msk [tilespmem:v30+s11+$0x0], $0xffff  }
0xa6: {  	s0 =	sshrl.u32 s0, $0x7;
	s28 =	simm.s32 @!p0 $0x0  }
0xa7: {  	s0 =	ssub.s32 s0, s28  }
0xa8: {  	s28 =	sshll.u32 s0, $0x7  }
0xa9: {  	s24 =	ssub.s32 s24, s29;
	s0 =	sand.u32 $0x1FFFFF80, s28  }
0xaa: {  	s29 =	sadd.s32 $0xFFFFFFF6, s21;
	s0 =	sadd.s32 s2, s0;
	[tilespmem:v18+s15+$0x0] =	vst.idx.msk $0xffff, v17;
	v17 =	vadd.s32 s24, v4  }
0xab: {  	v31 =	vmov s29;
	[tilespmem:s11], [sflag:$0x1] =	stream.strided.gather [hbm4b:s0+s9], $0x2000, s10, s9, $0x38;
	[tilespmem:$0xA080] =	vst v63  }
0xac: {  	v18 =	vand.u32 $0x75, v31;
	_ =	swait.ge [sflag:s16], $0x2000  }
0xad: {  	v18 =	vbroadcast v18, $0x0;
	[sflag:s16] =	ssyncset.done $0x0  }
0xae: {  	(v2sf) =	vpush v16, $0x9;
	[sflag:s16] =	ssyncadd.s32 $0xFFFFE000  }
0xaf: {  	v32 =	vor.u32 v0, v18;
	v17 =	vld.idx.msk [tilespmem:v17+s11+$0x0], $0xffff  }
0xb0: {  	v33 =	vadd.s32 s24, v5;
	_ =	sdelay $0x3  }
0xb1: {  	[tilespmem:v32+s15+$0x0] =	vst.idx.msk $0xffff, v17  }
0xb2: {  	v34 =	vor.u32 v1, v18;
	v17 =	vld.idx.msk [tilespmem:v33+s11+$0x0], $0xffff  }
0xb3: {  	v35 =	vadd.s32 s24, v6;
	_ =	sdelay $0x3  }
0xb4: {  	[tilespmem:v34+s15+$0x0] =	vst.idx.msk $0xffff, v17  }
0xb5: {  	v36 =	vor.u32 v2, v18;
	v17 =	vld.idx.msk [tilespmem:v35+s11+$0x0], $0xffff  }
0xb6: {  	v37 =	vadd.s32 s24, v7  }
0xb7: {  	s24 =	spop (v2sf)  }
0xb8: {  	s0 =	sand.u32 $0x7F, s24  }
0xb9: {  	s29 =	sshra.s32 s24, $0x1F;
	p5 =	slt.s32 s24, $0x1;
	p6 =	sne.s32 s0, $0x0  }
0xba: {  	s29 =	sshrl.u32 s29, $0x19;
	p0 =	por !p5, !p6;
	[tilespmem:v36+s15+$0x0] =	vst.idx.msk $0xffff, v17  }
0xbb: {  	v18 =	vor.u32 v3, v18;
	s0 =	sadd.s32 s29, s24;
	s29 =	simm.s32 $0x1;
	p0 =	por !p0, !p0;
	v17 =	vld.idx.msk [tilespmem:v37+s11+$0x0], $0xffff  }
0xbc: {  	s0 =	sshrl.u32 s0, $0x7;
	s29 =	simm.s32 @!p0 $0x0  }
0xbd: {  	s0 =	ssub.s32 s0, s29  }
0xbe: {  	s29 =	sshll.u32 s0, $0x7  }
0xbf: {  	s25 =	ssub.s32 s25, s30;
	s0 =	sand.u32 $0x1FFFFF80, s29  }
0xc0: {  	s30 =	sadd.s32 $0xFFFFFFF7, s21;
	s0 =	sadd.s32 s2, s0;
	[tilespmem:v18+s15+$0x0] =	vst.idx.msk $0xffff, v17;
	v17 =	vadd.s32 s25, v8  }
0xc1: {  	v38 =	vmov s30;
	[tilespmem:s12], [sflag:$0x2] =	stream.strided.gather [hbm4b:s0+s9], $0x2000, s10, s9, $0x38;
	[tilespmem:$0xA080] =	vst v63  }
0xc2: {  	v18 =	vand.u32 $0x76, v38;
	_ =	swait.ge [sflag:s17], $0x2000  }
0xc3: {  	v18 =	vbroadcast v18, $0x0;
	[sflag:s17] =	ssyncset.done $0x0  }
0xc4: {  	(v2sf) =	vpush v16, $0xA;
	[sflag:s17] =	ssyncadd.s32 $0xFFFFE000  }
0xc5: {  	v39 =	vor.u32 v0, v18;
	v17 =	vld.idx.msk [tilespmem:v17+s11+$0x0], $0xffff  }
0xc6: {  	v40 =	vadd.s32 s25, v9;
	_ =	sdelay $0x3  }
0xc7: {  	[tilespmem:v39+s15+$0x0] =	vst.idx.msk $0xffff, v17  }
0xc8: {  	v41 =	vor.u32 v1, v18;
	v17 =	vld.idx.msk [tilespmem:v40+s11+$0x0], $0xffff  }
0xc9: {  	v42 =	vadd.s32 s25, v10;
	_ =	sdelay $0x3  }
0xca: {  	[tilespmem:v41+s15+$0x0] =	vst.idx.msk $0xffff, v17  }
0xcb: {  	v43 =	vor.u32 v2, v18;
	v17 =	vld.idx.msk [tilespmem:v42+s11+$0x0], $0xffff  }
0xcc: {  	v44 =	vadd.s32 s25, v11  }
0xcd: {  	s25 =	spop (v2sf)  }
0xce: {  	s0 =	sand.u32 $0x7F, s25  }
0xcf: {  	s30 =	sshra.s32 s25, $0x1F;
	p1 =	slt.s32 s25, $0x1;
	p2 =	sne.s32 s0, $0x0  }
0xd0: {  	s30 =	sshrl.u32 s30, $0x19;
	p0 =	por !p1, !p2;
	[tilespmem:v43+s15+$0x0] =	vst.idx.msk $0xffff, v17  }
0xd1: {  	v18 =	vor.u32 v3, v18;
	s0 =	sadd.s32 s30, s25;
	s30 =	simm.s32 $0x1;
	p0 =	por !p0, !p0;
	v17 =	vld.idx.msk [tilespmem:v44+s11+$0x0], $0xffff  }
0xd2: {  	s0 =	sshrl.u32 s0, $0x7;
	s30 =	simm.s32 @!p0 $0x0  }
0xd3: {  	s0 =	ssub.s32 s0, s30  }
0xd4: {  	s30 =	sshll.u32 s0, $0x7  }
0xd5: {  	s26 =	ssub.s32 s26, s31;
	s0 =	sand.u32 $0x1FFFFF80, s30  }
0xd6: {  	s31 =	sadd.s32 $0xFFFFFFF8, s21;
	s0 =	sadd.s32 s2, s0;
	[tilespmem:v18+s15+$0x0] =	vst.idx.msk $0xffff, v17;
	v17 =	vadd.s32 s26, v12  }
0xd7: {  	v45 =	vmov s31;
	[tilespmem:s13], [sflag:$0x3] =	stream.strided.gather [hbm4b:s0+s9], $0x2000, s10, s9, $0x38;
	[tilespmem:$0xA080] =	vst v63  }
0xd8: {  	v18 =	vand.u32 $0x77, v45;
	_ =	swait.ge [sflag:s18], $0x2000  }
0xd9: {  	v18 =	vbroadcast v18, $0x0;
	[sflag:s18] =	ssyncset.done $0x0  }
0xda: {  	(v2sf) =	vpush v16, $0xB;
	[sflag:s18] =	ssyncadd.s32 $0xFFFFE000  }
0xdb: {  	v46 =	vor.u32 v0, v18;
	v17 =	vld.idx.msk [tilespmem:v17+s11+$0x0], $0xffff  }
0xdc: {  	v47 =	vadd.s32 s26, v13;
	_ =	sdelay $0x3  }
0xdd: {  	[tilespmem:v46+s15+$0x0] =	vst.idx.msk $0xffff, v17  }
0xde: {  	v48 =	vor.u32 v1, v18;
	v17 =	vld.idx.msk [tilespmem:v47+s11+$0x0], $0xffff  }
0xdf: {  	v49 =	vadd.s32 s26, v14;
	_ =	sdelay $0x3  }
0xe0: {  	[tilespmem:v48+s15+$0x0] =	vst.idx.msk $0xffff, v17  }
0xe1: {  	v50 =	vor.u32 v2, v18;
	v17 =	vld.idx.msk [tilespmem:v49+s11+$0x0], $0xffff  }
0xe2: {  	v51 =	vadd.s32 s26, v15  }
0xe3: {  	s26 =	spop (v2sf)  }
0xe4: {  	s0 =	sand.u32 $0x7F, s26  }
0xe5: {  	s31 =	sshra.s32 s26, $0x1F;
	p3 =	slt.s32 s26, $0x1;
	p4 =	sne.s32 s0, $0x0  }
0xe6: {  	s31 =	sshrl.u32 s31, $0x19;
	p0 =	por !p3, !p4;
	[tilespmem:v50+s15+$0x0] =	vst.idx.msk $0xffff, v17  }
0xe7: {  	v18 =	vor.u32 v3, v18;
	s0 =	sadd.s32 s31, s26;
	s31 =	simm.s32 $0x1;
	p0 =	por !p0, !p0;
	v17 =	vld.idx.msk [tilespmem:v51+s11+$0x0], $0xffff  }
0xe8: {  	s0 =	sshrl.u32 s0, $0x7;
	s31 =	simm.s32 @!p0 $0x0  }
0xe9: {  	s0 =	ssub.s32 s0, s31  }
0xea: {  	s31 =	sshll.u32 s0, $0x7  }
0xeb: {  	s23 =	ssub.s32 s23, s28;
	s0 =	sand.u32 $0x1FFFFF80, s31  }
0xec: {  	s28 =	sadd.s32 $0xFFFFFFF9, s21;
	s0 =	sadd.s32 s2, s0;
	[tilespmem:v18+s15+$0x0] =	vst.idx.msk $0xffff, v17;
	v17 =	vadd.s32 s23, v0  }
0xed: {  	v52 =	vmov s28;
	[tilespmem:s14], [sflag:$0x4] =	stream.strided.gather [hbm4b:s0+s9], $0x2000, s10, s9, $0x38;
	[tilespmem:$0xA080] =	vst v63  }
0xee: {  	v18 =	vand.u32 $0x78, v52;
	_ =	swait.ge [sflag:s8], $0x2000  }
0xef: {  	v18 =	vbroadcast v18, $0x0;
	[sflag:s8] =	ssyncset.done $0x0  }
0xf0: {  	(v2sf) =	vpush v16, $0xC;
	[sflag:s8] =	ssyncadd.s32 $0xFFFFE000  }
0xf1: {  	v53 =	vor.u32 v0, v18;
	v17 =	vld.idx.msk [tilespmem:v17+s11+$0x0], $0xffff  }
0xf2: {  	v54 =	vadd.s32 s23, v1;
	_ =	sdelay $0x3  }
0xf3: {  	[tilespmem:v53+s15+$0x0] =	vst.idx.msk $0xffff, v17  }
0xf4: {  	v55 =	vor.u32 v1, v18;
	v17 =	vld.idx.msk [tilespmem:v54+s11+$0x0], $0xffff  }
0xf5: {  	v56 =	vadd.s32 s23, v2;
	_ =	sdelay $0x3  }
0xf6: {  	[tilespmem:v55+s15+$0x0] =	vst.idx.msk $0xffff, v17  }
0xf7: {  	v57 =	vor.u32 v2, v18;
	v17 =	vld.idx.msk [tilespmem:v56+s11+$0x0], $0xffff  }
0xf8: {  	v58 =	vadd.s32 s23, v3  }
0xf9: {  	s23 =	spop (v2sf)  }
0xfa: {  	s0 =	sand.u32 $0x7F, s23  }
0xfb: {  	s28 =	sshra.s32 s23, $0x1F;
	p5 =	slt.s32 s23, $0x1;
	p6 =	sne.s32 s0, $0x0  }
0xfc: {  	s28 =	sshrl.u32 s28, $0x19;
	p0 =	por !p5, !p6;
	[tilespmem:v57+s15+$0x0] =	vst.idx.msk $0xffff, v17  }
0xfd: {  	v18 =	vor.u32 v3, v18;
	s0 =	sadd.s32 s28, s23;
	s28 =	simm.s32 $0x1;
	p0 =	por !p0, !p0;
	v17 =	vld.idx.msk [tilespmem:v58+s11+$0x0], $0xffff  }
0xfe: {  	s0 =	sshrl.u32 s0, $0x7;
	s28 =	simm.s32 @!p0 $0x0  }
0xff: {  	s0 =	ssub.s32 s0, s28  }
0x100: {  	s28 =	sshll.u32 s0, $0x7  }
0x101: {  	s24 =	ssub.s32 s24, s29;
	s0 =	sand.u32 $0x1FFFFF80, s28  }
0x102: {  	s29 =	sadd.s32 $0xFFFFFFFA, s21;
	s0 =	sadd.s32 s2, s0;
	[tilespmem:v18+s15+$0x0] =	vst.idx.msk $0xffff, v17;
	v17 =	vadd.s32 s24, v4  }
0x103: {  	v59 =	vmov s29;
	[tilespmem:s11], [sflag:$0x1] =	stream.strided.gather [hbm4b:s0+s9], $0x2000, s10, s9, $0x38;
	[tilespmem:$0xA080] =	vst v63  }
0x104: {  	v18 =	vand.u32 $0x79, v59;
	_ =	swait.ge [sflag:s16], $0x2000  }
0x105: {  	v18 =	vbroadcast v18, $0x0;
	[sflag:s16] =	ssyncset.done $0x0  }
0x106: {  	(v2sf) =	vpush v16, $0xD;
	[sflag:s16] =	ssyncadd.s32 $0xFFFFE000  }
0x107: {  	v60 =	vor.u32 v0, v18;
	v17 =	vld.idx.msk [tilespmem:v17+s11+$0x0], $0xffff  }
0x108: {  	v61 =	vadd.s32 s24, v5;
	_ =	sdelay $0x3  }
0x109: {  	[tilespmem:v60+s15+$0x0] =	vst.idx.msk $0xffff, v17  }
0x10a: {  	v62 =	vor.u32 v1, v18;
	v17 =	vld.idx.msk [tilespmem:v61+s11+$0x0], $0xffff  }
0x10b: {  	v63 =	vadd.s32 s24, v6;
	_ =	sdelay $0x3  }
0x10c: {  	[tilespmem:v62+s15+$0x0] =	vst.idx.msk $0xffff, v17  }
0x10d: {  	v24 =	vor.u32 v2, v18;
	v17 =	vld.idx.msk [tilespmem:v63+s11+$0x0], $0xffff  }
0x10e: {  	v25 =	vadd.s32 s24, v7  }
0x10f: {  	s24 =	spop (v2sf)  }
0x110: {  	s0 =	sand.u32 $0x7F, s24  }
0x111: {  	s29 =	sshra.s32 s24, $0x1F;
	p1 =	slt.s32 s24, $0x1;
	p2 =	sne.s32 s0, $0x0  }
0x112: {  	s29 =	sshrl.u32 s29, $0x19;
	p0 =	por !p1, !p2;
	[tilespmem:v24+s15+$0x0] =	vst.idx.msk $0xffff, v17  }
0x113: {  	v18 =	vor.u32 v3, v18;
	s0 =	sadd.s32 s29, s24;
	s29 =	simm.s32 $0x1;
	p0 =	por !p0, !p0;
	v17 =	vld.idx.msk [tilespmem:v25+s11+$0x0], $0xffff  }
0x114: {  	s0 =	sshrl.u32 s0, $0x7;
	s29 =	simm.s32 @!p0 $0x0  }
0x115: {  	s0 =	ssub.s32 s0, s29  }
0x116: {  	s29 =	sshll.u32 s0, $0x7  }
0x117: {  	s25 =	ssub.s32 s25, s30;
	s0 =	sand.u32 $0x1FFFFF80, s29  }
0x118: {  	s30 =	sadd.s32 $0xFFFFFFFB, s21;
	s0 =	sadd.s32 s2, s0;
	[tilespmem:v18+s15+$0x0] =	vst.idx.msk $0xffff, v17;
	v17 =	vadd.s32 s25, v8  }
0x119: {  	v26 =	vmov s30;
	[tilespmem:s12], [sflag:$0x2] =	stream.strided.gather [hbm4b:s0+s9], $0x2000, s10, s9, $0x38;
	[tilespmem:$0xA080] =	vst v63  }
0x11a: {  	v18 =	vand.u32 $0x7A, v26;
	_ =	swait.ge [sflag:s17], $0x2000  }
0x11b: {  	v18 =	vbroadcast v18, $0x0;
	[sflag:s17] =	ssyncset.done $0x0  }
0x11c: {  	(v2sf) =	vpush v16, $0xE;
	[sflag:s17] =	ssyncadd.s32 $0xFFFFE000  }
0x11d: {  	v27 =	vor.u32 v0, v18;
	v17 =	vld.idx.msk [tilespmem:v17+s11+$0x0], $0xffff  }
0x11e: {  	v28 =	vadd.s32 s25, v9;
	_ =	sdelay $0x3  }
0x11f: {  	[tilespmem:v27+s15+$0x0] =	vst.idx.msk $0xffff, v17  }
0x120: {  	v29 =	vor.u32 v1, v18;
	v17 =	vld.idx.msk [tilespmem:v28+s11+$0x0], $0xffff  }
0x121: {  	v30 =	vadd.s32 s25, v10;
	_ =	sdelay $0x3  }
0x122: {  	[tilespmem:v29+s15+$0x0] =	vst.idx.msk $0xffff, v17  }
0x123: {  	v31 =	vor.u32 v2, v18;
	v17 =	vld.idx.msk [tilespmem:v30+s11+$0x0], $0xffff  }
0x124: {  	v32 =	vadd.s32 s25, v11  }
0x125: {  	s25 =	spop (v2sf)  }
0x126: {  	s0 =	sand.u32 $0x7F, s25  }
0x127: {  	s30 =	sshra.s32 s25, $0x1F;
	p3 =	slt.s32 s25, $0x1;
	p4 =	sne.s32 s0, $0x0  }
0x128: {  	s30 =	sshrl.u32 s30, $0x19;
	p0 =	por !p3, !p4;
	[tilespmem:v31+s15+$0x0] =	vst.idx.msk $0xffff, v17  }
0x129: {  	v18 =	vor.u32 v3, v18;
	s0 =	sadd.s32 s30, s25;
	s30 =	simm.s32 $0x1;
	p0 =	por !p0, !p0;
	v17 =	vld.idx.msk [tilespmem:v32+s11+$0x0], $0xffff  }
0x12a: {  	s0 =	sshrl.u32 s0, $0x7;
	s30 =	simm.s32 @!p0 $0x0  }
0x12b: {  	s0 =	ssub.s32 s0, s30  }
0x12c: {  	s30 =	sshll.u32 s0, $0x7  }
0x12d: {  	s26 =	ssub.s32 s26, s31;
	s0 =	sand.u32 $0x1FFFFF80, s30  }
0x12e: {  	s31 =	sadd.s32 $0xFFFFFFFC, s21;
	s0 =	sadd.s32 s2, s0;
	[tilespmem:v18+s15+$0x0] =	vst.idx.msk $0xffff, v17;
	v17 =	vadd.s32 s26, v12  }
0x12f: {  	v33 =	vmov s31;
	[tilespmem:s13], [sflag:$0x3] =	stream.strided.gather [hbm4b:s0+s9], $0x2000, s10, s9, $0x38;
	[tilespmem:$0xA080] =	vst v63  }
0x130: {  	v18 =	vand.u32 $0x7B, v33;
	_ =	swait.ge [sflag:s18], $0x2000  }
0x131: {  	v18 =	vbroadcast v18, $0x0;
	[sflag:s18] =	ssyncset.done $0x0  }
0x132: {  	(v2sf) =	vpush v16, $0xF;
	[sflag:s18] =	ssyncadd.s32 $0xFFFFE000  }
0x133: {  	v16 =	vld.idx.msk [tilespmem:v17+s11+$0x0], $0xffff;
	v17 =	vor.u32 v0, v18  }
0x134: {  	v34 =	vadd.s32 s26, v13;
	_ =	sdelay $0x3  }
0x135: {  	[tilespmem:v17+s15+$0x0] =	vst.idx.msk $0xffff, v16  }
0x136: {  	v17 =	vor.u32 v1, v18;
	v16 =	vld.idx.msk [tilespmem:v34+s11+$0x0], $0xffff  }
0x137: {  	v35 =	vadd.s32 s26, v14;
	_ =	sdelay $0x3  }
0x138: {  	[tilespmem:v17+s15+$0x0] =	vst.idx.msk $0xffff, v16  }
0x139: {  	v17 =	vor.u32 v2, v18;
	v16 =	vld.idx.msk [tilespmem:v35+s11+$0x0], $0xffff  }
0x13a: {  	v36 =	vadd.s32 s26, v15  }
0x13b: {  	s26 =	spop (v2sf)  }
0x13c: {  	s0 =	sand.u32 $0x7F, s26  }
0x13d: {  	s31 =	sshra.s32 s26, $0x1F;
	p5 =	slt.s32 s26, $0x1;
	p6 =	sne.s32 s0, $0x0  }
0x13e: {  	s31 =	sshrl.u32 s31, $0x19;
	p0 =	por !p5, !p6;
	[tilespmem:v17+s15+$0x0] =	vst.idx.msk $0xffff, v16  }
0x13f: {  	s0 =	sadd.s32 s31, s26;
	s31 =	simm.s32 $0x1;
	v17 =	vor.u32 v3, v18;
	p0 =	por !p0, !p0;
	v16 =	vld.idx.msk [tilespmem:v36+s11+$0x0], $0xffff  }
0x140: {  	s0 =	sshrl.u32 s0, $0x7;
	s31 =	simm.s32 @!p0 $0x0  }
0x141: {  	s0 =	ssub.s32 s0, s31  }
0x142: {  	s31 =	sshll.u32 s0, $0x7  }
0x143: {  	s23 =	ssub.s32 s23, s28;
	s0 =	sand.u32 $0x1FFFFF80, s31  }
0x144: {  	s28 =	sadd.s32 $0xFFFFFFFD, s21;
	s0 =	sadd.s32 s2, s0;
	[tilespmem:v17+s15+$0x0] =	vst.idx.msk $0xffff, v16;
	v16 =	vadd.s32 s23, v0  }
0x145: {  	v17 =	vmov s28;
	[tilespmem:s14], [sflag:$0x4] =	stream.strided.gather [hbm4b:s0+s9], $0x2000, s10, s9, $0x38;
	[tilespmem:$0xA080] =	vst v63  }
0x146: {  	v17 =	vand.u32 $0x7C, v17;
	_ =	swait.ge [sflag:s8], $0x2000  }
0x147: {  	v17 =	vbroadcast v17, $0x0;
	[sflag:s8] =	ssyncset.done $0x0  }
0x148: {  	[sflag:s8] =	ssyncadd.s32 $0xFFFFE000  }
0x149: {  	v37 =	vor.u32 v0, v17;
	v16 =	vld.idx.msk [tilespmem:v16+s11+$0x0], $0xffff  }
0x14a: {  	v38 =	vadd.s32 s23, v1;
	_ =	sdelay $0x3  }
0x14b: {  	[tilespmem:v37+s15+$0x0] =	vst.idx.msk $0xffff, v16  }
0x14c: {  	v39 =	vor.u32 v1, v17;
	v16 =	vld.idx.msk [tilespmem:v38+s11+$0x0], $0xffff  }
0x14d: {  	v40 =	vadd.s32 s23, v2;
	_ =	sdelay $0x3  }
0x14e: {  	[tilespmem:v39+s15+$0x0] =	vst.idx.msk $0xffff, v16  }
0x14f: {  	v41 =	vor.u32 v2, v17;
	v16 =	vld.idx.msk [tilespmem:v40+s11+$0x0], $0xffff  }
0x150: {  	v42 =	vadd.s32 s23, v3;
	_ =	sdelay $0x3  }
0x151: {  	[tilespmem:v41+s15+$0x0] =	vst.idx.msk $0xffff, v16  }
0x152: {  	v17 =	vor.u32 v3, v17;
	v16 =	vld.idx.msk [tilespmem:v42+s11+$0x0], $0xffff;
	_ =	sdelay $0x2  }
0x153: {  	s24 =	ssub.s32 s24, s29  }
0x154: {  	v43 =	vadd.s32 s24, v4;
	s28 =	sadd.s32 $0xFFFFFFFE, s21  }
0x155: {  	[tilespmem:v17+s15+$0x0] =	vst.idx.msk $0xffff, v16;
	v16 =	vmov s28  }
0x156: {  	_ =	swait.ge [sflag:s16], $0x2000;
	v16 =	vand.u32 $0x7D, v16  }
0x157: {  	[sflag:s16] =	ssyncset.done $0x0;
	v16 =	vbroadcast v16, $0x0  }
0x158: {  	[sflag:s16] =	ssyncadd.s32 $0xFFFFE000  }
0x159: {  	v17 =	vld.idx.msk [tilespmem:v43+s11+$0x0], $0xffff;
	v44 =	vor.u32 v0, v16  }
0x15a: {  	v45 =	vadd.s32 s24, v5;
	_ =	sdelay $0x3  }
0x15b: {  	[tilespmem:v44+s15+$0x0] =	vst.idx.msk $0xffff, v17  }
0x15c: {  	v46 =	vor.u32 v1, v16;
	v17 =	vld.idx.msk [tilespmem:v45+s11+$0x0], $0xffff  }
0x15d: {  	v47 =	vadd.s32 s24, v6;
	_ =	sdelay $0x3  }
0x15e: {  	[tilespmem:v46+s15+$0x0] =	vst.idx.msk $0xffff, v17  }
0x15f: {  	v48 =	vor.u32 v2, v16;
	v17 =	vld.idx.msk [tilespmem:v47+s11+$0x0], $0xffff  }
0x160: {  	v49 =	vadd.s32 s24, v7;
	_ =	sdelay $0x3  }
0x161: {  	[tilespmem:v48+s15+$0x0] =	vst.idx.msk $0xffff, v17  }
0x162: {  	v16 =	vor.u32 v3, v16;
	v17 =	vld.idx.msk [tilespmem:v49+s11+$0x0], $0xffff;
	_ =	sdelay $0x2  }
0x163: {  	s29 =	ssub.s32 s25, s30  }
0x164: {  	s30 =	sadd.s32 $0xFFFFFFFF, s21;
	v50 =	vadd.s32 s29, v8  }
0x165: {  	[tilespmem:v16+s15+$0x0] =	vst.idx.msk $0xffff, v17;
	v16 =	vmov s30  }
0x166: {  	_ =	swait.ge [sflag:s17], $0x2000;
	v16 =	vand.u32 $0x7E, v16  }
0x167: {  	[sflag:s17] =	ssyncset.done $0x0;
	v16 =	vbroadcast v16, $0x0  }
0x168: {  	[sflag:s17] =	ssyncadd.s32 $0xFFFFE000  }
0x169: {  	v17 =	vld.idx.msk [tilespmem:v50+s11+$0x0], $0xffff;
	v51 =	vor.u32 v0, v16  }
0x16a: {  	v52 =	vadd.s32 s29, v9;
	_ =	sdelay $0x3  }
0x16b: {  	[tilespmem:v51+s15+$0x0] =	vst.idx.msk $0xffff, v17  }
0x16c: {  	v53 =	vor.u32 v1, v16;
	v17 =	vld.idx.msk [tilespmem:v52+s11+$0x0], $0xffff  }
0x16d: {  	v54 =	vadd.s32 s29, v10;
	_ =	sdelay $0x3  }
0x16e: {  	[tilespmem:v53+s15+$0x0] =	vst.idx.msk $0xffff, v17  }
0x16f: {  	v55 =	vor.u32 v2, v16;
	v17 =	vld.idx.msk [tilespmem:v54+s11+$0x0], $0xffff  }
0x170: {  	v56 =	vadd.s32 s29, v11;
	_ =	sdelay $0x3  }
0x171: {  	[tilespmem:v55+s15+$0x0] =	vst.idx.msk $0xffff, v17  }
0x172: {  	v16 =	vor.u32 v3, v16;
	v17 =	vld.idx.msk [tilespmem:v56+s11+$0x0], $0xffff;
	_ =	sdelay $0x2  }
0x173: {  	s31 =	ssub.s32 s26, s31  }
0x174: {  	v57 =	vadd.s32 s31, v12  }
0x175: {  	[tilespmem:v16+s15+$0x0] =	vst.idx.msk $0xffff, v17;
	v16 =	vmov s21  }
0x176: {  	_ =	swait.ge [sflag:s18], $0x2000;
	v16 =	vand.u32 $0x7F, v16  }
0x177: {  	[sflag:s18] =	ssyncset.done $0x0;
	v16 =	vbroadcast v16, $0x0  }
0x178: {  	[sflag:s18] =	ssyncadd.s32 $0xFFFFE000  }
0x179: {  	v17 =	vld.idx.msk [tilespmem:v57+s11+$0x0], $0xffff;
	v58 =	vor.u32 v0, v16  }
0x17a: {  	v59 =	vadd.s32 s31, v13;
	_ =	sdelay $0x3  }
0x17b: {  	[tilespmem:v58+s15+$0x0] =	vst.idx.msk $0xffff, v17  }
0x17c: {  	v60 =	vor.u32 v1, v16;
	v17 =	vld.idx.msk [tilespmem:v59+s11+$0x0], $0xffff  }
0x17d: {  	v61 =	vadd.s32 s31, v14;
	_ =	sdelay $0x3  }
0x17e: {  	[tilespmem:v60+s15+$0x0] =	vst.idx.msk $0xffff, v17  }
0x17f: {  	v62 =	vor.u32 v2, v16;
	v17 =	vld.idx.msk [tilespmem:v61+s11+$0x0], $0xffff  }
0x180: {  	v63 =	vadd.s32 s31, v15;
	_ =	sdelay $0x3  }
0x181: {  	[tilespmem:v62+s15+$0x0] =	vst.idx.msk $0xffff, v17  }
0x182: {  	p0 =	sne.s32 s21, $0x7F;
	v16 =	vor.u32 v3, v16;
	v17 =	vld.idx.msk [tilespmem:v63+s11+$0x0], $0xffff  }
.Ltmp0:
0x183: {  	_ = 	snop;
	(pc) =	sbr.rel @p0 .LBB2_2-.Ltmp0, $2  }
0x184: {  	_ =	sdelay $0x2  }
0x185: {  	s22 =	sadd.s32 $0x10, s22;
	s21 =	sadd.s32 $0x10, s21;
	[tilespmem:v16+s15+$0x0] =	vst.idx.msk $0xffff, v17  }
0x186: {  	s20 =	sadd.s32 $0x1, s20  }
0x187: {  	p0 =	sne.s32 s20, s6  }
.Ltmp1:
0x188: {  	_ = 	snop;
	(pc) =	sbr.rel @p0 .LBB2_1-.Ltmp1, $4  }
0x189: {  	[hbm4b:s5+s9] =	stream.strided.scatter [tilespmem:s15], [sflag:$0x5], $0x2000, s19, s9, $0x38;
	[tilespmem:$0xA080] =	vst v63  }
0x18a: {  	_ =	swait.ge [sflag:s7], $0x2000  }
0x18b: {  	[sflag:s7] =	ssyncset.done $0x0  }
0x18c: {  	[sflag:s7] =	ssyncadd.s32 $0xFFFFE000  }
0x18d: {  	_ =	sfence.sel $0x180000  }
0x18e: {  	[bflag:$0x0] =	sbarrier.arrive $0xFFFF  }
0x18f: {  	_ =	strace $0x90000047  }
0x190: {  	[bflag:$0x2] =	sbarrier.arrive $0xFFFF  }
0x191: {  	p0 =	sne.s32 s1, $0x0;
	s0 =	rddreg [dreg:$0x3]  }
0x192: {  	s0 =	sadd.s32 @!p0 $0x100000, s0  }
0x193: {  	[sflag:s0] =	ssyncadd.tile.s32 @!p0 $0x1;
	_ =	shalt  }
.Lfunc_end2:
_tile_overlayer_lowered:
.L_overlay_start_2:
0x194: {  	(tag) =	ssettag $0x2  }
0x195: {  	s0 =	rddreg [dreg:$0x0];
	s2 =	stileid.u32  }
0x196: {  	s1 =	rddreg [dreg:$0x1];
	p0 =	sne.s32 s2, $0x0  }
0x197: {  	s3 =	rddreg [dreg:$0x2];
	[bflag:$0x3] =	sbarrier.arrive $0xFFFF;
	s2 =	simm.s32 @!p0 $0x1C05  }
0x198: {  	[timem:s3], [sflag:s2] =	dma.local @!p0 [hbm:s0], s1  }
0x199: {  	s0 =	simm.s32 @!p0 $0x5  }
0x19a: {  	_ =	swait.ge @!p0 [sflag:s0], s1  }
0x19b: {  	s1 =	ssub.s32 @!p0 $0x0, s1;
	[sflag:s0] =	ssyncset.done @!p0 $0x0  }
0x19c: {  	[sflag:s0] =	ssyncadd.s32 @!p0 s1  }
0x19d: {  	[bflag:$0x3] =	sbarrier.arrive $0xFFFF  }
0x19e: {  	_ =	shalt  }

// kernel: kernel.9.cloned.1.call-start
scs
__scs_entry_jumppad:
0x0: {  	(pc) =	sbr.rel $0x88, $3  }
0x1: {  	(tag) =	ssettag $0x0;
	lr =	simm.s32 $0x1  }
0x2: {  	[smem:$0x3F93] =	sst lr;
	_ =	strace $0xD0000000  }
0x3: {  	_ = 	snop  }
0x4: {  	_ = 	snop  }
0x5: {  	_ = 	snop  }
0x6: {  	_ = 	snop  }
0x7: {  	_ = 	snop  }
__scs_overlays_trampoline_lowered:
0x8: {  	[smem:$0x3FA2] =	sst s0  }
0x9: {  	[smem:$0x3FA3] =	sst s1  }
0xa: {  	[smem:$0x3FA4] =	sst s2  }
0xb: {  	[smem:$0x3FA5] =	sst s3  }
0xc: {  	[smem:$0x3FA6] =	sst s4  }
0xd: {  	[smem:$0x3FA7] =	sst s5  }
0xe: {  	[smem:$0x3FA8] =	sst s6  }
0xf: {  	[smem:$0x3FA9] =	sst s7  }
0x10: {  	[smem:$0x3FAA] =	sst s8  }
0x11: {  	[smem:$0x3FAB] =	sst s9;
	s0 =	simm.s32 @!p0 $0x0  }
0x12: {  	s1 =	sld [smem:$0x3F91];
	s0 =	simm.s32 @p0 $0x1  }
0x13: {  	[smem:$0x3FAC] =	sst s0;
	s0 =	simm.s32 @!p1 $0x0  }
0x14: {  	s2 =	sld [smem:$0x3F90];
	s0 =	simm.s32 @p1 $0x1  }
0x15: {  	[smem:$0x3FAD] =	sst s0;
	s0 =	simm.s32 @!p2 $0x0  }
0x16: {  	s3 =	sld [smem:$0x3FDB];
	s0 =	simm.s32 @p2 $0x1  }
0x17: {  	s4 =	simm.s32 $0x1BF5;
	[smem:$0x3FAF] =	sst s0  }
0x18: {  	s0 =	sld [smem:$0x3F92];
	_ =	swait.ge [sflag:s4], $0x0  }
0x19: {  	s7 =	sld [smem:$0x3F93]  }
0x1a: {  	s8 =	sadd.s32 $0xFFFFE003, lr  }
0x1b: {  	s9 =	sadd.s32 $0xFFFFFEF7, lr;
	s5 =	simm.s32 $0xFFFFFFFF;
	p2 =	slt.u32 s8, $0xFFFFF086  }
0x1c: {  	p1 =	slt.u32 s9, $0xF7A;
	s5 =	simm.s32 @!p2 $0x0  }
0x1d: {  	s5 =	simm.s32 @p1 $0x1;
	p0 =	seq.s32 s7, s2  }
0x1e: {  	s7 =	smul.u32 @!p0 $0xF7A, s2;
	p2 =	seq.s32 @!p0 s5, $0x0  }
0x1f: {  	s9 =	smul.u32 $0xF7A, s1;
	s8 =	simm.s32 @!p0 $0x1BF5;
	p2 =	por !p2, p0  }
0x20: {  	[sflag:s8] =	ssyncset.s32 @!p0 $0xFFFFF086;
	s6 =	sadd.s32 @!p0 s3, s7;
	s7 =	simm.s32 @!p0 $0x108  }
0x21: {  	s3 =	sadd.s32 s3, s9;
	s6 =	sadd.s32 @!p0 $0x88, s6;
	s7 =	simm.s32 @p2 $0x1082  }
0x22: {  	[simem:s7], [sflag:s8] =	dma.local @!p0 [hbm:s6], $0xF7A  }
0x23: {  	s9 =	sor.u32 $0xD0000000, s2;
	s6 =	simm.s32 $0x108;
	_ =	swait.ge @!p0 [sflag:s8], $0x0  }
0x24: {  	s3 =	sadd.s32 $0x88, s3;
	s6 =	simm.s32 @!p1 $0x1082;
	[sflag:s4] =	ssyncset.s32 $0xFFFFF086  }
0x25: {  	[simem:s6], [sflag:s4] =	dma.local [hbm:s3], $0xF7A  }
0x26: {  	[smem:$0x3F93] =	sst s1;
	(tag) =	ssettag s2;
	_ =	strace s9  }
0x27: {  	s1 =	sld [smem:$0x3FA3]  }
0x28: {  	s2 =	sld [smem:$0x3FA4]  }
0x29: {  	s4 =	sld [smem:$0x3FA6]  }
0x2a: {  	p0 =	seq.s32 s5, $0x0;
	s5 =	sld [smem:$0x3FA7]  }
0x2b: {  	s6 =	sld [smem:$0x3FA8]  }
0x2c: {  	s7 =	sld [smem:$0x3FA9]  }
0x2d: {  	s3 =	simm.s32 $0x108;
	s8 =	sld [smem:$0x3FAA]  }
0x2e: {  	s3 =	simm.s32 @!p0 $0x1082;
	s9 =	sld [smem:$0x3FAB]  }
0x2f: {  	lr =	sadd.s32 s0, s3;
	s0 =	sld [smem:$0x3FA2]  }
0x30: {  	s3 =	sld [smem:$0x3FA5]  }
0x31: {  	[smem:$0x3FAE] =	sst s10  }
0x32: {  	s10 =	sld [smem:$0x3FAC];
	_ =	sdelay $0x3  }
0x33: {  	p0 =	seq.s32 s10, $0x1;
	s10 =	sld [smem:$0x3FAE];
	_ =	sdelay $0x3  }
0x34: {  	[smem:$0x3FAE] =	sst s10  }
0x35: {  	s10 =	sld [smem:$0x3FAD];
	_ =	sdelay $0x3  }
0x36: {  	p1 =	seq.s32 s10, $0x1;
	s10 =	sld [smem:$0x3FAE];
	_ =	sdelay $0x3  }
0x37: {  	[smem:$0x3FAE] =	sst s10  }
0x38: {  	s10 =	sld [smem:$0x3FAF]  }
0x39: {  	_ = 	snop;
	(pc) =	sbr.ind lr, $3  }
0x3a: {  	_ = 	snop  }
0x3b: {  	_ = 	snop  }
0x3c: {  	p2 =	seq.s32 s10, $0x1;
	s10 =	sld [smem:$0x3FAE]  }
0x3d: {  	_ =	shalt  }
0x3e: {  	_ =	shalt  }
0x3f: {  	_ =	shalt  }
0x40: {  	_ =	shalt  }
0x41: {  	_ =	shalt  }
0x42: {  	_ =	shalt  }
0x43: {  	_ =	shalt  }
0x44: {  	_ =	shalt  }
0x45: {  	_ =	shalt  }
0x46: {  	_ =	shalt  }
0x47: {  	_ =	shalt  }
0x48: {  	_ =	shalt  }
0x49: {  	_ =	shalt  }
0x4a: {  	_ =	shalt  }
0x4b: {  	_ =	shalt  }
0x4c: {  	_ =	shalt  }
0x4d: {  	_ =	shalt  }
0x4e: {  	_ =	shalt  }
0x4f: {  	_ =	shalt  }
0x50: {  	_ =	shalt  }
0x51: {  	_ =	shalt  }
0x52: {  	_ =	shalt  }
0x53: {  	_ =	shalt  }
0x54: {  	_ =	shalt  }
0x55: {  	_ =	shalt  }
0x56: {  	_ =	shalt  }
0x57: {  	_ =	shalt  }
0x58: {  	_ =	shalt  }
0x59: {  	_ =	shalt  }
0x5a: {  	_ =	shalt  }
0x5b: {  	_ =	shalt  }
0x5c: {  	_ =	shalt  }
0x5d: {  	_ =	shalt  }
0x5e: {  	_ =	shalt  }
0x5f: {  	_ =	shalt  }
0x60: {  	_ =	shalt  }
0x61: {  	_ =	shalt  }
0x62: {  	_ =	shalt  }
0x63: {  	_ =	shalt  }
0x64: {  	_ =	shalt  }
0x65: {  	_ =	shalt  }
0x66: {  	_ =	shalt  }
0x67: {  	_ =	shalt  }
0x68: {  	_ =	shalt  }
0x69: {  	_ =	shalt  }
0x6a: {  	_ =	shalt  }
0x6b: {  	_ =	shalt  }
0x6c: {  	_ =	shalt  }
0x6d: {  	_ =	shalt  }
0x6e: {  	_ =	shalt  }
0x6f: {  	_ =	shalt  }
0x70: {  	_ =	shalt  }
0x71: {  	_ =	shalt  }
0x72: {  	_ =	shalt  }
0x73: {  	_ =	shalt  }
0x74: {  	_ =	shalt  }
0x75: {  	_ =	shalt  }
0x76: {  	_ =	shalt  }
0x77: {  	_ =	shalt  }
0x78: {  	_ =	shalt  }
0x79: {  	_ =	shalt  }
0x7a: {  	_ =	shalt  }
0x7b: {  	_ =	shalt  }
0x7c: {  	_ =	shalt  }
0x7d: {  	_ =	shalt  }
0x7e: {  	_ =	shalt  }
0x7f: {  	_ =	shalt  }
0x80: {  	_ =	shalt  }
0x81: {  	_ =	shalt  }
0x82: {  	_ =	shalt  }
0x83: {  	_ =	shalt  }
0x84: {  	_ =	shalt  }
0x85: {  	_ =	shalt  }
0x86: {  	_ =	shalt  }
0x87: {  	_ =	shalt  }
.Lfunc_end0:
.L_simem_size_0:
called_computation.1_lowered:
.L_overlay_start_0:
0x88: {  	s2 =	sld [smem:$0x3FD9]  }
0x89: {  	s3 =	sld [smem:$0x3FFE];
	_ =	sdelay $0x1  }
0x8a: {  	s1 =	srdreg.scid  }
0x8b: {  	s0 =	sand.u32 $0x1, s1  }
0x8c: {  	s16 =	sshll.u32 s0, $0xA;
	s2 =	sadd.s32 s3, s2  }
0x8d: {  	s2 =	sadd.s32 s2, s16  }
0x8e: {  	[smem:$0x3FBA] =	sst s2  }
0x8f: {  	_ = 	snop  }
0x90: {  	(tm) =	ssettm $0x1  }
0x91: {  	s17 =	sld [smem:$0x3FFB];
	_ =	sdelay $0x3  }
0x92: {  	_ =	strace s17  }
0x93: {  	s2 =	sld [smem:$0x3FFC];
	_ =	sdelay $0x3  }
0x94: {  	_ =	strace s2  }
0x95: {  	s2 =	sld [smem:$0x3FFD];
	_ =	sdelay $0x3  }
0x96: {  	_ =	strace s2  }
0x97: {  	_ =	strace $0x8FFFFFFF  }
0x98: {  	s18 =	sld [smem:$0x3FDB];
	_ =	sdelay $0x1  }
0x99: {  	s19 =	simm.s32 $_scs_section_size  }
0x9a: {  	s4 =	simm.s32 $_size__tile_overlayer_lowered;
	s5 =	simm.s32 $_tile_overlayer_lowered  }
0x9b: {  	s22 =	simm.s32 $0x1BFF;
	s21 =	sshll.u32 s5, $0x1;
	s2 =	sadd.s32 s19, s18  }
0x9c: {  	s6 =	simm.s32 $0x0;
	s20 =	sshll.u32 s4, $0x1;
	s4 =	sadd.s32 s21, s2  }
0x9d: {  	[timem:s6], [sflag:s22] =	dma.local [hbm:s4], s20  }
0x9e: {  	_ =	swait.ge [sflag:s22], s20  }
0x9f: {  	s3 =	ssub.s32 $0x0, s20;
	[sflag:s22] =	ssyncset.done $0x0  }
0xa0: {  	[sflag:s22] =	ssyncadd.s32 s3;
	_ =	sdelay $0x1  }
0xa1: {  	s23 =	simm.s32 $0x1B8B  }
0xa2: {  	_ =	swait.ge [sflag:s23], $0x1  }
0xa3: {  	[sflag:s23] =	ssyncset.done $0x0  }
0xa4: {  	s25 =	simm.s32 $0x1B8E;
	s24 =	sld [smem:$0x3FFE];
	[sflag:s23] =	ssyncadd.s32 $0xFFFFFFFF  }
0xa5: {  	s26 =	simm.s32 $execute0_lowered;
	[smem:$0x3FD2] =	sst s25  }
0xa6: {  	s4 =	sshll.u32 s26, $0x1;
	_ =	strace $0x80000049;
	[dreg:$0x1] =	wrdreg $0xFFFFFFFF  }
0xa7: {  	s28 =	simm.s32 $_size_execute0_lowered;
	s2 =	sadd.s32 s2, s4;
	[dreg:$0x0] =	wrdreg $0x0  }
0xa8: {  	s4 =	sshll.u32 s28, $0x1;
	[dreg:$0x2] =	wrdreg s2  }
0xa9: {  	[dreg:$0x3] =	wrdreg s4  }
0xaa: {  	[dreg:$0x4] =	wrdreg $0xC0  }
0xab: {  	_ =	task [dreg:s6], $0x5FFFF  }
0xac: {  	[dreg:$0x1] =	wrdreg $0xFFFFFFFF  }
0xad: {  	[dreg:$0x0] =	wrdreg $0x60  }
0xae: {  	[dreg:$0x2] =	wrdreg s24  }
0xaf: {  	[dreg:$0x3] =	wrdreg $0x9  }
0xb0: {  	_ =	task.clear_ibuf [dreg:s6], $0x4FFFF;
	_ =	strace $0x90000049  }
0xb1: {  	s29 =	simm.s32 $0x9;
	_ =	strace $0x8000004B  }
0xb2: {  	_ =	swait.ge [sflag:s29], $0x1  }
0xb3: {  	[sflag:s29] =	ssyncadd.s32 $0xFFFFFFFF  }
0xb4: {  	_ =	strace $0x9000004B  }
0xb5: {  	_ =	sfence  }
0xb6: {  	s30 =	sld [smem:$0x0];
	_ =	sdelay $0x2  }
0xb7: {  	s31 =	sshll.u32 s1, $0xD;
	s1 =	sshrl.u32 s1, $0x2  }
0xb8: {  	s3 =	sand.u32 $0x4000, s31;
	s1 =	sadd.s32 s1, s30  }
0xb9: {  	s0 =	sor.u32 s3, s0;
	s1 =	sshll.u32 s1, $0x11  }
0xba: {  	s0 =	sor.u32 s1, s0  }
0xbb: {  	s0 =	sadd.s32 $0x8F2B, s0  }
0xbc: {  	[sflag:s0] =	ssyncadd.remote.s32 $0x1  }
0xbd: {  	_ =	sfence.sel $0xFFFF  }
0xbe: {  	[dreg:$0x0] =	wrdreg $0xFFFFFFFF;
	(pc) =	sbr.abs _section_cstart, $3  }
0xbf: {  	[dreg:$0x1] =	wrdreg $0xFFFFFFFF  }
0xc0: {  	_ =	task.clear_ibuf [dreg:s6], $0x2FFFF;
	_ =	strace $0x9FFFFFFF  }
0xc1: {  	(tm) =	ssettm $0x7FFFFFFF  }
tec
execute0_lowered:
.L_overlay_start_1:
0x0: {  	(tag) =	ssettag $0x1  }
0x1: {  	s5 =	rddreg [dreg:$0x0]  }
0x2: {  	s2 =	srdreg.scid;
	s0 =	rddreg [dreg:$0x1]  }
0x3: {  	s1 =	stileid.u32;
	s12 =	simm.s32 $0x1000;
	s13 =	simm.s32 $0x4  }
0x4: {  	s14 =	simm.s32 $0xA400;
	s15 =	simm.s32 $0xA680;
	s16 =	simm.s32 $0x6400  }
0x5: {  	s17 =	simm.s32 $0x3200;
	s18 =	simm.s32 $0x8400;
	s19 =	simm.s32 $0x1  }
0x6: {  	s20 =	simm.s32 $0xA480;
	s21 =	simm.s32 $0xA500;
	s22 =	simm.s32 $0xA580  }
0x7: {  	s23 =	simm.s32 $0xA600;
	s24 =	simm.s32 $0x2;
	s25 =	simm.s32 $0x3  }
0x8: {  	s26 =	simm.s32 $0x0;
	s4 =	sand.u32 $0x1, s2;
	s2 =	simm.s32 $0x0  }
0x9: {  	s3 =	sshll.u32 s1, $0x8;
	s6 =	sshll.u32 s4, $0x7;
	[smem:$0x7FF] =	sst s2  }
0xa: {  	s8 =	ssub.s32 $0x2, s4;
	s4 =	sadd.s32 $0x24A00, s5;
	s6 =	sor.u32 s6, s3  }
0xb: {  	_ =	strace $0x8000004A;
	s9 =	sshrl.u32 s8, $0x1;
	s3 =	sshrl.u32 s6, $0x3  }
0xc: {  	s6 =	sshll.u32 s6, $0x3;
	s11 =	ssub.s32 s8, s9;
	s7 =	sadd.s32 s3, s5  }
0xd: {  	s3 =	sadd.s32 $0x1AB600, s5;
	s10 =	sadd.s32 s6, s5;
	s5 =	sadd.s32 $0xAA00, s7  }
0xe: {  	s6 =	sadd.s32 $0x23A00, s7;
	s7 =	sadd.s32 $0x26A00, s10;
	s8 =	sadd.s32 $0x36A00, s10  }
0xf: {  	s9 =	sadd.s32 $0x2EA00, s10;
	s10 =	smax.u32 s11, $0x1;
	s11 =	simm.s32 $0x80  }
.LBB2_1:
0x10: {  	[tilespmem:s2], [sflag:$0x4] =	stream.strided.gather [hbm4b:s5+s11], $0x6400, s12, s11, $0x38;
	[tilespmem:$0xC680] =	vst v63  }
0x11: {  	_ =	swait.ge [sflag:s13], $0x6400  }
0x12: {  	[sflag:s13] =	ssyncset.done $0x0  }
0x13: {  	[sflag:s13] =	ssyncadd.s32 $0xFFFF9C00  }
0x14: {  	[tilespmem:s14], [sflag:$0x4] =	stream.strided.gather [hbm4b:s6+s11], $0x280, s12, s11, $0x38;
	[tilespmem:$0xC680] =	vst v63  }
0x15: {  	_ =	swait.ge [sflag:s13], $0x280  }
0x16: {  	[sflag:s13] =	ssyncset.done $0x0  }
0x17: {  	[sflag:s13] =	ssyncadd.s32 $0xFFFFFD80  }
0x18: {  	[tilespmem:s15], [sflag:$0x1] =	stream.indirect.gather [hbm4b:s4+s11], $0x40, s14, s11, $0xb8;
	[tilespmem:$0xC680] =	vst v63  }
0x19: {  	_ = 	snop  }
0x1a: {  	[tilespmem:s16], [sflag:$0x2] =	stream.indirect.gather [hbm4b:s3+s11], $0x40, s2, s11, $0xb8;
	[tilespmem:$0xC680] =	vst v63  }
0x1b: {  	_ = 	snop  }
0x1c: {  	[tilespmem:s18], [sflag:$0x3] =	stream.indirect.gather [hbm4b:s3+s11], $0x40, s17, s11, $0xb8;
	[tilespmem:$0xC680] =	vst v63  }
0x1d: {  	_ =	swait.ge [sflag:s19], $0x2000  }
0x1e: {  	[sflag:s19] =	ssyncset.done $0x0  }
0x1f: {  	[sflag:s19] =	ssyncadd.s32 $0xFFFFE000  }
0x20: {  	[tilespmem:s15], [sflag:$0x1] =	stream.indirect.gather.add.f32 [hbm:s4], $0x40, s20, s11, $0xb8;
	[tilespmem:$0xC680] =	vst v63  }
0x21: {  	_ = 	snop  }
0x22: {  	[tilespmem:s15], [sflag:$0x1] =	stream.indirect.gather.add.f32 [hbm:s4], $0x40, s21, s11, $0xb8;
	[tilespmem:$0xC680] =	vst v63  }
0x23: {  	_ = 	snop  }
0x24: {  	[tilespmem:s15], [sflag:$0x1] =	stream.indirect.gather.add.f32 [hbm:s4], $0x40, s22, s11, $0xb8;
	[tilespmem:$0xC680] =	vst v63  }
0x25: {  	_ = 	snop  }
0x26: {  	[tilespmem:s15], [sflag:$0x1] =	stream.indirect.gather.add.f32 [hbm:s4], $0x40, s23, s11, $0xb8;
	[tilespmem:$0xC680] =	vst v63  }
0x27: {  	_ =	swait.ge [sflag:s24], $0x2000  }
0x28: {  	[sflag:s24] =	ssyncset.done $0x0  }
0x29: {  	[sflag:s24] =	ssyncadd.s32 $0xFFFFE000  }
0x2a: {  	_ =	swait.ge [sflag:s25], $0x2000  }
0x2b: {  	[sflag:s25] =	ssyncset.done $0x0  }
0x2c: {  	s28 =	simm.s32 $0x80;
	[sflag:s25] =	ssyncadd.s32 $0xFFFFE000  }
0x2d: {  	[tilespmem:s16], [sflag:$0x2] =	stream.indirect.gather.add.f32 [hbm:s3], $0x40, s28, s11, $0xb8;
	[tilespmem:$0xC680] =	vst v63  }
0x2e: {  	s29 =	simm.s32 $0x3280;
	s28 =	simm.s32 $0x400  }
.LBB2_2:
0x2f: {  	[tilespmem:s18], [sflag:$0x3] =	stream.indirect.gather.add.f32 [hbm:s3], $0x40, s29, s11, $0xb8;
	[tilespmem:$0xC680] =	vst v63  }
0x30: {  	s29 =	smov.u32 s28;
	p0 =	sne.s32 s28, $0xC600  }
.Ltmp0:
0x31: {  	s28 =	sadd.s32 $0x200, s28;
	(pc) =	sbr.rel @p0 .LBB2_2-.Ltmp0, $4  }
0x32: {  	_ = 	snop  }
0x33: {  	s29 =	sshra.s32 s29, $0x2  }
0x34: {  	[tilespmem:s16], [sflag:$0x2] =	stream.indirect.gather.add.f32 [hbm:s3], $0x40, s29, s11, $0xb8;
	[tilespmem:$0xC680] =	vst v63  }
0x35: {  	s29 =	sadd.s32 $0x3200, s29  }
0x36: {  	[tilespmem:s18], [sflag:$0x3] =	stream.indirect.gather.add.f32 [hbm:s3], $0x40, s29, s11, $0xb8;
	[tilespmem:$0xC680] =	vst v63  }
0x37: {  	_ =	swait.ge [sflag:s19], $0x2000  }
0x38: {  	[sflag:s19] =	ssyncset.done $0x0  }
0x39: {  	[sflag:s19] =	ssyncadd.s32 $0xFFFFE000  }
0x3a: {  	_ =	swait.ge [sflag:s19], $0x2000  }
0x3b: {  	[sflag:s19] =	ssyncset.done $0x0  }
0x3c: {  	[sflag:s19] =	ssyncadd.s32 $0xFFFFE000  }
0x3d: {  	_ =	swait.ge [sflag:s19], $0x2000  }
0x3e: {  	[sflag:s19] =	ssyncset.done $0x0  }
0x3f: {  	[sflag:s19] =	ssyncadd.s32 $0xFFFFE000  }
0x40: {  	_ =	swait.ge [sflag:s19], $0x2000  }
0x41: {  	[sflag:s19] =	ssyncset.done $0x0  }
0x42: {  	[sflag:s19] =	ssyncadd.s32 $0xFFFFE000  }
0x43: {  	[hbm4b:s7+s2] =	stream.linear.scatter [tilespmem:s15], [sflag:$0x4], $0x2000, $0x38;
	[tilespmem:$0xC680] =	vst v63  }
0x44: {  	_ =	swait.ge [sflag:s13], $0x2000  }
0x45: {  	[sflag:s13] =	ssyncset.done $0x0  }
0x46: {  	[sflag:s13] =	ssyncadd.s32 $0xFFFFE000  }
0x47: {  	_ =	swait.ge [sflag:s24], $0x2000  }
0x48: {  	[sflag:s24] =	ssyncset.done $0x0  }
0x49: {  	[sflag:s24] =	ssyncadd.s32 $0xFFFFE000  }
0x4a: {  	_ =	swait.ge [sflag:s25], $0x2000  }
0x4b: {  	s28 =	simm.s32 $0x62;
	[sflag:s25] =	ssyncset.done $0x0  }
.LBB2_4:
0x4c: {  	p0 =	sne.s32 s28, $0x1;
	s28 =	sadd.s32 $0xFFFFFFFF, s28;
	[sflag:s25] =	ssyncadd.s32 $0xFFFFE000  }
.Ltmp1:
0x4d: {  	_ =	swait.ge [sflag:s24], $0x2000;
	(pc) =	sbr.rel @p0 .LBB2_4-.Ltmp1, $4  }
0x4e: {  	[sflag:s24] =	ssyncset.done $0x0  }
0x4f: {  	[sflag:s24] =	ssyncadd.s32 $0xFFFFE000  }
0x50: {  	_ =	swait.ge [sflag:s25], $0x2000  }
0x51: {  	[sflag:s25] =	ssyncset.done $0x0  }
0x52: {  	[sflag:s25] =	ssyncadd.s32 $0xFFFFE000  }
0x53: {  	[hbm4b:s8+s2] =	stream.linear.scatter [tilespmem:s16], [sflag:$0x4], $0x2000, $0x38;
	[tilespmem:$0xC680] =	vst v63  }
0x54: {  	s26 =	sadd.s32 $0x1, s26;
	_ =	swait.ge [sflag:s13], $0x2000  }
0x55: {  	p0 =	sne.s32 s26, s10;
	[sflag:s13] =	ssyncset.done $0x0  }
.Ltmp2:
0x56: {  	[sflag:s13] =	ssyncadd.s32 $0xFFFFE000;
	(pc) =	sbr.rel @p0 .LBB2_1-.Ltmp2, $4  }
0x57: {  	[hbm4b:s9+s2] =	stream.linear.scatter [tilespmem:s18], [sflag:$0x4], $0x2000, $0x38;
	[tilespmem:$0xC680] =	vst v63  }
0x58: {  	_ =	swait.ge [sflag:s13], $0x2000  }
0x59: {  	[sflag:s13] =	ssyncset.done $0x0  }
0x5a: {  	[sflag:s13] =	ssyncadd.s32 $0xFFFFE000  }
0x5b: {  	_ =	sfence.sel $0x180000  }
0x5c: {  	[bflag:$0x0] =	sbarrier.arrive $0xFFFF  }
0x5d: {  	p0 =	sne.s32 s1, $0x0;
	_ =	strace $0x9000004A  }
0x5e: {  	s0 =	sadd.s32 @!p0 $0x100000, s0;
	[bflag:$0x2] =	sbarrier.arrive $0xFFFF  }
0x5f: {  	[sflag:s0] =	ssyncadd.tile.s32 @!p0 $0x1;
	_ =	shalt  }
.Lfunc_end2:
_tile_overlayer_lowered:
.L_overlay_start_2:
0x60: {  	(tag) =	ssettag $0x2  }
0x61: {  	s0 =	rddreg [dreg:$0x0];
	s2 =	stileid.u32  }
0x62: {  	s1 =	rddreg [dreg:$0x1];
	p0 =	sne.s32 s2, $0x0  }
0x63: {  	s3 =	rddreg [dreg:$0x2];
	[bflag:$0x3] =	sbarrier.arrive $0xFFFF;
	s2 =	simm.s32 @!p0 $0x1C04  }
0x64: {  	[timem:s3], [sflag:s2] =	dma.local @!p0 [hbm:s0], s1  }
0x65: {  	s0 =	simm.s32 @!p0 $0x4  }
0x66: {  	_ =	swait.ge @!p0 [sflag:s0], s1  }
0x67: {  	s1 =	ssub.s32 @!p0 $0x0, s1;
	[sflag:s0] =	ssyncset.done @!p0 $0x0  }
0x68: {  	[sflag:s0] =	ssyncadd.s32 @!p0 s1  }
0x69: {  	[bflag:$0x3] =	sbarrier.arrive $0xFFFF  }
0x6a: {  	_ =	shalt  }

</sc_bundles>
